<compile_context>
chip_gen: v7x
topology: tpu7x:2x2x1
jax: 0.10.2.dev20260603
libtpu: 0.0.44.dev20260713+nightly
codegen_flags: <defaults>
</compile_context>

<pallas_src>
import functools

import jax
import jax.numpy as jnp
from jax import lax
from jax.experimental import pallas as pl
from jax.experimental.pallas import tpu as pltpu
from jax.experimental.pallas import tpu_sc as plsc

N = 10000
E = 320000
D = 128

NC = 2
NS = 16
NW = NC * NS
EPW = E // NW
C = 80
NCHUNK = EPW // C
NBUF = 5
NGRP = NCHUNK // NBUF
SB = 2
NIT = 31
PTAIL = NCHUNK - NIT * 2 * SB
NPD = 10240
RPT = NPD // NS
DPT = NPD // NS

_mesh = plsc.VectorSubcoreMesh(core_axis_name="c", subcore_axis_name="s",
                               num_cores=NC, num_subcores=NS)


def _deg_body(dst_hbm, zeros_hbm, ones_hbm, deg_out, dst_v, ones_v, acc_sh,
              sem_i, sem_s):
    c = lax.axis_index("c")
    s = lax.axis_index("s")
    wid = s * NC + c
    pltpu.sync_copy(zeros_hbm.at[pl.ds(s * DPT, DPT)], acc_sh.at[pl.ds(s * DPT, DPT)])
    pltpu.sync_copy(ones_hbm, ones_v)
    plsc.subcore_barrier()
    base = wid * EPW

    for b in range(NBUF):
        pltpu.async_copy(dst_hbm.at[pl.ds(base + b * C, C)], dst_v.at[b], sem_i)

    def body(g, carry):
        for b in range(NBUF):
            pltpu.make_async_copy(dst_hbm.at[pl.ds(0, C)], dst_v.at[b], sem_i).wait()
        descs = [pltpu.async_copy(ones_v, acc_sh.at[dst_v.at[b]], sem_s, add=True)
                 for b in range(NBUF)]
        for d in descs:
            d.wait()

        @pl.when(g < NGRP - 1)
        def _():
            for b in range(NBUF):
                off = base + ((g + 1) * NBUF + b) * C
                pltpu.async_copy(dst_hbm.at[pl.ds(off, C)], dst_v.at[b], sem_i)
        return carry

    lax.fori_loop(0, NGRP, body, 0)
    plsc.subcore_barrier()
    pltpu.sync_copy(acc_sh.at[pl.ds(s * DPT, DPT)],
                    deg_out.at[c, pl.ds(s * DPT, DPT)])


_deg_kernel = functools.partial(
    pl.kernel,
    out_type=jax.ShapeDtypeStruct((NC, NPD), jnp.float32),
    mesh=_mesh,
    scratch_types=[
        pltpu.VMEM((NBUF, C), jnp.int32),
        pltpu.VMEM((C,), jnp.float32),
        pltpu.VMEM_SHARED((NPD,), jnp.float32),
        pltpu.SemaphoreType.DMA,
        pltpu.SemaphoreType.DMA,
    ],
)(_deg_body)


def _prop_body(src_hbm, dst_hbm, y_hbm, zeros_hbm, acc_out,
               idx_s, idx_d, rows, acc_sh, sem_i, sem_g, sem_s):
    c = lax.axis_index("c")
    s = lax.axis_index("s")
    wid = s * NC + c
    pltpu.sync_copy(zeros_hbm.at[pl.ds(s * RPT, RPT)], acc_sh.at[pl.ds(s * RPT, RPT)])
    plsc.subcore_barrier()
    base = wid * EPW

    def fire_idx(setn, cstart):
        for b in range(SB):
            off = base + (cstart + b) * C
            pltpu.async_copy(src_hbm.at[pl.ds(off, C)], idx_s.at[setn, b], sem_i)
            pltpu.async_copy(dst_hbm.at[pl.ds(off, C)], idx_d.at[setn, b], sem_i)

    def drain_idx(setn):
        for b in range(SB):
            pltpu.make_async_copy(src_hbm.at[pl.ds(0, C)], idx_s.at[setn, b],
                                  sem_i).wait()
            pltpu.make_async_copy(dst_hbm.at[pl.ds(0, C)], idx_d.at[setn, b],
                                  sem_i).wait()

    def fire_gather(setn):
        for b in range(SB):
            pltpu.async_copy(y_hbm.at[idx_s.at[setn, b]], rows.at[setn, b], sem_g)

    def drain_gather(setn):
        for b in range(SB):
            pltpu.make_async_copy(y_hbm.at[idx_s.at[setn, b]], rows.at[setn, b],
                                  sem_g).wait()

    def fire_scatter(setn):
        for b in range(SB):
            pltpu.async_copy(rows.at[setn, b], acc_sh.at[idx_d.at[setn, b]],
                             sem_s, add=True)

    def drain_scatter(setn):
        for b in range(SB):
            pltpu.make_async_copy(rows.at[setn, b], acc_sh.at[idx_d.at[setn, b]],
                                  sem_s).wait()

    fire_idx(0, 0)

    def body(k, carry):
        drain_idx(0)
        fire_gather(0)

        @pl.when(k > 0)
        def _():
            drain_scatter(1)

        fire_idx(1, k * 2 * SB + SB)
        drain_gather(0)
        fire_scatter(0)
        drain_idx(1)
        fire_gather(1)
        drain_scatter(0)

        @pl.when(k < NIT - 1)
        def _():
            fire_idx(0, (k + 1) * 2 * SB)

        drain_gather(1)
        fire_scatter(1)
        return carry

    lax.fori_loop(0, NIT, body, 0)
    drain_scatter(1)
    for t in range(PTAIL):
        off = base + (NIT * 2 * SB + t) * C
        pltpu.sync_copy(src_hbm.at[pl.ds(off, C)], idx_s.at[0, t])
        pltpu.sync_copy(dst_hbm.at[pl.ds(off, C)], idx_d.at[0, t])
        pltpu.async_copy(y_hbm.at[idx_s.at[0, t]], rows.at[0, t], sem_g).wait()
        pltpu.sync_copy(rows.at[0, t], acc_sh.at[idx_d.at[0, t]], add=True)
    plsc.subcore_barrier()
    pltpu.sync_copy(acc_sh.at[pl.ds(s * RPT, RPT)],
                    acc_out.at[c, pl.ds(s * RPT, RPT)])


_prop_kernel = functools.partial(
    pl.kernel,
    out_type=jax.ShapeDtypeStruct((NC, NPD, D), jnp.float32),
    mesh=_mesh,
    scratch_types=[
        pltpu.VMEM((2, SB, C), jnp.int32),
        pltpu.VMEM((2, SB, C), jnp.int32),
        pltpu.VMEM((2, SB, C, D), jnp.float32),
        pltpu.VMEM_SHARED((NPD, D), jnp.float32),
        pltpu.SemaphoreType.DMA,
        pltpu.SemaphoreType.DMA,
        pltpu.SemaphoreType.DMA,
    ],
)(_prop_body)


def _dinv_body(degp_ref, dinv_ref):
    d = degp_ref[0:1, :] + degp_ref[1:2, :] + 1.0
    dinv_ref[...] = lax.rsqrt(d)


def _dinv_call(degp):
    return pl.pallas_call(
        _dinv_body,
        out_shape=jax.ShapeDtypeStruct((1, NPD), jnp.float32),
    )(degp)


def _scale_body(x_ref, dinv_ref, y_ref):
    y_ref[...] = x_ref[...] * dinv_ref[...]


_ROWS_B = 2000


def _scale_call(x, dinv_col):
    return pl.pallas_call(
        _scale_body,
        grid=(N // _ROWS_B,),
        in_specs=[
            pl.BlockSpec((_ROWS_B, D), lambda i: (i, 0)),
            pl.BlockSpec((_ROWS_B, 1), lambda i: (i, 0)),
        ],
        out_specs=pl.BlockSpec((_ROWS_B, D), lambda i: (i, 0)),
        out_shape=jax.ShapeDtypeStruct((N, D), jnp.float32),
    )(x, dinv_col)


def _dense_body(relu, want_y, accp_ref, x_ref, dinv_ref, w_ref, b_ref, *outs):
    a = accp_ref[0] + accp_ref[1]
    di = dinv_ref[...]
    z = di * a + (di * di) * x_ref[...]
    h = jnp.dot(z, w_ref[...], preferred_element_type=jnp.float32,
                precision=lax.Precision.HIGHEST) + b_ref[...]
    if relu:
        h = jnp.maximum(h, 0.0)
    outs[0][...] = h
    if want_y:
        outs[1][...] = di * h


def _dense_call(accp, x, dinv_col, w, b, relu, want_y):
    nouts = 2 if want_y else 1
    out_shape = [jax.ShapeDtypeStruct((N, D), jnp.float32)] * nouts
    out_specs = [pl.BlockSpec((_ROWS_B, D), lambda i: (i, 0))] * nouts
    res = pl.pallas_call(
        functools.partial(_dense_body, relu, want_y),
        grid=(N // _ROWS_B,),
        in_specs=[
            pl.BlockSpec((NC, _ROWS_B, D), lambda i: (0, i, 0)),
            pl.BlockSpec((_ROWS_B, D), lambda i: (i, 0)),
            pl.BlockSpec((_ROWS_B, 1), lambda i: (i, 0)),
            pl.BlockSpec((D, D), lambda i: (0, 0)),
            pl.BlockSpec((1, D), lambda i: (0, 0)),
        ],
        out_specs=out_specs,
        out_shape=out_shape,
    )(accp, x, dinv_col, w, b)
    return res if want_y else (res[0],)


def kernel(edge_index, node_emb, W1, b1, W2, b2):
    src = edge_index[0]
    dst = edge_index[1]
    zeros_nd = jnp.zeros((NPD, D), jnp.float32)
    zeros_n = jnp.zeros((NPD,), jnp.float32)
    ones_c = jnp.ones((C,), jnp.float32)

    degp = _deg_kernel(dst, zeros_n, ones_c)
    dinv_row = _dinv_call(degp)
    dinv_col = dinv_row[0, :N].reshape(N, 1)

    y0 = _scale_call(node_emb, dinv_col)
    acc0 = _prop_kernel(src, dst, y0, zeros_nd)
    x1, y1 = _dense_call(acc0, node_emb, dinv_col, W1, b1.reshape(1, D),
                         relu=True, want_y=True)
    acc1 = _prop_kernel(src, dst, y1, zeros_nd)
    (out,) = _dense_call(acc1, x1, dinv_col, W2, b2.reshape(1, D),
                         relu=False, want_y=False)
    return out

# --- scband reference (transcript-rebuilt; emitter-appended) ---
"""Pipeline reference for scband-gcnnet-25821343384095 (READ-ONLY COPY).

The authoritative reference and input builder live on the scoring server;
editing this copy changes nothing except your own understanding.
"""

import jax, jax.numpy as jnp
import numpy as np

N = 10000
E = 320000
EMB = 128
HID = 128
REP = 128


def gcn_conv(x, src, dst, W, b):
    n = x.shape[0]
    deg = jnp.zeros((n,), x.dtype).at[dst].add(1.0)
    dinv = jnp.where(deg > 0, deg ** -0.5, 0.0)
    norm = dinv[src] * dinv[dst]
    h = x @ W
    out = jnp.zeros((n, W.shape[1]), x.dtype).at[dst].add(h[src] * norm[:, None])
    return out + b


def setup_inputs(seed: int = 0):
    key = jax.random.key(seed)
    ks = jax.random.split(key, 6)
    edge_index = jax.random.randint(ks[0], (2, E), 0, N, dtype=jnp.int32)
    node_emb = jax.random.normal(ks[1], (N, EMB), dtype=jnp.float32) * 0.1
    W1 = jax.random.normal(ks[2], (EMB, HID), dtype=jnp.float32) * (1.0 / np.sqrt(EMB))
    b1 = jnp.zeros((HID,), dtype=jnp.float32)
    W2 = jax.random.normal(ks[3], (HID, REP), dtype=jnp.float32) * (1.0 / np.sqrt(HID))
    b2 = jnp.zeros((REP,), dtype=jnp.float32)
    return {"edge_index": edge_index, "node_emb": node_emb, "W1": W1, "b1": b1, "W2": W2, "b2": b2}


def reference(edge_index, node_emb, W1, b1, W2, b2):
    # GCNConv with added self-loops and symmetric normalization (PyG semantics).
    n = node_emb.shape[0]
    loops = jnp.arange(n, dtype=edge_index.dtype)
    src = jnp.concatenate([edge_index[0], loops])
    dst = jnp.concatenate([edge_index[1], loops])
    x = jax.nn.relu(gcn_conv(node_emb, src, dst, W1, b1))
    # dropout is identity in eval mode
    x = gcn_conv(x, src, dst, W2, b2)
    return x

if __name__ == "__main__":
    import jax
    _d = setup_inputs()
    print(jax.jit(kernel)(*tuple(_d.values())))

</pallas_src>

<mosaic_0001>
#map = affine_map<(d0, d1) -> (0)>
#map1 = affine_map<(d0, d1) -> (0, 0)>
module attributes {stable_mosaic.version = 14 : i64} {
  func.func @_deg_body(%arg0: i32, %arg1: i32, %arg2: memref<320000xi32, #tpu.memory_space<hbm>>, %arg3: memref<10240xf32, #tpu.memory_space<hbm>>, %arg4: memref<80xf32, #tpu.memory_space<hbm>>, %arg5: memref<2x10240xf32, #tpu.memory_space<hbm>>, %arg6: memref<5x80xi32, #tpu.memory_space<vmem>>, %arg7: memref<80xf32, #tpu.memory_space<vmem>>, %arg8: memref<10240xf32, #tpu.memory_space<vmem_shared>>, %arg9: memref<!tpu.dma_semaphore, #tpu.memory_space<semaphore_mem>>, %arg10: memref<!tpu.dma_semaphore, #tpu.memory_space<semaphore_mem>>) attributes {dimension_semantics = [#tpu.dimension_semantics<core_parallel>, #tpu.dimension_semantics<subcore_parallel>], iteration_bounds = array<i64: 2, 16>, scalar_prefetch = 0 : i64, scratch_operands = 5 : i64, tpu.core_type = #tpu.core_type<sc_vector_subcore>, window_params = [{transform_indices = #map}, {transform_indices = #map}, {transform_indices = #map}, {transform_indices = #map1}]} {
    %mul3A = arith.constant 2 : i32
    %mul3A_0 = arith.muli %arg1, %mul3A : i32
    %add3A = arith.addi %mul3A_0, %arg0 : i32
    %mul3A_1 = arith.constant 640 : i32
    %mul3A_2 = arith.muli %arg1, %mul3A_1 : i32
    %mul3A_3 = arith.constant 640 : i32
    %mul3A_4 = arith.muli %arg1, %mul3A_3 : i32
    "tpu.region"() ({
      %run_scoped3A = tpu.sem_alloc : memref<!tpu.dma_semaphore, #tpu.memory_space<semaphore_mem>>
      %dma_start3A_71 = tpu.memref_slice %arg8[%mul3A_4] : memref<10240xf32, #tpu.memory_space<vmem_shared>> -> memref<640xf32, #tpu.memory_space<vmem_shared>>
      %dma_start3A_72 = tpu.memref_slice %arg3[%mul3A_2] : memref<10240xf32, #tpu.memory_space<hbm>> -> memref<640xf32, #tpu.memory_space<hbm>>
      tpu.enqueue_dma source(%dma_start3A_72 : memref<640xf32, #tpu.memory_space<hbm>>) target(%dma_start3A_71 : memref<640xf32, #tpu.memory_space<vmem_shared>>) target_semaphore(%run_scoped3A : memref<!tpu.dma_semaphore, #tpu.memory_space<semaphore_mem>>)
      %dma_wait3A = tpu.memref_slice %arg8[%mul3A_4] : memref<10240xf32, #tpu.memory_space<vmem_shared>> -> memref<640xf32, #tpu.memory_space<vmem_shared>>
      %dma_wait3A_73 = tpu.memref_slice %arg3[%mul3A_2] : memref<10240xf32, #tpu.memory_space<hbm>> -> memref<640xf32, #tpu.memory_space<hbm>>
      tpu.wait_dma2 semaphore(%run_scoped3A : memref<!tpu.dma_semaphore, #tpu.memory_space<semaphore_mem>>) src(%dma_wait3A_73 : memref<640xf32, #tpu.memory_space<hbm>>) dst(%dma_wait3A : memref<640xf32, #tpu.memory_space<vmem_shared>>)
      tpu.yield
    }) : () -> ()
    "tpu.region"() ({
      %run_scoped3A = tpu.sem_alloc : memref<!tpu.dma_semaphore, #tpu.memory_space<semaphore_mem>>
      tpu.enqueue_dma source(%arg4 : memref<80xf32, #tpu.memory_space<hbm>>) target(%arg7 : memref<80xf32, #tpu.memory_space<vmem>>) target_semaphore(%run_scoped3A : memref<!tpu.dma_semaphore, #tpu.memory_space<semaphore_mem>>)
      tpu.wait_dma2 semaphore(%run_scoped3A : memref<!tpu.dma_semaphore, #tpu.memory_space<semaphore_mem>>) src(%arg4 : memref<80xf32, #tpu.memory_space<hbm>>) dst(%arg7 : memref<80xf32, #tpu.memory_space<vmem>>)
      tpu.yield
    }) : () -> ()
    %barrier3A = arith.constant 0 : index
    tpu.barrier barrier_id(%barrier3A)
    %mul3A_5 = arith.constant 10000 : i32
    %mul3A_6 = arith.muli %add3A, %mul3A_5 : i32
    %add3A_7 = arith.constant 0 : i32
    %add3A_8 = arith.addi %mul3A_6, %add3A_7 : i32
    %dma_start3A = arith.constant 0 : i32
    %dma_start3A_9 = arith.constant 0 : i32
    %dma_start3A_10 = tpu.memref_slice %arg6[%dma_start3A, %dma_start3A_9] : memref<5x80xi32, #tpu.memory_space<vmem>> -> memref<1x80xi32, #tpu.memory_space<vmem>>
    %dma_start3A_11 = tpu.memref_squeeze %dma_start3A_10 : memref<1x80xi32, #tpu.memory_space<vmem>> -> memref<80xi32, #tpu.memory_space<vmem>>
    %dma_start3A_12 = tpu.memref_slice %arg2[%add3A_8] : memref<320000xi32, #tpu.memory_space<hbm>> -> memref<80xi32, #tpu.memory_space<hbm>>
    %dma_start3A_13 = arith.constant 0 : i32
    %dma_start3A_14 = tpu.memref_slice %arg6[%dma_start3A, %dma_start3A_13] : memref<5x80xi32, #tpu.memory_space<vmem>> -> memref<1x80xi32, #tpu.memory_space<vmem>>
    %dma_start3A_15 = tpu.memref_squeeze %dma_start3A_14 : memref<1x80xi32, #tpu.memory_space<vmem>> -> memref<80xi32, #tpu.memory_space<vmem>>
    %dma_start3A_16 = tpu.memref_slice %arg2[%add3A_8] : memref<320000xi32, #tpu.memory_space<hbm>> -> memref<80xi32, #tpu.memory_space<hbm>>
    tpu.enqueue_dma source(%dma_start3A_16 : memref<80xi32, #tpu.memory_space<hbm>>) target(%dma_start3A_15 : memref<80xi32, #tpu.memory_space<vmem>>) target_semaphore(%arg9 : memref<!tpu.dma_semaphore, #tpu.memory_space<semaphore_mem>>)
    %add3A_17 = arith.constant 80 : i32
    %add3A_18 = arith.addi %mul3A_6, %add3A_17 : i32
    %dma_start3A_19 = arith.constant 1 : i32
    %dma_start3A_20 = arith.constant 0 : i32
    %dma_start3A_21 = tpu.memref_slice %arg6[%dma_start3A_19, %dma_start3A_20] : memref<5x80xi32, #tpu.memory_space<vmem>> -> memref<1x80xi32, #tpu.memory_space<vmem>>
    %dma_start3A_22 = tpu.memref_squeeze %dma_start3A_21 : memref<1x80xi32, #tpu.memory_space<vmem>> -> memref<80xi32, #tpu.memory_space<vmem>>
    %dma_start3A_23 = tpu.memref_slice %arg2[%add3A_18] : memref<320000xi32, #tpu.memory_space<hbm>> -> memref<80xi32, #tpu.memory_space<hbm>>
    %dma_start3A_24 = arith.constant 0 : i32
    %dma_start3A_25 = tpu.memref_slice %arg6[%dma_start3A_19, %dma_start3A_24] : memref<5x80xi32, #tpu.memory_space<vmem>> -> memref<1x80xi32, #tpu.memory_space<vmem>>
    %dma_start3A_26 = tpu.memref_squeeze %dma_start3A_25 : memref<1x80xi32, #tpu.memory_space<vmem>> -> memref<80xi32, #tpu.memory_space<vmem>>
    %dma_start3A_27 = tpu.memref_slice %arg2[%add3A_18] : memref<320000xi32, #tpu.memory_space<hbm>> -> memref<80xi32, #tpu.memory_space<hbm>>
    tpu.enqueue_dma source(%dma_start3A_27 : memref<80xi32, #tpu.memory_space<hbm>>) target(%dma_start3A_26 : memref<80xi32, #tpu.memory_space<vmem>>) target_semaphore(%arg9 : memref<!tpu.dma_semaphore, #tpu.memory_space<semaphore_mem>>)
    %add3A_28 = arith.constant 160 : i32
    %add3A_29 = arith.addi %mul3A_6, %add3A_28 : i32
    %dma_start3A_30 = arith.constant 2 : i32
    %dma_start3A_31 = arith.constant 0 : i32
    %dma_start3A_32 = tpu.memref_slice %arg6[%dma_start3A_30, %dma_start3A_31] : memref<5x80xi32, #tpu.memory_space<vmem>> -> memref<1x80xi32, #tpu.memory_space<vmem>>
    %dma_start3A_33 = tpu.memref_squeeze %dma_start3A_32 : memref<1x80xi32, #tpu.memory_space<vmem>> -> memref<80xi32, #tpu.memory_space<vmem>>
    %dma_start3A_34 = tpu.memref_slice %arg2[%add3A_29] : memref<320000xi32, #tpu.memory_space<hbm>> -> memref<80xi32, #tpu.memory_space<hbm>>
    %dma_start3A_35 = arith.constant 0 : i32
    %dma_start3A_36 = tpu.memref_slice %arg6[%dma_start3A_30, %dma_start3A_35] : memref<5x80xi32, #tpu.memory_space<vmem>> -> memref<1x80xi32, #tpu.memory_space<vmem>>
    %dma_start3A_37 = tpu.memref_squeeze %dma_start3A_36 : memref<1x80xi32, #tpu.memory_space<vmem>> -> memref<80xi32, #tpu.memory_space<vmem>>
    %dma_start3A_38 = tpu.memref_slice %arg2[%add3A_29] : memref<320000xi32, #tpu.memory_space<hbm>> -> memref<80xi32, #tpu.memory_space<hbm>>
    tpu.enqueue_dma source(%dma_start3A_38 : memref<80xi32, #tpu.memory_space<hbm>>) target(%dma_start3A_37 : memref<80xi32, #tpu.memory_space<vmem>>) target_semaphore(%arg9 : memref<!tpu.dma_semaphore, #tpu.memory_space<semaphore_mem>>)
    %add3A_39 = arith.constant 240 : i32
    %add3A_40 = arith.addi %mul3A_6, %add3A_39 : i32
    %dma_start3A_41 = arith.constant 3 : i32
    %dma_start3A_42 = arith.constant 0 : i32
    %dma_start3A_43 = tpu.memref_slice %arg6[%dma_start3A_41, %dma_start3A_42] : memref<5x80xi32, #tpu.memory_space<vmem>> -> memref<1x80xi32, #tpu.memory_space<vmem>>
    %dma_start3A_44 = tpu.memref_squeeze %dma_start3A_43 : memref<1x80xi32, #tpu.memory_space<vmem>> -> memref<80xi32, #tpu.memory_space<vmem>>
    %dma_start3A_45 = tpu.memref_slice %arg2[%add3A_40] : memref<320000xi32, #tpu.memory_space<hbm>> -> memref<80xi32, #tpu.memory_space<hbm>>
    %dma_start3A_46 = arith.constant 0 : i32
    %dma_start3A_47 = tpu.memref_slice %arg6[%dma_start3A_41, %dma_start3A_46] : memref<5x80xi32, #tpu.memory_space<vmem>> -> memref<1x80xi32, #tpu.memory_space<vmem>>
    %dma_start3A_48 = tpu.memref_squeeze %dma_start3A_47 : memref<1x80xi32, #tpu.memory_space<vmem>> -> memref<80xi32, #tpu.memory_space<vmem>>
    %dma_start3A_49 = tpu.memref_slice %arg2[%add3A_40] : memref<320000xi32, #tpu.memory_space<hbm>> -> memref<80xi32, #tpu.memory_space<hbm>>
    tpu.enqueue_dma source(%dma_start3A_49 : memref<80xi32, #tpu.memory_space<hbm>>) target(%dma_start3A_48 : memref<80xi32, #tpu.memory_space<vmem>>) target_semaphore(%arg9 : memref<!tpu.dma_semaphore, #tpu.memory_space<semaphore_mem>>)
    %add3A_50 = arith.constant 320 : i32
    %add3A_51 = arith.addi %mul3A_6, %add3A_50 : i32
    %dma_start3A_52 = arith.constant 4 : i32
    %dma_start3A_53 = arith.constant 0 : i32
    %dma_start3A_54 = tpu.memref_slice %arg6[%dma_start3A_52, %dma_start3A_53] : memref<5x80xi32, #tpu.memory_space<vmem>> -> memref<1x80xi32, #tpu.memory_space<vmem>>
    %dma_start3A_55 = tpu.memref_squeeze %dma_start3A_54 : memref<1x80xi32, #tpu.memory_space<vmem>> -> memref<80xi32, #tpu.memory_space<vmem>>
    %dma_start3A_56 = tpu.memref_slice %arg2[%add3A_51] : memref<320000xi32, #tpu.memory_space<hbm>> -> memref<80xi32, #tpu.memory_space<hbm>>
    %dma_start3A_57 = arith.constant 0 : i32
    %dma_start3A_58 = tpu.memref_slice %arg6[%dma_start3A_52, %dma_start3A_57] : memref<5x80xi32, #tpu.memory_space<vmem>> -> memref<1x80xi32, #tpu.memory_space<vmem>>
    %dma_start3A_59 = tpu.memref_squeeze %dma_start3A_58 : memref<1x80xi32, #tpu.memory_space<vmem>> -> memref<80xi32, #tpu.memory_space<vmem>>
    %dma_start3A_60 = tpu.memref_slice %arg2[%add3A_51] : memref<320000xi32, #tpu.memory_space<hbm>> -> memref<80xi32, #tpu.memory_space<hbm>>
    tpu.enqueue_dma source(%dma_start3A_60 : memref<80xi32, #tpu.memory_space<hbm>>) target(%dma_start3A_59 : memref<80xi32, #tpu.memory_space<vmem>>) target_semaphore(%arg9 : memref<!tpu.dma_semaphore, #tpu.memory_space<semaphore_mem>>)
    %scan3A = arith.constant 0 : i32
    %scan3A_61 = arith.constant 0 : i32
    %scan3A_62 = arith.constant 25 : i32
    %scan3A_63 = arith.addi %scan3A_61, %scan3A_62 : i32
    %scan3A_64 = arith.constant 1 : i32
    scf.for %scan3A_71 = %scan3A_61 to %scan3A_63 step %scan3A_64  : i32 {
      %dma_wait3A = arith.constant 0 : i32
      %dma_wait3A_72 = arith.constant 0 : i32
      %dma_wait3A_73 = tpu.memref_slice %arg6[%dma_wait3A, %dma_wait3A_72] : memref<5x80xi32, #tpu.memory_space<vmem>> -> memref<1x80xi32, #tpu.memory_space<vmem>>
      %dma_wait3A_74 = tpu.memref_squeeze %dma_wait3A_73 : memref<1x80xi32, #tpu.memory_space<vmem>> -> memref<80xi32, #tpu.memory_space<vmem>>
      %dma_wait3A_75 = arith.constant 0 : i32
      %dma_wait3A_76 = tpu.memref_slice %arg2[%dma_wait3A_75] : memref<320000xi32, #tpu.memory_space<hbm>> -> memref<80xi32, #tpu.memory_space<hbm>>
      %dma_wait3A_77 = arith.constant 0 : i32
      %dma_wait3A_78 = tpu.memref_slice %arg6[%dma_wait3A, %dma_wait3A_77] : memref<5x80xi32, #tpu.memory_space<vmem>> -> memref<1x80xi32, #tpu.memory_space<vmem>>
      %dma_wait3A_79 = tpu.memref_squeeze %dma_wait3A_78 : memref<1x80xi32, #tpu.memory_space<vmem>> -> memref<80xi32, #tpu.memory_space<vmem>>
      %dma_wait3A_80 = arith.constant 0 : i32
      %dma_wait3A_81 = tpu.memref_slice %arg2[%dma_wait3A_80] : memref<320000xi32, #tpu.memory_space<hbm>> -> memref<80xi32, #tpu.memory_space<hbm>>
      tpu.wait_dma2 semaphore(%arg9 : memref<!tpu.dma_semaphore, #tpu.memory_space<semaphore_mem>>) src(%dma_wait3A_81 : memref<80xi32, #tpu.memory_space<hbm>>) dst(%dma_wait3A_79 : memref<80xi32, #tpu.memory_space<vmem>>)
      %dma_wait3A_82 = arith.constant 1 : i32
      %dma_wait3A_83 = arith.constant 0 : i32
      %dma_wait3A_84 = tpu.memref_slice %arg6[%dma_wait3A_82, %dma_wait3A_83] : memref<5x80xi32, #tpu.memory_space<vmem>> -> memref<1x80xi32, #tpu.memory_space<vmem>>
      %dma_wait3A_85 = tpu.memref_squeeze %dma_wait3A_84 : memref<1x80xi32, #tpu.memory_space<vmem>> -> memref<80xi32, #tpu.memory_space<vmem>>
      %dma_wait3A_86 = arith.constant 0 : i32
      %dma_wait3A_87 = tpu.memref_slice %arg2[%dma_wait3A_86] : memref<320000xi32, #tpu.memory_space<hbm>> -> memref<80xi32, #tpu.memory_space<hbm>>
      %dma_wait3A_88 = arith.constant 0 : i32
      %dma_wait3A_89 = tpu.memref_slice %arg6[%dma_wait3A_82, %dma_wait3A_88] : memref<5x80xi32, #tpu.memory_space<vmem>> -> memref<1x80xi32, #tpu.memory_space<vmem>>
      %dma_wait3A_90 = tpu.memref_squeeze %dma_wait3A_89 : memref<1x80xi32, #tpu.memory_space<vmem>> -> memref<80xi32, #tpu.memory_space<vmem>>
      %dma_wait3A_91 = arith.constant 0 : i32
      %dma_wait3A_92 = tpu.memref_slice %arg2[%dma_wait3A_91] : memref<320000xi32, #tpu.memory_space<hbm>> -> memref<80xi32, #tpu.memory_space<hbm>>
      tpu.wait_dma2 semaphore(%arg9 : memref<!tpu.dma_semaphore, #tpu.memory_space<semaphore_mem>>) src(%dma_wait3A_92 : memref<80xi32, #tpu.memory_space<hbm>>) dst(%dma_wait3A_90 : memref<80xi32, #tpu.memory_space<vmem>>)
      %dma_wait3A_93 = arith.constant 2 : i32
      %dma_wait3A_94 = arith.constant 0 : i32
      %dma_wait3A_95 = tpu.memref_slice %arg6[%dma_wait3A_93, %dma_wait3A_94] : memref<5x80xi32, #tpu.memory_space<vmem>> -> memref<1x80xi32, #tpu.memory_space<vmem>>
      %dma_wait3A_96 = tpu.memref_squeeze %dma_wait3A_95 : memref<1x80xi32, #tpu.memory_space<vmem>> -> memref<80xi32, #tpu.memory_space<vmem>>
      %dma_wait3A_97 = arith.constant 0 : i32
      %dma_wait3A_98 = tpu.memref_slice %arg2[%dma_wait3A_97] : memref<320000xi32, #tpu.memory_space<hbm>> -> memref<80xi32, #tpu.memory_space<hbm>>
      %dma_wait3A_99 = arith.constant 0 : i32
      %dma_wait3A_100 = tpu.memref_slice %arg6[%dma_wait3A_93, %dma_wait3A_99] : memref<5x80xi32, #tpu.memory_space<vmem>> -> memref<1x80xi32, #tpu.memory_space<vmem>>
      %dma_wait3A_101 = tpu.memref_squeeze %dma_wait3A_100 : memref<1x80xi32, #tpu.memory_space<vmem>> -> memref<80xi32, #tpu.memory_space<vmem>>
      %dma_wait3A_102 = arith.constant 0 : i32
      %dma_wait3A_103 = tpu.memref_slice %arg2[%dma_wait3A_102] : memref<320000xi32, #tpu.memory_space<hbm>> -> memref<80xi32, #tpu.memory_space<hbm>>
      tpu.wait_dma2 semaphore(%arg9 : memref<!tpu.dma_semaphore, #tpu.memory_space<semaphore_mem>>) src(%dma_wait3A_103 : memref<80xi32, #tpu.memory_space<hbm>>) dst(%dma_wait3A_101 : memref<80xi32, #tpu.memory_space<vmem>>)
      %dma_wait3A_104 = arith.constant 3 : i32
      %dma_wait3A_105 = arith.constant 0 : i32
      %dma_wait3A_106 = tpu.memref_slice %arg6[%dma_wait3A_104, %dma_wait3A_105] : memref<5x80xi32, #tpu.memory_space<vmem>> -> memref<1x80xi32, #tpu.memory_space<vmem>>
      %dma_wait3A_107 = tpu.memref_squeeze %dma_wait3A_106 : memref<1x80xi32, #tpu.memory_space<vmem>> -> memref<80xi32, #tpu.memory_space<vmem>>
      %dma_wait3A_108 = arith.constant 0 : i32
      %dma_wait3A_109 = tpu.memref_slice %arg2[%dma_wait3A_108] : memref<320000xi32, #tpu.memory_space<hbm>> -> memref<80xi32, #tpu.memory_space<hbm>>
      %dma_wait3A_110 = arith.constant 0 : i32
      %dma_wait3A_111 = tpu.memref_slice %arg6[%dma_wait3A_104, %dma_wait3A_110] : memref<5x80xi32, #tpu.memory_space<vmem>> -> memref<1x80xi32, #tpu.memory_space<vmem>>
      %dma_wait3A_112 = tpu.memref_squeeze %dma_wait3A_111 : memref<1x80xi32, #tpu.memory_space<vmem>> -> memref<80xi32, #tpu.memory_space<vmem>>
      %dma_wait3A_113 = arith.constant 0 : i32
      %dma_wait3A_114 = tpu.memref_slice %arg2[%dma_wait3A_113] : memref<320000xi32, #tpu.memory_space<hbm>> -> memref<80xi32, #tpu.memory_space<hbm>>
      tpu.wait_dma2 semaphore(%arg9 : memref<!tpu.dma_semaphore, #tpu.memory_space<semaphore_mem>>) src(%dma_wait3A_114 : memref<80xi32, #tpu.memory_space<hbm>>) dst(%dma_wait3A_112 : memref<80xi32, #tpu.memory_space<vmem>>)
      %dma_wait3A_115 = arith.constant 4 : i32
      %dma_wait3A_116 = arith.constant 0 : i32
      %dma_wait3A_117 = tpu.memref_slice %arg6[%dma_wait3A_115, %dma_wait3A_116] : memref<5x80xi32, #tpu.memory_space<vmem>> -> memref<1x80xi32, #tpu.memory_space<vmem>>
      %dma_wait3A_118 = tpu.memref_squeeze %dma_wait3A_117 : memref<1x80xi32, #tpu.memory_space<vmem>> -> memref<80xi32, #tpu.memory_space<vmem>>
      %dma_wait3A_119 = arith.constant 0 : i32
      %dma_wait3A_120 = tpu.memref_slice %arg2[%dma_wait3A_119] : memref<320000xi32, #tpu.memory_space<hbm>> -> memref<80xi32, #tpu.memory_space<hbm>>
      %dma_wait3A_121 = arith.constant 0 : i32
      %dma_wait3A_122 = tpu.memref_slice %arg6[%dma_wait3A_115, %dma_wait3A_121] : memref<5x80xi32, #tpu.memory_space<vmem>> -> memref<1x80xi32, #tpu.memory_space<vmem>>
      %dma_wait3A_123 = tpu.memref_squeeze %dma_wait3A_122 : memref<1x80xi32, #tpu.memory_space<vmem>> -> memref<80xi32, #tpu.memory_space<vmem>>
      %dma_wait3A_124 = arith.constant 0 : i32
      %dma_wait3A_125 = tpu.memref_slice %arg2[%dma_wait3A_124] : memref<320000xi32, #tpu.memory_space<hbm>> -> memref<80xi32, #tpu.memory_space<hbm>>
      tpu.wait_dma2 semaphore(%arg9 : memref<!tpu.dma_semaphore, #tpu.memory_space<semaphore_mem>>) src(%dma_wait3A_125 : memref<80xi32, #tpu.memory_space<hbm>>) dst(%dma_wait3A_123 : memref<80xi32, #tpu.memory_space<vmem>>)
      %dma_start3A_126 = arith.constant 0 : i32
      %dma_start3A_127 = arith.constant 0 : i32
      %dma_start3A_128 = tpu.memref_slice %arg6[%dma_start3A_126, %dma_start3A_127] : memref<5x80xi32, #tpu.memory_space<vmem>> -> memref<1x80xi32, #tpu.memory_space<vmem>>
      %dma_start3A_129 = tpu.memref_squeeze %dma_start3A_128 : memref<1x80xi32, #tpu.memory_space<vmem>> -> memref<80xi32, #tpu.memory_space<vmem>>
      %dma_start3A_130 = arith.constant 0 : i32
      %dma_start3A_131 = tpu.memref_slice %arg8[%dma_start3A_130] : memref<10240xf32, #tpu.memory_space<vmem_shared>> -> memref<10240xf32, #tpu.memory_space<vmem_shared>>
      tpu.enqueue_indirect_dma source(%arg7 : memref<80xf32, #tpu.memory_space<vmem>>) target(%dma_start3A_131 : memref<10240xf32, #tpu.memory_space<vmem_shared>>) offsets(%dma_start3A_129 : memref<80xi32, #tpu.memory_space<vmem>>) semaphore(%arg10 : memref<!tpu.dma_semaphore, #tpu.memory_space<semaphore_mem>>) {add = true}
      %dma_start3A_132 = arith.constant 1 : i32
      %dma_start3A_133 = arith.constant 0 : i32
      %dma_start3A_134 = tpu.memref_slice %arg6[%dma_start3A_132, %dma_start3A_133] : memref<5x80xi32, #tpu.memory_space<vmem>> -> memref<1x80xi32, #tpu.memory_space<vmem>>
      %dma_start3A_135 = tpu.memref_squeeze %dma_start3A_134 : memref<1x80xi32, #tpu.memory_space<vmem>> -> memref<80xi32, #tpu.memory_space<vmem>>
      %dma_start3A_136 = arith.constant 0 : i32
      %dma_start3A_137 = tpu.memref_slice %arg8[%dma_start3A_136] : memref<10240xf32, #tpu.memory_space<vmem_shared>> -> memref<10240xf32, #tpu.memory_space<vmem_shared>>
      tpu.enqueue_indirect_dma source(%arg7 : memref<80xf32, #tpu.memory_space<vmem>>) target(%dma_start3A_137 : memref<10240xf32, #tpu.memory_space<vmem_shared>>) offsets(%dma_start3A_135 : memref<80xi32, #tpu.memory_space<vmem>>) semaphore(%arg10 : memref<!tpu.dma_semaphore, #tpu.memory_space<semaphore_mem>>) {add = true}
      %dma_start3A_138 = arith.constant 2 : i32
      %dma_start3A_139 = arith.constant 0 : i32
      %dma_start3A_140 = tpu.memref_slice %arg6[%dma_start3A_138, %dma_start3A_139] : memref<5x80xi32, #tpu.memory_space<vmem>> -> memref<1x80xi32, #tpu.memory_space<vmem>>
      %dma_start3A_141 = tpu.memref_squeeze %dma_start3A_140 : memref<1x80xi32, #tpu.memory_space<vmem>> -> memref<80xi32, #tpu.memory_space<vmem>>
      %dma_start3A_142 = arith.constant 0 : i32
      %dma_start3A_143 = tpu.memref_slice %arg8[%dma_start3A_142] : memref<10240xf32, #tpu.memory_space<vmem_shared>> -> memref<10240xf32, #tpu.memory_space<vmem_shared>>
      tpu.enqueue_indirect_dma source(%arg7 : memref<80xf32, #tpu.memory_space<vmem>>) target(%dma_start3A_143 : memref<10240xf32, #tpu.memory_space<vmem_shared>>) offsets(%dma_start3A_141 : memref<80xi32, #tpu.memory_space<vmem>>) semaphore(%arg10 : memref<!tpu.dma_semaphore, #tpu.memory_space<semaphore_mem>>) {add = true}
      %dma_start3A_144 = arith.constant 3 : i32
      %dma_start3A_145 = arith.constant 0 : i32
      %dma_start3A_146 = tpu.memref_slice %arg6[%dma_start3A_144, %dma_start3A_145] : memref<5x80xi32, #tpu.memory_space<vmem>> -> memref<1x80xi32, #tpu.memory_space<vmem>>
      %dma_start3A_147 = tpu.memref_squeeze %dma_start3A_146 : memref<1x80xi32, #tpu.memory_space<vmem>> -> memref<80xi32, #tpu.memory_space<vmem>>
      %dma_start3A_148 = arith.constant 0 : i32
      %dma_start3A_149 = tpu.memref_slice %arg8[%dma_start3A_148] : memref<10240xf32, #tpu.memory_space<vmem_shared>> -> memref<10240xf32, #tpu.memory_space<vmem_shared>>
      tpu.enqueue_indirect_dma source(%arg7 : memref<80xf32, #tpu.memory_space<vmem>>) target(%dma_start3A_149 : memref<10240xf32, #tpu.memory_space<vmem_shared>>) offsets(%dma_start3A_147 : memref<80xi32, #tpu.memory_space<vmem>>) semaphore(%arg10 : memref<!tpu.dma_semaphore, #tpu.memory_space<semaphore_mem>>) {add = true}
      %dma_start3A_150 = arith.constant 4 : i32
      %dma_start3A_151 = arith.constant 0 : i32
      %dma_start3A_152 = tpu.memref_slice %arg6[%dma_start3A_150, %dma_start3A_151] : memref<5x80xi32, #tpu.memory_space<vmem>> -> memref<1x80xi32, #tpu.memory_space<vmem>>
      %dma_start3A_153 = tpu.memref_squeeze %dma_start3A_152 : memref<1x80xi32, #tpu.memory_space<vmem>> -> memref<80xi32, #tpu.memory_space<vmem>>
      %dma_start3A_154 = arith.constant 0 : i32
      %dma_start3A_155 = tpu.memref_slice %arg8[%dma_start3A_154] : memref<10240xf32, #tpu.memory_space<vmem_shared>> -> memref<10240xf32, #tpu.memory_space<vmem_shared>>
      tpu.enqueue_indirect_dma source(%arg7 : memref<80xf32, #tpu.memory_space<vmem>>) target(%dma_start3A_155 : memref<10240xf32, #tpu.memory_space<vmem_shared>>) offsets(%dma_start3A_153 : memref<80xi32, #tpu.memory_space<vmem>>) semaphore(%arg10 : memref<!tpu.dma_semaphore, #tpu.memory_space<semaphore_mem>>) {add = true}
      %dma_wait3A_156 = arith.constant 0 : i32
      %dma_wait3A_157 = arith.constant 0 : i32
      %dma_wait3A_158 = tpu.memref_slice %arg6[%dma_wait3A_156, %dma_wait3A_157] : memref<5x80xi32, #tpu.memory_space<vmem>> -> memref<1x80xi32, #tpu.memory_space<vmem>>
      %dma_wait3A_159 = tpu.memref_squeeze %dma_wait3A_158 : memref<1x80xi32, #tpu.memory_space<vmem>> -> memref<80xi32, #tpu.memory_space<vmem>>
      %dma_wait3A_160 = arith.constant 0 : i32
      %dma_wait3A_161 = tpu.memref_slice %arg8[%dma_wait3A_160] : memref<10240xf32, #tpu.memory_space<vmem_shared>> -> memref<10240xf32, #tpu.memory_space<vmem_shared>>
      tpu.wait_indirect_dma semaphore(%arg10 : memref<!tpu.dma_semaphore, #tpu.memory_space<semaphore_mem>>) src(%arg7 : memref<80xf32, #tpu.memory_space<vmem>>) dst(%dma_wait3A_161 : memref<10240xf32, #tpu.memory_space<vmem_shared>>)
      %dma_wait3A_162 = arith.constant 1 : i32
      %dma_wait3A_163 = arith.constant 0 : i32
      %dma_wait3A_164 = tpu.memref_slice %arg6[%dma_wait3A_162, %dma_wait3A_163] : memref<5x80xi32, #tpu.memory_space<vmem>> -> memref<1x80xi32, #tpu.memory_space<vmem>>
      %dma_wait3A_165 = tpu.memref_squeeze %dma_wait3A_164 : memref<1x80xi32, #tpu.memory_space<vmem>> -> memref<80xi32, #tpu.memory_space<vmem>>
      %dma_wait3A_166 = arith.constant 0 : i32
      %dma_wait3A_167 = tpu.memref_slice %arg8[%dma_wait3A_166] : memref<10240xf32, #tpu.memory_space<vmem_shared>> -> memref<10240xf32, #tpu.memory_space<vmem_shared>>
      tpu.wait_indirect_dma semaphore(%arg10 : memref<!tpu.dma_semaphore, #tpu.memory_space<semaphore_mem>>) src(%arg7 : memref<80xf32, #tpu.memory_space<vmem>>) dst(%dma_wait3A_167 : memref<10240xf32, #tpu.memory_space<vmem_shared>>)
      %dma_wait3A_168 = arith.constant 2 : i32
      %dma_wait3A_169 = arith.constant 0 : i32
      %dma_wait3A_170 = tpu.memref_slice %arg6[%dma_wait3A_168, %dma_wait3A_169] : memref<5x80xi32, #tpu.memory_space<vmem>> -> memref<1x80xi32, #tpu.memory_space<vmem>>
      %dma_wait3A_171 = tpu.memref_squeeze %dma_wait3A_170 : memref<1x80xi32, #tpu.memory_space<vmem>> -> memref<80xi32, #tpu.memory_space<vmem>>
      %dma_wait3A_172 = arith.constant 0 : i32
      %dma_wait3A_173 = tpu.memref_slice %arg8[%dma_wait3A_172] : memref<10240xf32, #tpu.memory_space<vmem_shared>> -> memref<10240xf32, #tpu.memory_space<vmem_shared>>
      tpu.wait_indirect_dma semaphore(%arg10 : memref<!tpu.dma_semaphore, #tpu.memory_space<semaphore_mem>>) src(%arg7 : memref<80xf32, #tpu.memory_space<vmem>>) dst(%dma_wait3A_173 : memref<10240xf32, #tpu.memory_space<vmem_shared>>)
      %dma_wait3A_174 = arith.constant 3 : i32
      %dma_wait3A_175 = arith.constant 0 : i32
      %dma_wait3A_176 = tpu.memref_slice %arg6[%dma_wait3A_174, %dma_wait3A_175] : memref<5x80xi32, #tpu.memory_space<vmem>> -> memref<1x80xi32, #tpu.memory_space<vmem>>
      %dma_wait3A_177 = tpu.memref_squeeze %dma_wait3A_176 : memref<1x80xi32, #tpu.memory_space<vmem>> -> memref<80xi32, #tpu.memory_space<vmem>>
      %dma_wait3A_178 = arith.constant 0 : i32
      %dma_wait3A_179 = tpu.memref_slice %arg8[%dma_wait3A_178] : memref<10240xf32, #tpu.memory_space<vmem_shared>> -> memref<10240xf32, #tpu.memory_space<vmem_shared>>
      tpu.wait_indirect_dma semaphore(%arg10 : memref<!tpu.dma_semaphore, #tpu.memory_space<semaphore_mem>>) src(%arg7 : memref<80xf32, #tpu.memory_space<vmem>>) dst(%dma_wait3A_179 : memref<10240xf32, #tpu.memory_space<vmem_shared>>)
      %dma_wait3A_180 = arith.constant 4 : i32
      %dma_wait3A_181 = arith.constant 0 : i32
      %dma_wait3A_182 = tpu.memref_slice %arg6[%dma_wait3A_180, %dma_wait3A_181] : memref<5x80xi32, #tpu.memory_space<vmem>> -> memref<1x80xi32, #tpu.memory_space<vmem>>
      %dma_wait3A_183 = tpu.memref_squeeze %dma_wait3A_182 : memref<1x80xi32, #tpu.memory_space<vmem>> -> memref<80xi32, #tpu.memory_space<vmem>>
      %dma_wait3A_184 = arith.constant 0 : i32
      %dma_wait3A_185 = tpu.memref_slice %arg8[%dma_wait3A_184] : memref<10240xf32, #tpu.memory_space<vmem_shared>> -> memref<10240xf32, #tpu.memory_space<vmem_shared>>
      tpu.wait_indirect_dma semaphore(%arg10 : memref<!tpu.dma_semaphore, #tpu.memory_space<semaphore_mem>>) src(%arg7 : memref<80xf32, #tpu.memory_space<vmem>>) dst(%dma_wait3A_185 : memref<10240xf32, #tpu.memory_space<vmem_shared>>)
      %lt3A = arith.constant 24 : i32
      %lt3A_186 = arith.cmpi slt, %scan3A_71, %lt3A : i32
      %convert_element_type3A = arith.extui %lt3A_186 : i1 to i32
      %cond3A = arith.constant 0 : i32
      %cond3A_187 = arith.cmpi ne, %convert_element_type3A, %cond3A : i32
      scf.if %cond3A_187 {
        %add3A_188 = arith.constant 1 : i32
        %add3A_189 = arith.addi %scan3A_71, %add3A_188 : i32
        %mul3A_190 = arith.constant 5 : i32
        %mul3A_191 = arith.muli %add3A_189, %mul3A_190 : i32
        %add3A_192 = arith.constant 0 : i32
        %add3A_193 = arith.addi %mul3A_191, %add3A_192 : i32
        %mul3A_194 = arith.constant 80 : i32
        %mul3A_195 = arith.muli %add3A_193, %mul3A_194 : i32
        %add3A_196 = arith.addi %mul3A_6, %mul3A_195 : i32
        %dma_start3A_197 = arith.constant 0 : i32
        %dma_start3A_198 = arith.constant 0 : i32
        %dma_start3A_199 = tpu.memref_slice %arg6[%dma_start3A_197, %dma_start3A_198] : memref<5x80xi32, #tpu.memory_space<vmem>> -> memref<1x80xi32, #tpu.memory_space<vmem>>
        %dma_start3A_200 = tpu.memref_squeeze %dma_start3A_199 : memref<1x80xi32, #tpu.memory_space<vmem>> -> memref<80xi32, #tpu.memory_space<vmem>>
        %dma_start3A_201 = tpu.memref_slice %arg2[%add3A_196] : memref<320000xi32, #tpu.memory_space<hbm>> -> memref<80xi32, #tpu.memory_space<hbm>>
        %dma_start3A_202 = arith.constant 0 : i32
        %dma_start3A_203 = tpu.memref_slice %arg6[%dma_start3A_197, %dma_start3A_202] : memref<5x80xi32, #tpu.memory_space<vmem>> -> memref<1x80xi32, #tpu.memory_space<vmem>>
        %dma_start3A_204 = tpu.memref_squeeze %dma_start3A_203 : memref<1x80xi32, #tpu.memory_space<vmem>> -> memref<80xi32, #tpu.memory_space<vmem>>
        %dma_start3A_205 = tpu.memref_slice %arg2[%add3A_196] : memref<320000xi32, #tpu.memory_space<hbm>> -> memref<80xi32, #tpu.memory_space<hbm>>
        tpu.enqueue_dma source(%dma_start3A_205 : memref<80xi32, #tpu.memory_space<hbm>>) target(%dma_start3A_204 : memref<80xi32, #tpu.memory_space<vmem>>) target_semaphore(%arg9 : memref<!tpu.dma_semaphore, #tpu.memory_space<semaphore_mem>>)
        %add3A_206 = arith.constant 1 : i32
        %add3A_207 = arith.addi %scan3A_71, %add3A_206 : i32
        %mul3A_208 = arith.constant 5 : i32
        %mul3A_209 = arith.muli %add3A_207, %mul3A_208 : i32
        %add3A_210 = arith.constant 1 : i32
        %add3A_211 = arith.addi %mul3A_209, %add3A_210 : i32
        %mul3A_212 = arith.constant 80 : i32
        %mul3A_213 = arith.muli %add3A_211, %mul3A_212 : i32
        %add3A_214 = arith.addi %mul3A_6, %mul3A_213 : i32
        %dma_start3A_215 = arith.constant 1 : i32
        %dma_start3A_216 = arith.constant 0 : i32
        %dma_start3A_217 = tpu.memref_slice %arg6[%dma_start3A_215, %dma_start3A_216] : memref<5x80xi32, #tpu.memory_space<vmem>> -> memref<1x80xi32, #tpu.memory_space<vmem>>
        %dma_start3A_218 = tpu.memref_squeeze %dma_start3A_217 : memref<1x80xi32, #tpu.memory_space<vmem>> -> memref<80xi32, #tpu.memory_space<vmem>>
        %dma_start3A_219 = tpu.memref_slice %arg2[%add3A_214] : memref<320000xi32, #tpu.memory_space<hbm>> -> memref<80xi32, #tpu.memory_space<hbm>>
        %dma_start3A_220 = arith.constant 0 : i32
        %dma_start3A_221 = tpu.memref_slice %arg6[%dma_start3A_215, %dma_start3A_220] : memref<5x80xi32, #tpu.memory_space<vmem>> -> memref<1x80xi32, #tpu.memory_space<vmem>>
        %dma_start3A_222 = tpu.memref_squeeze %dma_start3A_221 : memref<1x80xi32, #tpu.memory_space<vmem>> -> memref<80xi32, #tpu.memory_space<vmem>>
        %dma_start3A_223 = tpu.memref_slice %arg2[%add3A_214] : memref<320000xi32, #tpu.memory_space<hbm>> -> memref<80xi32, #tpu.memory_space<hbm>>
        tpu.enqueue_dma source(%dma_start3A_223 : memref<80xi32, #tpu.memory_space<hbm>>) target(%dma_start3A_222 : memref<80xi32, #tpu.memory_space<vmem>>) target_semaphore(%arg9 : memref<!tpu.dma_semaphore, #tpu.memory_space<semaphore_mem>>)
        %add3A_224 = arith.constant 1 : i32
        %add3A_225 = arith.addi %scan3A_71, %add3A_224 : i32
        %mul3A_226 = arith.constant 5 : i32
        %mul3A_227 = arith.muli %add3A_225, %mul3A_226 : i32
        %add3A_228 = arith.constant 2 : i32
        %add3A_229 = arith.addi %mul3A_227, %add3A_228 : i32
        %mul3A_230 = arith.constant 80 : i32
        %mul3A_231 = arith.muli %add3A_229, %mul3A_230 : i32
        %add3A_232 = arith.addi %mul3A_6, %mul3A_231 : i32
        %dma_start3A_233 = arith.constant 2 : i32
        %dma_start3A_234 = arith.constant 0 : i32
        %dma_start3A_235 = tpu.memref_slice %arg6[%dma_start3A_233, %dma_start3A_234] : memref<5x80xi32, #tpu.memory_space<vmem>> -> memref<1x80xi32, #tpu.memory_space<vmem>>
        %dma_start3A_236 = tpu.memref_squeeze %dma_start3A_235 : memref<1x80xi32, #tpu.memory_space<vmem>> -> memref<80xi32, #tpu.memory_space<vmem>>
        %dma_start3A_237 = tpu.memref_slice %arg2[%add3A_232] : memref<320000xi32, #tpu.memory_space<hbm>> -> memref<80xi32, #tpu.memory_space<hbm>>
        %dma_start3A_238 = arith.constant 0 : i32
        %dma_start3A_239 = tpu.memref_slice %arg6[%dma_start3A_233, %dma_start3A_238] : memref<5x80xi32, #tpu.memory_space<vmem>> -> memref<1x80xi32, #tpu.memory_space<vmem>>
        %dma_start3A_240 = tpu.memref_squeeze %dma_start3A_239 : memref<1x80xi32, #tpu.memory_space<vmem>> -> memref<80xi32, #tpu.memory_space<vmem>>
        %dma_start3A_241 = tpu.memref_slice %arg2[%add3A_232] : memref<320000xi32, #tpu.memory_space<hbm>> -> memref<80xi32, #tpu.memory_space<hbm>>
        tpu.enqueue_dma source(%dma_start3A_241 : memref<80xi32, #tpu.memory_space<hbm>>) target(%dma_start3A_240 : memref<80xi32, #tpu.memory_space<vmem>>) target_semaphore(%arg9 : memref<!tpu.dma_semaphore, #tpu.memory_space<semaphore_mem>>)
        %add3A_242 = arith.constant 1 : i32
        %add3A_243 = arith.addi %scan3A_71, %add3A_242 : i32
        %mul3A_244 = arith.constant 5 : i32
        %mul3A_245 = arith.muli %add3A_243, %mul3A_244 : i32
        %add3A_246 = arith.constant 3 : i32
        %add3A_247 = arith.addi %mul3A_245, %add3A_246 : i32
        %mul3A_248 = arith.constant 80 : i32
        %mul3A_249 = arith.muli %add3A_247, %mul3A_248 : i32
        %add3A_250 = arith.addi %mul3A_6, %mul3A_249 : i32
        %dma_start3A_251 = arith.constant 3 : i32
        %dma_start3A_252 = arith.constant 0 : i32
        %dma_start3A_253 = tpu.memref_slice %arg6[%dma_start3A_251, %dma_start3A_252] : memref<5x80xi32, #tpu.memory_space<vmem>> -> memref<1x80xi32, #tpu.memory_space<vmem>>
        %dma_start3A_254 = tpu.memref_squeeze %dma_start3A_253 : memref<1x80xi32, #tpu.memory_space<vmem>> -> memref<80xi32, #tpu.memory_space<vmem>>
        %dma_start3A_255 = tpu.memref_slice %arg2[%add3A_250] : memref<320000xi32, #tpu.memory_space<hbm>> -> memref<80xi32, #tpu.memory_space<hbm>>
        %dma_start3A_256 = arith.constant 0 : i32
        %dma_start3A_257 = tpu.memref_slice %arg6[%dma_start3A_251, %dma_start3A_256] : memref<5x80xi32, #tpu.memory_space<vmem>> -> memref<1x80xi32, #tpu.memory_space<vmem>>
        %dma_start3A_258 = tpu.memref_squeeze %dma_start3A_257 : memref<1x80xi32, #tpu.memory_space<vmem>> -> memref<80xi32, #tpu.memory_space<vmem>>
        %dma_start3A_259 = tpu.memref_slice %arg2[%add3A_250] : memref<320000xi32, #tpu.memory_space<hbm>> -> memref<80xi32, #tpu.memory_space<hbm>>
        tpu.enqueue_dma source(%dma_start3A_259 : memref<80xi32, #tpu.memory_space<hbm>>) target(%dma_start3A_258 : memref<80xi32, #tpu.memory_space<vmem>>) target_semaphore(%arg9 : memref<!tpu.dma_semaphore, #tpu.memory_space<semaphore_mem>>)
        %add3A_260 = arith.constant 1 : i32
        %add3A_261 = arith.addi %scan3A_71, %add3A_260 : i32
        %mul3A_262 = arith.constant 5 : i32
        %mul3A_263 = arith.muli %add3A_261, %mul3A_262 : i32
        %add3A_264 = arith.constant 4 : i32
        %add3A_265 = arith.addi %mul3A_263, %add3A_264 : i32
        %mul3A_266 = arith.constant 80 : i32
        %mul3A_267 = arith.muli %add3A_265, %mul3A_266 : i32
        %add3A_268 = arith.addi %mul3A_6, %mul3A_267 : i32
        %dma_start3A_269 = arith.constant 4 : i32
        %dma_start3A_270 = arith.constant 0 : i32
        %dma_start3A_271 = tpu.memref_slice %arg6[%dma_start3A_269, %dma_start3A_270] : memref<5x80xi32, #tpu.memory_space<vmem>> -> memref<1x80xi32, #tpu.memory_space<vmem>>
        %dma_start3A_272 = tpu.memref_squeeze %dma_start3A_271 : memref<1x80xi32, #tpu.memory_space<vmem>> -> memref<80xi32, #tpu.memory_space<vmem>>
        %dma_start3A_273 = tpu.memref_slice %arg2[%add3A_268] : memref<320000xi32, #tpu.memory_space<hbm>> -> memref<80xi32, #tpu.memory_space<hbm>>
        %dma_start3A_274 = arith.constant 0 : i32
        %dma_start3A_275 = tpu.memref_slice %arg6[%dma_start3A_269, %dma_start3A_274] : memref<5x80xi32, #tpu.memory_space<vmem>> -> memref<1x80xi32, #tpu.memory_space<vmem>>
        %dma_start3A_276 = tpu.memref_squeeze %dma_start3A_275 : memref<1x80xi32, #tpu.memory_space<vmem>> -> memref<80xi32, #tpu.memory_space<vmem>>
        %dma_start3A_277 = tpu.memref_slice %arg2[%add3A_268] : memref<320000xi32, #tpu.memory_space<hbm>> -> memref<80xi32, #tpu.memory_space<hbm>>
        tpu.enqueue_dma source(%dma_start3A_277 : memref<80xi32, #tpu.memory_space<hbm>>) target(%dma_start3A_276 : memref<80xi32, #tpu.memory_space<vmem>>) target_semaphore(%arg9 : memref<!tpu.dma_semaphore, #tpu.memory_space<semaphore_mem>>)
      } else {
      }
    }
    %scan3A_65 = arith.constant 25 : i32
    %barrier3A_66 = arith.constant 0 : index
    tpu.barrier barrier_id(%barrier3A_66)
    %mul3A_67 = arith.constant 640 : i32
    %mul3A_68 = arith.muli %arg1, %mul3A_67 : i32
    %mul3A_69 = arith.constant 640 : i32
    %mul3A_70 = arith.muli %arg1, %mul3A_69 : i32
    "tpu.region"() ({
      %run_scoped3A = tpu.sem_alloc : memref<!tpu.dma_semaphore, #tpu.memory_space<semaphore_mem>>
      %dma_start3A_71 = tpu.memref_slice %arg5[%arg0, %mul3A_70] : memref<2x10240xf32, #tpu.memory_space<hbm>> -> memref<1x640xf32, #tpu.memory_space<hbm>>
      %dma_start3A_72 = tpu.memref_squeeze %dma_start3A_71 : memref<1x640xf32, #tpu.memory_space<hbm>> -> memref<640xf32, #tpu.memory_space<hbm>>
      %dma_start3A_73 = tpu.memref_slice %arg8[%mul3A_68] : memref<10240xf32, #tpu.memory_space<vmem_shared>> -> memref<640xf32, #tpu.memory_space<vmem_shared>>
      tpu.enqueue_dma source(%dma_start3A_73 : memref<640xf32, #tpu.memory_space<vmem_shared>>) target(%dma_start3A_72 : memref<640xf32, #tpu.memory_space<hbm>>) target_semaphore(%run_scoped3A : memref<!tpu.dma_semaphore, #tpu.memory_space<semaphore_mem>>)
      %dma_wait3A = tpu.memref_slice %arg5[%arg0, %mul3A_70] : memref<2x10240xf32, #tpu.memory_space<hbm>> -> memref<1x640xf32, #tpu.memory_space<hbm>>
      %dma_wait3A_74 = tpu.memref_squeeze %dma_wait3A : memref<1x640xf32, #tpu.memory_space<hbm>> -> memref<640xf32, #tpu.memory_space<hbm>>
      %dma_wait3A_75 = tpu.memref_slice %arg8[%mul3A_68] : memref<10240xf32, #tpu.memory_space<vmem_shared>> -> memref<640xf32, #tpu.memory_space<vmem_shared>>
      tpu.wait_dma2 semaphore(%run_scoped3A : memref<!tpu.dma_semaphore, #tpu.memory_space<semaphore_mem>>) src(%dma_wait3A_75 : memref<640xf32, #tpu.memory_space<vmem_shared>>) dst(%dma_wait3A_74 : memref<640xf32, #tpu.memory_space<hbm>>)
      tpu.yield
    }) : () -> ()
    return
  }
}

#map = affine_map<(d0, d1) -> (0)>
#map1 = affine_map<(d0, d1) -> (0, 0)>
#map2 = affine_map<(d0, d1) -> (0, 0, 0)>
module attributes {stable_mosaic.version = 14 : i64} {
  func.func @_prop_body(%arg0: i32, %arg1: i32, %arg2: memref<320000xi32, #tpu.memory_space<hbm>>, %arg3: memref<320000xi32, #tpu.memory_space<hbm>>, %arg4: memref<10000x128xf32, #tpu.memory_space<hbm>>, %arg5: memref<10240x128xf32, #tpu.memory_space<hbm>>, %arg6: memref<2x10240x128xf32, #tpu.memory_space<hbm>>, %arg7: memref<2x2x80xi32, #tpu.memory_space<vmem>>, %arg8: memref<2x2x80xi32, #tpu.memory_space<vmem>>, %arg9: memref<2x2x80x128xf32, #tpu.memory_space<vmem>>, %arg10: memref<10240x128xf32, #tpu.memory_space<vmem_shared>>, %arg11: memref<!tpu.dma_semaphore, #tpu.memory_space<semaphore_mem>>, %arg12: memref<!tpu.dma_semaphore, #tpu.memory_space<semaphore_mem>>, %arg13: memref<!tpu.dma_semaphore, #tpu.memory_space<semaphore_mem>>) attributes {dimension_semantics = [#tpu.dimension_semantics<core_parallel>, #tpu.dimension_semantics<subcore_parallel>], iteration_bounds = array<i64: 2, 16>, scalar_prefetch = 0 : i64, scratch_operands = 7 : i64, tpu.core_type = #tpu.core_type<sc_vector_subcore>, window_params = [{transform_indices = #map}, {transform_indices = #map}, {transform_indices = #map1}, {transform_indices = #map1}, {transform_indices = #map2}]} {
    %mul3A = arith.constant 2 : i32
    %mul3A_0 = arith.muli %arg1, %mul3A : i32
    %add3A = arith.addi %mul3A_0, %arg0 : i32
    %mul3A_1 = arith.constant 640 : i32
    %mul3A_2 = arith.muli %arg1, %mul3A_1 : i32
    %mul3A_3 = arith.constant 640 : i32
    %mul3A_4 = arith.muli %arg1, %mul3A_3 : i32
    "tpu.region"() ({
      %run_scoped3A_124 = tpu.sem_alloc : memref<!tpu.dma_semaphore, #tpu.memory_space<semaphore_mem>>
      %dma_start3A_125 = arith.constant 0 : i32
      %dma_start3A_126 = tpu.memref_slice %arg10[%mul3A_4, %dma_start3A_125] : memref<10240x128xf32, #tpu.memory_space<vmem_shared>> -> memref<640x128xf32, #tpu.memory_space<vmem_shared>>
      %dma_start3A_127 = arith.constant 0 : i32
      %dma_start3A_128 = tpu.memref_slice %arg5[%mul3A_2, %dma_start3A_127] : memref<10240x128xf32, #tpu.memory_space<hbm>> -> memref<640x128xf32, #tpu.memory_space<hbm>>
      tpu.enqueue_dma source(%dma_start3A_128 : memref<640x128xf32, #tpu.memory_space<hbm>>) target(%dma_start3A_126 : memref<640x128xf32, #tpu.memory_space<vmem_shared>>) target_semaphore(%run_scoped3A_124 : memref<!tpu.dma_semaphore, #tpu.memory_space<semaphore_mem>>)
      %dma_wait3A_129 = arith.constant 0 : i32
      %dma_wait3A_130 = tpu.memref_slice %arg10[%mul3A_4, %dma_wait3A_129] : memref<10240x128xf32, #tpu.memory_space<vmem_shared>> -> memref<640x128xf32, #tpu.memory_space<vmem_shared>>
      %dma_wait3A_131 = arith.constant 0 : i32
      %dma_wait3A_132 = tpu.memref_slice %arg5[%mul3A_2, %dma_wait3A_131] : memref<10240x128xf32, #tpu.memory_space<hbm>> -> memref<640x128xf32, #tpu.memory_space<hbm>>
      tpu.wait_dma2 semaphore(%run_scoped3A_124 : memref<!tpu.dma_semaphore, #tpu.memory_space<semaphore_mem>>) src(%dma_wait3A_132 : memref<640x128xf32, #tpu.memory_space<hbm>>) dst(%dma_wait3A_130 : memref<640x128xf32, #tpu.memory_space<vmem_shared>>)
      tpu.yield
    }) : () -> ()
    %barrier3A = arith.constant 0 : index
    tpu.barrier barrier_id(%barrier3A)
    %mul3A_5 = arith.constant 10000 : i32
    %mul3A_6 = arith.muli %add3A, %mul3A_5 : i32
    %add3A_7 = arith.constant 0 : i32
    %add3A_8 = arith.addi %mul3A_6, %add3A_7 : i32
    %dma_start3A = arith.constant 0 : i32
    %dma_start3A_9 = arith.constant 0 : i32
    %dma_start3A_10 = arith.constant 0 : i32
    %dma_start3A_11 = tpu.memref_slice %arg7[%dma_start3A, %dma_start3A_9, %dma_start3A_10] : memref<2x2x80xi32, #tpu.memory_space<vmem>> -> memref<1x1x80xi32, #tpu.memory_space<vmem>>
    %dma_start3A_12 = tpu.memref_squeeze %dma_start3A_11 : memref<1x1x80xi32, #tpu.memory_space<vmem>> -> memref<80xi32, #tpu.memory_space<vmem>>
    %dma_start3A_13 = tpu.memref_slice %arg2[%add3A_8] : memref<320000xi32, #tpu.memory_space<hbm>> -> memref<80xi32, #tpu.memory_space<hbm>>
    %dma_start3A_14 = arith.constant 0 : i32
    %dma_start3A_15 = tpu.memref_slice %arg7[%dma_start3A, %dma_start3A_9, %dma_start3A_14] : memref<2x2x80xi32, #tpu.memory_space<vmem>> -> memref<1x1x80xi32, #tpu.memory_space<vmem>>
    %dma_start3A_16 = tpu.memref_squeeze %dma_start3A_15 : memref<1x1x80xi32, #tpu.memory_space<vmem>> -> memref<80xi32, #tpu.memory_space<vmem>>
    %dma_start3A_17 = tpu.memref_slice %arg2[%add3A_8] : memref<320000xi32, #tpu.memory_space<hbm>> -> memref<80xi32, #tpu.memory_space<hbm>>
    tpu.enqueue_dma source(%dma_start3A_17 : memref<80xi32, #tpu.memory_space<hbm>>) target(%dma_start3A_16 : memref<80xi32, #tpu.memory_space<vmem>>) target_semaphore(%arg11 : memref<!tpu.dma_semaphore, #tpu.memory_space<semaphore_mem>>)
    %dma_start3A_18 = arith.constant 0 : i32
    %dma_start3A_19 = arith.constant 0 : i32
    %dma_start3A_20 = arith.constant 0 : i32
    %dma_start3A_21 = tpu.memref_slice %arg8[%dma_start3A_18, %dma_start3A_19, %dma_start3A_20] : memref<2x2x80xi32, #tpu.memory_space<vmem>> -> memref<1x1x80xi32, #tpu.memory_space<vmem>>
    %dma_start3A_22 = tpu.memref_squeeze %dma_start3A_21 : memref<1x1x80xi32, #tpu.memory_space<vmem>> -> memref<80xi32, #tpu.memory_space<vmem>>
    %dma_start3A_23 = tpu.memref_slice %arg3[%add3A_8] : memref<320000xi32, #tpu.memory_space<hbm>> -> memref<80xi32, #tpu.memory_space<hbm>>
    %dma_start3A_24 = arith.constant 0 : i32
    %dma_start3A_25 = tpu.memref_slice %arg8[%dma_start3A_18, %dma_start3A_19, %dma_start3A_24] : memref<2x2x80xi32, #tpu.memory_space<vmem>> -> memref<1x1x80xi32, #tpu.memory_space<vmem>>
    %dma_start3A_26 = tpu.memref_squeeze %dma_start3A_25 : memref<1x1x80xi32, #tpu.memory_space<vmem>> -> memref<80xi32, #tpu.memory_space<vmem>>
    %dma_start3A_27 = tpu.memref_slice %arg3[%add3A_8] : memref<320000xi32, #tpu.memory_space<hbm>> -> memref<80xi32, #tpu.memory_space<hbm>>
    tpu.enqueue_dma source(%dma_start3A_27 : memref<80xi32, #tpu.memory_space<hbm>>) target(%dma_start3A_26 : memref<80xi32, #tpu.memory_space<vmem>>) target_semaphore(%arg11 : memref<!tpu.dma_semaphore, #tpu.memory_space<semaphore_mem>>)
    %add3A_28 = arith.constant 80 : i32
    %add3A_29 = arith.addi %mul3A_6, %add3A_28 : i32
    %dma_start3A_30 = arith.constant 0 : i32
    %dma_start3A_31 = arith.constant 1 : i32
    %dma_start3A_32 = arith.constant 0 : i32
    %dma_start3A_33 = tpu.memref_slice %arg7[%dma_start3A_30, %dma_start3A_31, %dma_start3A_32] : memref<2x2x80xi32, #tpu.memory_space<vmem>> -> memref<1x1x80xi32, #tpu.memory_space<vmem>>
    %dma_start3A_34 = tpu.memref_squeeze %dma_start3A_33 : memref<1x1x80xi32, #tpu.memory_space<vmem>> -> memref<80xi32, #tpu.memory_space<vmem>>
    %dma_start3A_35 = tpu.memref_slice %arg2[%add3A_29] : memref<320000xi32, #tpu.memory_space<hbm>> -> memref<80xi32, #tpu.memory_space<hbm>>
    %dma_start3A_36 = arith.constant 0 : i32
    %dma_start3A_37 = tpu.memref_slice %arg7[%dma_start3A_30, %dma_start3A_31, %dma_start3A_36] : memref<2x2x80xi32, #tpu.memory_space<vmem>> -> memref<1x1x80xi32, #tpu.memory_space<vmem>>
    %dma_start3A_38 = tpu.memref_squeeze %dma_start3A_37 : memref<1x1x80xi32, #tpu.memory_space<vmem>> -> memref<80xi32, #tpu.memory_space<vmem>>
    %dma_start3A_39 = tpu.memref_slice %arg2[%add3A_29] : memref<320000xi32, #tpu.memory_space<hbm>> -> memref<80xi32, #tpu.memory_space<hbm>>
    tpu.enqueue_dma source(%dma_start3A_39 : memref<80xi32, #tpu.memory_space<hbm>>) target(%dma_start3A_38 : memref<80xi32, #tpu.memory_space<vmem>>) target_semaphore(%arg11 : memref<!tpu.dma_semaphore, #tpu.memory_space<semaphore_mem>>)
    %dma_start3A_40 = arith.constant 0 : i32
    %dma_start3A_41 = arith.constant 1 : i32
    %dma_start3A_42 = arith.constant 0 : i32
    %dma_start3A_43 = tpu.memref_slice %arg8[%dma_start3A_40, %dma_start3A_41, %dma_start3A_42] : memref<2x2x80xi32, #tpu.memory_space<vmem>> -> memref<1x1x80xi32, #tpu.memory_space<vmem>>
    %dma_start3A_44 = tpu.memref_squeeze %dma_start3A_43 : memref<1x1x80xi32, #tpu.memory_space<vmem>> -> memref<80xi32, #tpu.memory_space<vmem>>
    %dma_start3A_45 = tpu.memref_slice %arg3[%add3A_29] : memref<320000xi32, #tpu.memory_space<hbm>> -> memref<80xi32, #tpu.memory_space<hbm>>
    %dma_start3A_46 = arith.constant 0 : i32
    %dma_start3A_47 = tpu.memref_slice %arg8[%dma_start3A_40, %dma_start3A_41, %dma_start3A_46] : memref<2x2x80xi32, #tpu.memory_space<vmem>> -> memref<1x1x80xi32, #tpu.memory_space<vmem>>
    %dma_start3A_48 = tpu.memref_squeeze %dma_start3A_47 : memref<1x1x80xi32, #tpu.memory_space<vmem>> -> memref<80xi32, #tpu.memory_space<vmem>>
    %dma_start3A_49 = tpu.memref_slice %arg3[%add3A_29] : memref<320000xi32, #tpu.memory_space<hbm>> -> memref<80xi32, #tpu.memory_space<hbm>>
    tpu.enqueue_dma source(%dma_start3A_49 : memref<80xi32, #tpu.memory_space<hbm>>) target(%dma_start3A_48 : memref<80xi32, #tpu.memory_space<vmem>>) target_semaphore(%arg11 : memref<!tpu.dma_semaphore, #tpu.memory_space<semaphore_mem>>)
    %scan3A = arith.constant 0 : i32
    %scan3A_50 = arith.constant 0 : i32
    %scan3A_51 = arith.constant 31 : i32
    %scan3A_52 = arith.addi %scan3A_50, %scan3A_51 : i32
    %scan3A_53 = arith.constant 1 : i32
    scf.for %scan3A_124 = %scan3A_50 to %scan3A_52 step %scan3A_53  : i32 {
      %dma_wait3A_125 = arith.constant 0 : i32
      %dma_wait3A_126 = arith.constant 0 : i32
      %dma_wait3A_127 = arith.constant 0 : i32
      %dma_wait3A_128 = tpu.memref_slice %arg7[%dma_wait3A_125, %dma_wait3A_126, %dma_wait3A_127] : memref<2x2x80xi32, #tpu.memory_space<vmem>> -> memref<1x1x80xi32, #tpu.memory_space<vmem>>
      %dma_wait3A_129 = tpu.memref_squeeze %dma_wait3A_128 : memref<1x1x80xi32, #tpu.memory_space<vmem>> -> memref<80xi32, #tpu.memory_space<vmem>>
      %dma_wait3A_130 = arith.constant 0 : i32
      %dma_wait3A_131 = tpu.memref_slice %arg2[%dma_wait3A_130] : memref<320000xi32, #tpu.memory_space<hbm>> -> memref<80xi32, #tpu.memory_space<hbm>>
      %dma_wait3A_132 = arith.constant 0 : i32
      %dma_wait3A_133 = tpu.memref_slice %arg7[%dma_wait3A_125, %dma_wait3A_126, %dma_wait3A_132] : memref<2x2x80xi32, #tpu.memory_space<vmem>> -> memref<1x1x80xi32, #tpu.memory_space<vmem>>
      %dma_wait3A_134 = tpu.memref_squeeze %dma_wait3A_133 : memref<1x1x80xi32, #tpu.memory_space<vmem>> -> memref<80xi32, #tpu.memory_space<vmem>>
      %dma_wait3A_135 = arith.constant 0 : i32
      %dma_wait3A_136 = tpu.memref_slice %arg2[%dma_wait3A_135] : memref<320000xi32, #tpu.memory_space<hbm>> -> memref<80xi32, #tpu.memory_space<hbm>>
      tpu.wait_dma2 semaphore(%arg11 : memref<!tpu.dma_semaphore, #tpu.memory_space<semaphore_mem>>) src(%dma_wait3A_136 : memref<80xi32, #tpu.memory_space<hbm>>) dst(%dma_wait3A_134 : memref<80xi32, #tpu.memory_space<vmem>>)
      %dma_wait3A_137 = arith.constant 0 : i32
      %dma_wait3A_138 = arith.constant 0 : i32
      %dma_wait3A_139 = arith.constant 0 : i32
      %dma_wait3A_140 = tpu.memref_slice %arg8[%dma_wait3A_137, %dma_wait3A_138, %dma_wait3A_139] : memref<2x2x80xi32, #tpu.memory_space<vmem>> -> memref<1x1x80xi32, #tpu.memory_space<vmem>>
      %dma_wait3A_141 = tpu.memref_squeeze %dma_wait3A_140 : memref<1x1x80xi32, #tpu.memory_space<vmem>> -> memref<80xi32, #tpu.memory_space<vmem>>
      %dma_wait3A_142 = arith.constant 0 : i32
      %dma_wait3A_143 = tpu.memref_slice %arg3[%dma_wait3A_142] : memref<320000xi32, #tpu.memory_space<hbm>> -> memref<80xi32, #tpu.memory_space<hbm>>
      %dma_wait3A_144 = arith.constant 0 : i32
      %dma_wait3A_145 = tpu.memref_slice %arg8[%dma_wait3A_137, %dma_wait3A_138, %dma_wait3A_144] : memref<2x2x80xi32, #tpu.memory_space<vmem>> -> memref<1x1x80xi32, #tpu.memory_space<vmem>>
      %dma_wait3A_146 = tpu.memref_squeeze %dma_wait3A_145 : memref<1x1x80xi32, #tpu.memory_space<vmem>> -> memref<80xi32, #tpu.memory_space<vmem>>
      %dma_wait3A_147 = arith.constant 0 : i32
      %dma_wait3A_148 = tpu.memref_slice %arg3[%dma_wait3A_147] : memref<320000xi32, #tpu.memory_space<hbm>> -> memref<80xi32, #tpu.memory_space<hbm>>
      tpu.wait_dma2 semaphore(%arg11 : memref<!tpu.dma_semaphore, #tpu.memory_space<semaphore_mem>>) src(%dma_wait3A_148 : memref<80xi32, #tpu.memory_space<hbm>>) dst(%dma_wait3A_146 : memref<80xi32, #tpu.memory_space<vmem>>)
      %dma_wait3A_149 = arith.constant 0 : i32
      %dma_wait3A_150 = arith.constant 1 : i32
      %dma_wait3A_151 = arith.constant 0 : i32
      %dma_wait3A_152 = tpu.memref_slice %arg7[%dma_wait3A_149, %dma_wait3A_150, %dma_wait3A_151] : memref<2x2x80xi32, #tpu.memory_space<vmem>> -> memref<1x1x80xi32, #tpu.memory_space<vmem>>
      %dma_wait3A_153 = tpu.memref_squeeze %dma_wait3A_152 : memref<1x1x80xi32, #tpu.memory_space<vmem>> -> memref<80xi32, #tpu.memory_space<vmem>>
      %dma_wait3A_154 = arith.constant 0 : i32
      %dma_wait3A_155 = tpu.memref_slice %arg2[%dma_wait3A_154] : memref<320000xi32, #tpu.memory_space<hbm>> -> memref<80xi32, #tpu.memory_space<hbm>>
      %dma_wait3A_156 = arith.constant 0 : i32
      %dma_wait3A_157 = tpu.memref_slice %arg7[%dma_wait3A_149, %dma_wait3A_150, %dma_wait3A_156] : memref<2x2x80xi32, #tpu.memory_space<vmem>> -> memref<1x1x80xi32, #tpu.memory_space<vmem>>
      %dma_wait3A_158 = tpu.memref_squeeze %dma_wait3A_157 : memref<1x1x80xi32, #tpu.memory_space<vmem>> -> memref<80xi32, #tpu.memory_space<vmem>>
      %dma_wait3A_159 = arith.constant 0 : i32
      %dma_wait3A_160 = tpu.memref_slice %arg2[%dma_wait3A_159] : memref<320000xi32, #tpu.memory_space<hbm>> -> memref<80xi32, #tpu.memory_space<hbm>>
      tpu.wait_dma2 semaphore(%arg11 : memref<!tpu.dma_semaphore, #tpu.memory_space<semaphore_mem>>) src(%dma_wait3A_160 : memref<80xi32, #tpu.memory_space<hbm>>) dst(%dma_wait3A_158 : memref<80xi32, #tpu.memory_space<vmem>>)
      %dma_wait3A_161 = arith.constant 0 : i32
      %dma_wait3A_162 = arith.constant 1 : i32
      %dma_wait3A_163 = arith.constant 0 : i32
      %dma_wait3A_164 = tpu.memref_slice %arg8[%dma_wait3A_161, %dma_wait3A_162, %dma_wait3A_163] : memref<2x2x80xi32, #tpu.memory_space<vmem>> -> memref<1x1x80xi32, #tpu.memory_space<vmem>>
      %dma_wait3A_165 = tpu.memref_squeeze %dma_wait3A_164 : memref<1x1x80xi32, #tpu.memory_space<vmem>> -> memref<80xi32, #tpu.memory_space<vmem>>
      %dma_wait3A_166 = arith.constant 0 : i32
      %dma_wait3A_167 = tpu.memref_slice %arg3[%dma_wait3A_166] : memref<320000xi32, #tpu.memory_space<hbm>> -> memref<80xi32, #tpu.memory_space<hbm>>
      %dma_wait3A_168 = arith.constant 0 : i32
      %dma_wait3A_169 = tpu.memref_slice %arg8[%dma_wait3A_161, %dma_wait3A_162, %dma_wait3A_168] : memref<2x2x80xi32, #tpu.memory_space<vmem>> -> memref<1x1x80xi32, #tpu.memory_space<vmem>>
      %dma_wait3A_170 = tpu.memref_squeeze %dma_wait3A_169 : memref<1x1x80xi32, #tpu.memory_space<vmem>> -> memref<80xi32, #tpu.memory_space<vmem>>
      %dma_wait3A_171 = arith.constant 0 : i32
      %dma_wait3A_172 = tpu.memref_slice %arg3[%dma_wait3A_171] : memref<320000xi32, #tpu.memory_space<hbm>> -> memref<80xi32, #tpu.memory_space<hbm>>
      tpu.wait_dma2 semaphore(%arg11 : memref<!tpu.dma_semaphore, #tpu.memory_space<semaphore_mem>>) src(%dma_wait3A_172 : memref<80xi32, #tpu.memory_space<hbm>>) dst(%dma_wait3A_170 : memref<80xi32, #tpu.memory_space<vmem>>)
      %dma_start3A_173 = arith.constant 0 : i32
      %dma_start3A_174 = arith.constant 0 : i32
      %dma_start3A_175 = arith.constant 0 : i32
      %dma_start3A_176 = arith.constant 0 : i32
      %dma_start3A_177 = arith.constant 0 : i32
      %dma_start3A_178 = arith.constant 0 : i32
      %dma_start3A_179 = tpu.memref_slice %arg9[%dma_start3A_175, %dma_start3A_176, %dma_start3A_177, %dma_start3A_178] : memref<2x2x80x128xf32, #tpu.memory_space<vmem>> -> memref<1x1x80x128xf32, #tpu.memory_space<vmem>>
      %dma_start3A_180 = tpu.memref_squeeze %dma_start3A_179 : memref<1x1x80x128xf32, #tpu.memory_space<vmem>> -> memref<80x128xf32, #tpu.memory_space<vmem>>
      %dma_start3A_181 = arith.constant 0 : i32
      %dma_start3A_182 = tpu.memref_slice %arg7[%dma_start3A_173, %dma_start3A_174, %dma_start3A_181] : memref<2x2x80xi32, #tpu.memory_space<vmem>> -> memref<1x1x80xi32, #tpu.memory_space<vmem>>
      %dma_start3A_183 = tpu.memref_squeeze %dma_start3A_182 : memref<1x1x80xi32, #tpu.memory_space<vmem>> -> memref<80xi32, #tpu.memory_space<vmem>>
      %dma_start3A_184 = arith.constant 0 : i32
      %dma_start3A_185 = arith.constant 0 : i32
      %dma_start3A_186 = tpu.memref_slice %arg4[%dma_start3A_184, %dma_start3A_185] : memref<10000x128xf32, #tpu.memory_space<hbm>> -> memref<10000x128xf32, #tpu.memory_space<hbm>>
      tpu.enqueue_indirect_dma source(%dma_start3A_186 : memref<10000x128xf32, #tpu.memory_space<hbm>>) target(%dma_start3A_180 : memref<80x128xf32, #tpu.memory_space<vmem>>) offsets(%dma_start3A_183 : memref<80xi32, #tpu.memory_space<vmem>>) semaphore(%arg12 : memref<!tpu.dma_semaphore, #tpu.memory_space<semaphore_mem>>)
      %dma_start3A_187 = arith.constant 0 : i32
      %dma_start3A_188 = arith.constant 1 : i32
      %dma_start3A_189 = arith.constant 0 : i32
      %dma_start3A_190 = arith.constant 1 : i32
      %dma_start3A_191 = arith.constant 0 : i32
      %dma_start3A_192 = arith.constant 0 : i32
      %dma_start3A_193 = tpu.memref_slice %arg9[%dma_start3A_189, %dma_start3A_190, %dma_start3A_191, %dma_start3A_192] : memref<2x2x80x128xf32, #tpu.memory_space<vmem>> -> memref<1x1x80x128xf32, #tpu.memory_space<vmem>>
      %dma_start3A_194 = tpu.memref_squeeze %dma_start3A_193 : memref<1x1x80x128xf32, #tpu.memory_space<vmem>> -> memref<80x128xf32, #tpu.memory_space<vmem>>
      %dma_start3A_195 = arith.constant 0 : i32
      %dma_start3A_196 = tpu.memref_slice %arg7[%dma_start3A_187, %dma_start3A_188, %dma_start3A_195] : memref<2x2x80xi32, #tpu.memory_space<vmem>> -> memref<1x1x80xi32, #tpu.memory_space<vmem>>
      %dma_start3A_197 = tpu.memref_squeeze %dma_start3A_196 : memref<1x1x80xi32, #tpu.memory_space<vmem>> -> memref<80xi32, #tpu.memory_space<vmem>>
      %dma_start3A_198 = arith.constant 0 : i32
      %dma_start3A_199 = arith.constant 0 : i32
      %dma_start3A_200 = tpu.memref_slice %arg4[%dma_start3A_198, %dma_start3A_199] : memref<10000x128xf32, #tpu.memory_space<hbm>> -> memref<10000x128xf32, #tpu.memory_space<hbm>>
      tpu.enqueue_indirect_dma source(%dma_start3A_200 : memref<10000x128xf32, #tpu.memory_space<hbm>>) target(%dma_start3A_194 : memref<80x128xf32, #tpu.memory_space<vmem>>) offsets(%dma_start3A_197 : memref<80xi32, #tpu.memory_space<vmem>>) semaphore(%arg12 : memref<!tpu.dma_semaphore, #tpu.memory_space<semaphore_mem>>)
      %gt3A = arith.constant 0 : i32
      %gt3A_201 = arith.cmpi sgt, %scan3A_124, %gt3A : i32
      %convert_element_type3A = arith.extui %gt3A_201 : i1 to i32
      %cond3A = arith.constant 0 : i32
      %cond3A_202 = arith.cmpi ne, %convert_element_type3A, %cond3A : i32
      scf.if %cond3A_202 {
        %dma_wait3A_479 = arith.constant 1 : i32
        %dma_wait3A_480 = arith.constant 0 : i32
        %dma_wait3A_481 = arith.constant 1 : i32
        %dma_wait3A_482 = arith.constant 0 : i32
        %dma_wait3A_483 = arith.constant 0 : i32
        %dma_wait3A_484 = arith.constant 0 : i32
        %dma_wait3A_485 = tpu.memref_slice %arg9[%dma_wait3A_479, %dma_wait3A_480, %dma_wait3A_483, %dma_wait3A_484] : memref<2x2x80x128xf32, #tpu.memory_space<vmem>> -> memref<1x1x80x128xf32, #tpu.memory_space<vmem>>
        %dma_wait3A_486 = tpu.memref_squeeze %dma_wait3A_485 : memref<1x1x80x128xf32, #tpu.memory_space<vmem>> -> memref<80x128xf32, #tpu.memory_space<vmem>>
        %dma_wait3A_487 = arith.constant 0 : i32
        %dma_wait3A_488 = tpu.memref_slice %arg8[%dma_wait3A_481, %dma_wait3A_482, %dma_wait3A_487] : memref<2x2x80xi32, #tpu.memory_space<vmem>> -> memref<1x1x80xi32, #tpu.memory_space<vmem>>
        %dma_wait3A_489 = tpu.memref_squeeze %dma_wait3A_488 : memref<1x1x80xi32, #tpu.memory_space<vmem>> -> memref<80xi32, #tpu.memory_space<vmem>>
        %dma_wait3A_490 = arith.constant 0 : i32
        %dma_wait3A_491 = arith.constant 0 : i32
        %dma_wait3A_492 = tpu.memref_slice %arg10[%dma_wait3A_490, %dma_wait3A_491] : memref<10240x128xf32, #tpu.memory_space<vmem_shared>> -> memref<10240x128xf32, #tpu.memory_space<vmem_shared>>
        tpu.wait_indirect_dma semaphore(%arg13 : memref<!tpu.dma_semaphore, #tpu.memory_space<semaphore_mem>>) src(%dma_wait3A_486 : memref<80x128xf32, #tpu.memory_space<vmem>>) dst(%dma_wait3A_492 : memref<10240x128xf32, #tpu.memory_space<vmem_shared>>)
        %dma_wait3A_493 = arith.constant 1 : i32
        %dma_wait3A_494 = arith.constant 1 : i32
        %dma_wait3A_495 = arith.constant 1 : i32
        %dma_wait3A_496 = arith.constant 1 : i32
        %dma_wait3A_497 = arith.constant 0 : i32
        %dma_wait3A_498 = arith.constant 0 : i32
        %dma_wait3A_499 = tpu.memref_slice %arg9[%dma_wait3A_493, %dma_wait3A_494, %dma_wait3A_497, %dma_wait3A_498] : memref<2x2x80x128xf32, #tpu.memory_space<vmem>> -> memref<1x1x80x128xf32, #tpu.memory_space<vmem>>
        %dma_wait3A_500 = tpu.memref_squeeze %dma_wait3A_499 : memref<1x1x80x128xf32, #tpu.memory_space<vmem>> -> memref<80x128xf32, #tpu.memory_space<vmem>>
        %dma_wait3A_501 = arith.constant 0 : i32
        %dma_wait3A_502 = tpu.memref_slice %arg8[%dma_wait3A_495, %dma_wait3A_496, %dma_wait3A_501] : memref<2x2x80xi32, #tpu.memory_space<vmem>> -> memref<1x1x80xi32, #tpu.memory_space<vmem>>
        %dma_wait3A_503 = tpu.memref_squeeze %dma_wait3A_502 : memref<1x1x80xi32, #tpu.memory_space<vmem>> -> memref<80xi32, #tpu.memory_space<vmem>>
        %dma_wait3A_504 = arith.constant 0 : i32
        %dma_wait3A_505 = arith.constant 0 : i32
        %dma_wait3A_506 = tpu.memref_slice %arg10[%dma_wait3A_504, %dma_wait3A_505] : memref<10240x128xf32, #tpu.memory_space<vmem_shared>> -> memref<10240x128xf32, #tpu.memory_space<vmem_shared>>
        tpu.wait_indirect_dma semaphore(%arg13 : memref<!tpu.dma_semaphore, #tpu.memory_space<semaphore_mem>>) src(%dma_wait3A_500 : memref<80x128xf32, #tpu.memory_space<vmem>>) dst(%dma_wait3A_506 : memref<10240x128xf32, #tpu.memory_space<vmem_shared>>)
      } else {
      }
      %mul3A_203 = arith.constant 2 : i32
      %mul3A_204 = arith.muli %scan3A_124, %mul3A_203 : i32
      %mul3A_205 = arith.constant 2 : i32
      %mul3A_206 = arith.muli %mul3A_204, %mul3A_205 : i32
      %add3A_207 = arith.constant 2 : i32
      %add3A_208 = arith.addi %mul3A_206, %add3A_207 : i32
      %add3A_209 = arith.constant 0 : i32
      %add3A_210 = arith.addi %add3A_208, %add3A_209 : i32
      %mul3A_211 = arith.constant 80 : i32
      %mul3A_212 = arith.muli %add3A_210, %mul3A_211 : i32
      %add3A_213 = arith.addi %mul3A_6, %mul3A_212 : i32
      %dma_start3A_214 = arith.constant 1 : i32
      %dma_start3A_215 = arith.constant 0 : i32
      %dma_start3A_216 = arith.constant 0 : i32
      %dma_start3A_217 = tpu.memref_slice %arg7[%dma_start3A_214, %dma_start3A_215, %dma_start3A_216] : memref<2x2x80xi32, #tpu.memory_space<vmem>> -> memref<1x1x80xi32, #tpu.memory_space<vmem>>
      %dma_start3A_218 = tpu.memref_squeeze %dma_start3A_217 : memref<1x1x80xi32, #tpu.memory_space<vmem>> -> memref<80xi32, #tpu.memory_space<vmem>>
      %dma_start3A_219 = tpu.memref_slice %arg2[%add3A_213] : memref<320000xi32, #tpu.memory_space<hbm>> -> memref<80xi32, #tpu.memory_space<hbm>>
      %dma_start3A_220 = arith.constant 0 : i32
      %dma_start3A_221 = tpu.memref_slice %arg7[%dma_start3A_214, %dma_start3A_215, %dma_start3A_220] : memref<2x2x80xi32, #tpu.memory_space<vmem>> -> memref<1x1x80xi32, #tpu.memory_space<vmem>>
      %dma_start3A_222 = tpu.memref_squeeze %dma_start3A_221 : memref<1x1x80xi32, #tpu.memory_space<vmem>> -> memref<80xi32, #tpu.memory_space<vmem>>
      %dma_start3A_223 = tpu.memref_slice %arg2[%add3A_213] : memref<320000xi32, #tpu.memory_space<hbm>> -> memref<80xi32, #tpu.memory_space<hbm>>
      tpu.enqueue_dma source(%dma_start3A_223 : memref<80xi32, #tpu.memory_space<hbm>>) target(%dma_start3A_222 : memref<80xi32, #tpu.memory_space<vmem>>) target_semaphore(%arg11 : memref<!tpu.dma_semaphore, #tpu.memory_space<semaphore_mem>>)
      %dma_start3A_224 = arith.constant 1 : i32
      %dma_start3A_225 = arith.constant 0 : i32
      %dma_start3A_226 = arith.constant 0 : i32
      %dma_start3A_227 = tpu.memref_slice %arg8[%dma_start3A_224, %dma_start3A_225, %dma_start3A_226] : memref<2x2x80xi32, #tpu.memory_space<vmem>> -> memref<1x1x80xi32, #tpu.memory_space<vmem>>
      %dma_start3A_228 = tpu.memref_squeeze %dma_start3A_227 : memref<1x1x80xi32, #tpu.memory_space<vmem>> -> memref<80xi32, #tpu.memory_space<vmem>>
      %dma_start3A_229 = tpu.memref_slice %arg3[%add3A_213] : memref<320000xi32, #tpu.memory_space<hbm>> -> memref<80xi32, #tpu.memory_space<hbm>>
      %dma_start3A_230 = arith.constant 0 : i32
      %dma_start3A_231 = tpu.memref_slice %arg8[%dma_start3A_224, %dma_start3A_225, %dma_start3A_230] : memref<2x2x80xi32, #tpu.memory_space<vmem>> -> memref<1x1x80xi32, #tpu.memory_space<vmem>>
      %dma_start3A_232 = tpu.memref_squeeze %dma_start3A_231 : memref<1x1x80xi32, #tpu.memory_space<vmem>> -> memref<80xi32, #tpu.memory_space<vmem>>
      %dma_start3A_233 = tpu.memref_slice %arg3[%add3A_213] : memref<320000xi32, #tpu.memory_space<hbm>> -> memref<80xi32, #tpu.memory_space<hbm>>
      tpu.enqueue_dma source(%dma_start3A_233 : memref<80xi32, #tpu.memory_space<hbm>>) target(%dma_start3A_232 : memref<80xi32, #tpu.memory_space<vmem>>) target_semaphore(%arg11 : memref<!tpu.dma_semaphore, #tpu.memory_space<semaphore_mem>>)
      %add3A_234 = arith.constant 1 : i32
      %add3A_235 = arith.addi %add3A_208, %add3A_234 : i32
      %mul3A_236 = arith.constant 80 : i32
      %mul3A_237 = arith.muli %add3A_235, %mul3A_236 : i32
      %add3A_238 = arith.addi %mul3A_6, %mul3A_237 : i32
      %dma_start3A_239 = arith.constant 1 : i32
      %dma_start3A_240 = arith.constant 1 : i32
      %dma_start3A_241 = arith.constant 0 : i32
      %dma_start3A_242 = tpu.memref_slice %arg7[%dma_start3A_239, %dma_start3A_240, %dma_start3A_241] : memref<2x2x80xi32, #tpu.memory_space<vmem>> -> memref<1x1x80xi32, #tpu.memory_space<vmem>>
      %dma_start3A_243 = tpu.memref_squeeze %dma_start3A_242 : memref<1x1x80xi32, #tpu.memory_space<vmem>> -> memref<80xi32, #tpu.memory_space<vmem>>
      %dma_start3A_244 = tpu.memref_slice %arg2[%add3A_238] : memref<320000xi32, #tpu.memory_space<hbm>> -> memref<80xi32, #tpu.memory_space<hbm>>
      %dma_start3A_245 = arith.constant 0 : i32
      %dma_start3A_246 = tpu.memref_slice %arg7[%dma_start3A_239, %dma_start3A_240, %dma_start3A_245] : memref<2x2x80xi32, #tpu.memory_space<vmem>> -> memref<1x1x80xi32, #tpu.memory_space<vmem>>
      %dma_start3A_247 = tpu.memref_squeeze %dma_start3A_246 : memref<1x1x80xi32, #tpu.memory_space<vmem>> -> memref<80xi32, #tpu.memory_space<vmem>>
      %dma_start3A_248 = tpu.memref_slice %arg2[%add3A_238] : memref<320000xi32, #tpu.memory_space<hbm>> -> memref<80xi32, #tpu.memory_space<hbm>>
      tpu.enqueue_dma source(%dma_start3A_248 : memref<80xi32, #tpu.memory_space<hbm>>) target(%dma_start3A_247 : memref<80xi32, #tpu.memory_space<vmem>>) target_semaphore(%arg11 : memref<!tpu.dma_semaphore, #tpu.memory_space<semaphore_mem>>)
      %dma_start3A_249 = arith.constant 1 : i32
      %dma_start3A_250 = arith.constant 1 : i32
      %dma_start3A_251 = arith.constant 0 : i32
      %dma_start3A_252 = tpu.memref_slice %arg8[%dma_start3A_249, %dma_start3A_250, %dma_start3A_251] : memref<2x2x80xi32, #tpu.memory_space<vmem>> -> memref<1x1x80xi32, #tpu.memory_space<vmem>>
      %dma_start3A_253 = tpu.memref_squeeze %dma_start3A_252 : memref<1x1x80xi32, #tpu.memory_space<vmem>> -> memref<80xi32, #tpu.memory_space<vmem>>
      %dma_start3A_254 = tpu.memref_slice %arg3[%add3A_238] : memref<320000xi32, #tpu.memory_space<hbm>> -> memref<80xi32, #tpu.memory_space<hbm>>
      %dma_start3A_255 = arith.constant 0 : i32
      %dma_start3A_256 = tpu.memref_slice %arg8[%dma_start3A_249, %dma_start3A_250, %dma_start3A_255] : memref<2x2x80xi32, #tpu.memory_space<vmem>> -> memref<1x1x80xi32, #tpu.memory_space<vmem>>
      %dma_start3A_257 = tpu.memref_squeeze %dma_start3A_256 : memref<1x1x80xi32, #tpu.memory_space<vmem>> -> memref<80xi32, #tpu.memory_space<vmem>>
      %dma_start3A_258 = tpu.memref_slice %arg3[%add3A_238] : memref<320000xi32, #tpu.memory_space<hbm>> -> memref<80xi32, #tpu.memory_space<hbm>>
      tpu.enqueue_dma source(%dma_start3A_258 : memref<80xi32, #tpu.memory_space<hbm>>) target(%dma_start3A_257 : memref<80xi32, #tpu.memory_space<vmem>>) target_semaphore(%arg11 : memref<!tpu.dma_semaphore, #tpu.memory_space<semaphore_mem>>)
      %dma_wait3A_259 = arith.constant 0 : i32
      %dma_wait3A_260 = arith.constant 0 : i32
      %dma_wait3A_261 = arith.constant 0 : i32
      %dma_wait3A_262 = arith.constant 0 : i32
      %dma_wait3A_263 = arith.constant 0 : i32
      %dma_wait3A_264 = arith.constant 0 : i32
      %dma_wait3A_265 = tpu.memref_slice %arg9[%dma_wait3A_261, %dma_wait3A_262, %dma_wait3A_263, %dma_wait3A_264] : memref<2x2x80x128xf32, #tpu.memory_space<vmem>> -> memref<1x1x80x128xf32, #tpu.memory_space<vmem>>
      %dma_wait3A_266 = tpu.memref_squeeze %dma_wait3A_265 : memref<1x1x80x128xf32, #tpu.memory_space<vmem>> -> memref<80x128xf32, #tpu.memory_space<vmem>>
      %dma_wait3A_267 = arith.constant 0 : i32
      %dma_wait3A_268 = tpu.memref_slice %arg7[%dma_wait3A_259, %dma_wait3A_260, %dma_wait3A_267] : memref<2x2x80xi32, #tpu.memory_space<vmem>> -> memref<1x1x80xi32, #tpu.memory_space<vmem>>
      %dma_wait3A_269 = tpu.memref_squeeze %dma_wait3A_268 : memref<1x1x80xi32, #tpu.memory_space<vmem>> -> memref<80xi32, #tpu.memory_space<vmem>>
      %dma_wait3A_270 = arith.constant 0 : i32
      %dma_wait3A_271 = arith.constant 0 : i32
      %dma_wait3A_272 = tpu.memref_slice %arg4[%dma_wait3A_270, %dma_wait3A_271] : memref<10000x128xf32, #tpu.memory_space<hbm>> -> memref<10000x128xf32, #tpu.memory_space<hbm>>
      tpu.wait_indirect_dma semaphore(%arg12 : memref<!tpu.dma_semaphore, #tpu.memory_space<semaphore_mem>>) src(%dma_wait3A_272 : memref<10000x128xf32, #tpu.memory_space<hbm>>) dst(%dma_wait3A_266 : memref<80x128xf32, #tpu.memory_space<vmem>>)
      %dma_wait3A_273 = arith.constant 0 : i32
      %dma_wait3A_274 = arith.constant 1 : i32
      %dma_wait3A_275 = arith.constant 0 : i32
      %dma_wait3A_276 = arith.constant 1 : i32
      %dma_wait3A_277 = arith.constant 0 : i32
      %dma_wait3A_278 = arith.constant 0 : i32
      %dma_wait3A_279 = tpu.memref_slice %arg9[%dma_wait3A_275, %dma_wait3A_276, %dma_wait3A_277, %dma_wait3A_278] : memref<2x2x80x128xf32, #tpu.memory_space<vmem>> -> memref<1x1x80x128xf32, #tpu.memory_space<vmem>>
      %dma_wait3A_280 = tpu.memref_squeeze %dma_wait3A_279 : memref<1x1x80x128xf32, #tpu.memory_space<vmem>> -> memref<80x128xf32, #tpu.memory_space<vmem>>
      %dma_wait3A_281 = arith.constant 0 : i32
      %dma_wait3A_282 = tpu.memref_slice %arg7[%dma_wait3A_273, %dma_wait3A_274, %dma_wait3A_281] : memref<2x2x80xi32, #tpu.memory_space<vmem>> -> memref<1x1x80xi32, #tpu.memory_space<vmem>>
      %dma_wait3A_283 = tpu.memref_squeeze %dma_wait3A_282 : memref<1x1x80xi32, #tpu.memory_space<vmem>> -> memref<80xi32, #tpu.memory_space<vmem>>
      %dma_wait3A_284 = arith.constant 0 : i32
      %dma_wait3A_285 = arith.constant 0 : i32
      %dma_wait3A_286 = tpu.memref_slice %arg4[%dma_wait3A_284, %dma_wait3A_285] : memref<10000x128xf32, #tpu.memory_space<hbm>> -> memref<10000x128xf32, #tpu.memory_space<hbm>>
      tpu.wait_indirect_dma semaphore(%arg12 : memref<!tpu.dma_semaphore, #tpu.memory_space<semaphore_mem>>) src(%dma_wait3A_286 : memref<10000x128xf32, #tpu.memory_space<hbm>>) dst(%dma_wait3A_280 : memref<80x128xf32, #tpu.memory_space<vmem>>)
      %dma_start3A_287 = arith.constant 0 : i32
      %dma_start3A_288 = arith.constant 0 : i32
      %dma_start3A_289 = arith.constant 0 : i32
      %dma_start3A_290 = arith.constant 0 : i32
      %dma_start3A_291 = arith.constant 0 : i32
      %dma_start3A_292 = arith.constant 0 : i32
      %dma_start3A_293 = tpu.memref_slice %arg9[%dma_start3A_287, %dma_start3A_288, %dma_start3A_291, %dma_start3A_292] : memref<2x2x80x128xf32, #tpu.memory_space<vmem>> -> memref<1x1x80x128xf32, #tpu.memory_space<vmem>>
      %dma_start3A_294 = tpu.memref_squeeze %dma_start3A_293 : memref<1x1x80x128xf32, #tpu.memory_space<vmem>> -> memref<80x128xf32, #tpu.memory_space<vmem>>
      %dma_start3A_295 = arith.constant 0 : i32
      %dma_start3A_296 = tpu.memref_slice %arg8[%dma_start3A_289, %dma_start3A_290, %dma_start3A_295] : memref<2x2x80xi32, #tpu.memory_space<vmem>> -> memref<1x1x80xi32, #tpu.memory_space<vmem>>
      %dma_start3A_297 = tpu.memref_squeeze %dma_start3A_296 : memref<1x1x80xi32, #tpu.memory_space<vmem>> -> memref<80xi32, #tpu.memory_space<vmem>>
      %dma_start3A_298 = arith.constant 0 : i32
      %dma_start3A_299 = arith.constant 0 : i32
      %dma_start3A_300 = tpu.memref_slice %arg10[%dma_start3A_298, %dma_start3A_299] : memref<10240x128xf32, #tpu.memory_space<vmem_shared>> -> memref<10240x128xf32, #tpu.memory_space<vmem_shared>>
      tpu.enqueue_indirect_dma source(%dma_start3A_294 : memref<80x128xf32, #tpu.memory_space<vmem>>) target(%dma_start3A_300 : memref<10240x128xf32, #tpu.memory_space<vmem_shared>>) offsets(%dma_start3A_297 : memref<80xi32, #tpu.memory_space<vmem>>) semaphore(%arg13 : memref<!tpu.dma_semaphore, #tpu.memory_space<semaphore_mem>>) {add = true}
      %dma_start3A_301 = arith.constant 0 : i32
      %dma_start3A_302 = arith.constant 1 : i32
      %dma_start3A_303 = arith.constant 0 : i32
      %dma_start3A_304 = arith.constant 1 : i32
      %dma_start3A_305 = arith.constant 0 : i32
      %dma_start3A_306 = arith.constant 0 : i32
      %dma_start3A_307 = tpu.memref_slice %arg9[%dma_start3A_301, %dma_start3A_302, %dma_start3A_305, %dma_start3A_306] : memref<2x2x80x128xf32, #tpu.memory_space<vmem>> -> memref<1x1x80x128xf32, #tpu.memory_space<vmem>>
      %dma_start3A_308 = tpu.memref_squeeze %dma_start3A_307 : memref<1x1x80x128xf32, #tpu.memory_space<vmem>> -> memref<80x128xf32, #tpu.memory_space<vmem>>
      %dma_start3A_309 = arith.constant 0 : i32
      %dma_start3A_310 = tpu.memref_slice %arg8[%dma_start3A_303, %dma_start3A_304, %dma_start3A_309] : memref<2x2x80xi32, #tpu.memory_space<vmem>> -> memref<1x1x80xi32, #tpu.memory_space<vmem>>
      %dma_start3A_311 = tpu.memref_squeeze %dma_start3A_310 : memref<1x1x80xi32, #tpu.memory_space<vmem>> -> memref<80xi32, #tpu.memory_space<vmem>>
      %dma_start3A_312 = arith.constant 0 : i32
      %dma_start3A_313 = arith.constant 0 : i32
      %dma_start3A_314 = tpu.memref_slice %arg10[%dma_start3A_312, %dma_start3A_313] : memref<10240x128xf32, #tpu.memory_space<vmem_shared>> -> memref<10240x128xf32, #tpu.memory_space<vmem_shared>>
      tpu.enqueue_indirect_dma source(%dma_start3A_308 : memref<80x128xf32, #tpu.memory_space<vmem>>) target(%dma_start3A_314 : memref<10240x128xf32, #tpu.memory_space<vmem_shared>>) offsets(%dma_start3A_311 : memref<80xi32, #tpu.memory_space<vmem>>) semaphore(%arg13 : memref<!tpu.dma_semaphore, #tpu.memory_space<semaphore_mem>>) {add = true}
      %dma_wait3A_315 = arith.constant 1 : i32
      %dma_wait3A_316 = arith.constant 0 : i32
      %dma_wait3A_317 = arith.constant 0 : i32
      %dma_wait3A_318 = tpu.memref_slice %arg7[%dma_wait3A_315, %dma_wait3A_316, %dma_wait3A_317] : memref<2x2x80xi32, #tpu.memory_space<vmem>> -> memref<1x1x80xi32, #tpu.memory_space<vmem>>
      %dma_wait3A_319 = tpu.memref_squeeze %dma_wait3A_318 : memref<1x1x80xi32, #tpu.memory_space<vmem>> -> memref<80xi32, #tpu.memory_space<vmem>>
      %dma_wait3A_320 = arith.constant 0 : i32
      %dma_wait3A_321 = tpu.memref_slice %arg2[%dma_wait3A_320] : memref<320000xi32, #tpu.memory_space<hbm>> -> memref<80xi32, #tpu.memory_space<hbm>>
      %dma_wait3A_322 = arith.constant 0 : i32
      %dma_wait3A_323 = tpu.memref_slice %arg7[%dma_wait3A_315, %dma_wait3A_316, %dma_wait3A_322] : memref<2x2x80xi32, #tpu.memory_space<vmem>> -> memref<1x1x80xi32, #tpu.memory_space<vmem>>
      %dma_wait3A_324 = tpu.memref_squeeze %dma_wait3A_323 : memref<1x1x80xi32, #tpu.memory_space<vmem>> -> memref<80xi32, #tpu.memory_space<vmem>>
      %dma_wait3A_325 = arith.constant 0 : i32
      %dma_wait3A_326 = tpu.memref_slice %arg2[%dma_wait3A_325] : memref<320000xi32, #tpu.memory_space<hbm>> -> memref<80xi32, #tpu.memory_space<hbm>>
      tpu.wait_dma2 semaphore(%arg11 : memref<!tpu.dma_semaphore, #tpu.memory_space<semaphore_mem>>) src(%dma_wait3A_326 : memref<80xi32, #tpu.memory_space<hbm>>) dst(%dma_wait3A_324 : memref<80xi32, #tpu.memory_space<vmem>>)
      %dma_wait3A_327 = arith.constant 1 : i32
      %dma_wait3A_328 = arith.constant 0 : i32
      %dma_wait3A_329 = arith.constant 0 : i32
      %dma_wait3A_330 = tpu.memref_slice %arg8[%dma_wait3A_327, %dma_wait3A_328, %dma_wait3A_329] : memref<2x2x80xi32, #tpu.memory_space<vmem>> -> memref<1x1x80xi32, #tpu.memory_space<vmem>>
      %dma_wait3A_331 = tpu.memref_squeeze %dma_wait3A_330 : memref<1x1x80xi32, #tpu.memory_space<vmem>> -> memref<80xi32, #tpu.memory_space<vmem>>
      %dma_wait3A_332 = arith.constant 0 : i32
      %dma_wait3A_333 = tpu.memref_slice %arg3[%dma_wait3A_332] : memref<320000xi32, #tpu.memory_space<hbm>> -> memref<80xi32, #tpu.memory_space<hbm>>
      %dma_wait3A_334 = arith.constant 0 : i32
      %dma_wait3A_335 = tpu.memref_slice %arg8[%dma_wait3A_327, %dma_wait3A_328, %dma_wait3A_334] : memref<2x2x80xi32, #tpu.memory_space<vmem>> -> memref<1x1x80xi32, #tpu.memory_space<vmem>>
      %dma_wait3A_336 = tpu.memref_squeeze %dma_wait3A_335 : memref<1x1x80xi32, #tpu.memory_space<vmem>> -> memref<80xi32, #tpu.memory_space<vmem>>
      %dma_wait3A_337 = arith.constant 0 : i32
      %dma_wait3A_338 = tpu.memref_slice %arg3[%dma_wait3A_337] : memref<320000xi32, #tpu.memory_space<hbm>> -> memref<80xi32, #tpu.memory_space<hbm>>
      tpu.wait_dma2 semaphore(%arg11 : memref<!tpu.dma_semaphore, #tpu.memory_space<semaphore_mem>>) src(%dma_wait3A_338 : memref<80xi32, #tpu.memory_space<hbm>>) dst(%dma_wait3A_336 : memref<80xi32, #tpu.memory_space<vmem>>)
      %dma_wait3A_339 = arith.constant 1 : i32
      %dma_wait3A_340 = arith.constant 1 : i32
      %dma_wait3A_341 = arith.constant 0 : i32
      %dma_wait3A_342 = tpu.memref_slice %arg7[%dma_wait3A_339, %dma_wait3A_340, %dma_wait3A_341] : memref<2x2x80xi32, #tpu.memory_space<vmem>> -> memref<1x1x80xi32, #tpu.memory_space<vmem>>
      %dma_wait3A_343 = tpu.memref_squeeze %dma_wait3A_342 : memref<1x1x80xi32, #tpu.memory_space<vmem>> -> memref<80xi32, #tpu.memory_space<vmem>>
      %dma_wait3A_344 = arith.constant 0 : i32
      %dma_wait3A_345 = tpu.memref_slice %arg2[%dma_wait3A_344] : memref<320000xi32, #tpu.memory_space<hbm>> -> memref<80xi32, #tpu.memory_space<hbm>>
      %dma_wait3A_346 = arith.constant 0 : i32
      %dma_wait3A_347 = tpu.memref_slice %arg7[%dma_wait3A_339, %dma_wait3A_340, %dma_wait3A_346] : memref<2x2x80xi32, #tpu.memory_space<vmem>> -> memref<1x1x80xi32, #tpu.memory_space<vmem>>
      %dma_wait3A_348 = tpu.memref_squeeze %dma_wait3A_347 : memref<1x1x80xi32, #tpu.memory_space<vmem>> -> memref<80xi32, #tpu.memory_space<vmem>>
      %dma_wait3A_349 = arith.constant 0 : i32
      %dma_wait3A_350 = tpu.memref_slice %arg2[%dma_wait3A_349] : memref<320000xi32, #tpu.memory_space<hbm>> -> memref<80xi32, #tpu.memory_space<hbm>>
      tpu.wait_dma2 semaphore(%arg11 : memref<!tpu.dma_semaphore, #tpu.memory_space<semaphore_mem>>) src(%dma_wait3A_350 : memref<80xi32, #tpu.memory_space<hbm>>) dst(%dma_wait3A_348 : memref<80xi32, #tpu.memory_space<vmem>>)
      %dma_wait3A_351 = arith.constant 1 : i32
      %dma_wait3A_352 = arith.constant 1 : i32
      %dma_wait3A_353 = arith.constant 0 : i32
      %dma_wait3A_354 = tpu.memref_slice %arg8[%dma_wait3A_351, %dma_wait3A_352, %dma_wait3A_353] : memref<2x2x80xi32, #tpu.memory_space<vmem>> -> memref<1x1x80xi32, #tpu.memory_space<vmem>>
      %dma_wait3A_355 = tpu.memref_squeeze %dma_wait3A_354 : memref<1x1x80xi32, #tpu.memory_space<vmem>> -> memref<80xi32, #tpu.memory_space<vmem>>
      %dma_wait3A_356 = arith.constant 0 : i32
      %dma_wait3A_357 = tpu.memref_slice %arg3[%dma_wait3A_356] : memref<320000xi32, #tpu.memory_space<hbm>> -> memref<80xi32, #tpu.memory_space<hbm>>
      %dma_wait3A_358 = arith.constant 0 : i32
      %dma_wait3A_359 = tpu.memref_slice %arg8[%dma_wait3A_351, %dma_wait3A_352, %dma_wait3A_358] : memref<2x2x80xi32, #tpu.memory_space<vmem>> -> memref<1x1x80xi32, #tpu.memory_space<vmem>>
      %dma_wait3A_360 = tpu.memref_squeeze %dma_wait3A_359 : memref<1x1x80xi32, #tpu.memory_space<vmem>> -> memref<80xi32, #tpu.memory_space<vmem>>
      %dma_wait3A_361 = arith.constant 0 : i32
      %dma_wait3A_362 = tpu.memref_slice %arg3[%dma_wait3A_361] : memref<320000xi32, #tpu.memory_space<hbm>> -> memref<80xi32, #tpu.memory_space<hbm>>
      tpu.wait_dma2 semaphore(%arg11 : memref<!tpu.dma_semaphore, #tpu.memory_space<semaphore_mem>>) src(%dma_wait3A_362 : memref<80xi32, #tpu.memory_space<hbm>>) dst(%dma_wait3A_360 : memref<80xi32, #tpu.memory_space<vmem>>)
      %dma_start3A_363 = arith.constant 1 : i32
      %dma_start3A_364 = arith.constant 0 : i32
      %dma_start3A_365 = arith.constant 1 : i32
      %dma_start3A_366 = arith.constant 0 : i32
      %dma_start3A_367 = arith.constant 0 : i32
      %dma_start3A_368 = arith.constant 0 : i32
      %dma_start3A_369 = tpu.memref_slice %arg9[%dma_start3A_365, %dma_start3A_366, %dma_start3A_367, %dma_start3A_368] : memref<2x2x80x128xf32, #tpu.memory_space<vmem>> -> memref<1x1x80x128xf32, #tpu.memory_space<vmem>>
      %dma_start3A_370 = tpu.memref_squeeze %dma_start3A_369 : memref<1x1x80x128xf32, #tpu.memory_space<vmem>> -> memref<80x128xf32, #tpu.memory_space<vmem>>
      %dma_start3A_371 = arith.constant 0 : i32
      %dma_start3A_372 = tpu.memref_slice %arg7[%dma_start3A_363, %dma_start3A_364, %dma_start3A_371] : memref<2x2x80xi32, #tpu.memory_space<vmem>> -> memref<1x1x80xi32, #tpu.memory_space<vmem>>
      %dma_start3A_373 = tpu.memref_squeeze %dma_start3A_372 : memref<1x1x80xi32, #tpu.memory_space<vmem>> -> memref<80xi32, #tpu.memory_space<vmem>>
      %dma_start3A_374 = arith.constant 0 : i32
      %dma_start3A_375 = arith.constant 0 : i32
      %dma_start3A_376 = tpu.memref_slice %arg4[%dma_start3A_374, %dma_start3A_375] : memref<10000x128xf32, #tpu.memory_space<hbm>> -> memref<10000x128xf32, #tpu.memory_space<hbm>>
      tpu.enqueue_indirect_dma source(%dma_start3A_376 : memref<10000x128xf32, #tpu.memory_space<hbm>>) target(%dma_start3A_370 : memref<80x128xf32, #tpu.memory_space<vmem>>) offsets(%dma_start3A_373 : memref<80xi32, #tpu.memory_space<vmem>>) semaphore(%arg12 : memref<!tpu.dma_semaphore, #tpu.memory_space<semaphore_mem>>)
      %dma_start3A_377 = arith.constant 1 : i32
      %dma_start3A_378 = arith.constant 1 : i32
      %dma_start3A_379 = arith.constant 1 : i32
      %dma_start3A_380 = arith.constant 1 : i32
      %dma_start3A_381 = arith.constant 0 : i32
      %dma_start3A_382 = arith.constant 0 : i32
      %dma_start3A_383 = tpu.memref_slice %arg9[%dma_start3A_379, %dma_start3A_380, %dma_start3A_381, %dma_start3A_382] : memref<2x2x80x128xf32, #tpu.memory_space<vmem>> -> memref<1x1x80x128xf32, #tpu.memory_space<vmem>>
      %dma_start3A_384 = tpu.memref_squeeze %dma_start3A_383 : memref<1x1x80x128xf32, #tpu.memory_space<vmem>> -> memref<80x128xf32, #tpu.memory_space<vmem>>
      %dma_start3A_385 = arith.constant 0 : i32
      %dma_start3A_386 = tpu.memref_slice %arg7[%dma_start3A_377, %dma_start3A_378, %dma_start3A_385] : memref<2x2x80xi32, #tpu.memory_space<vmem>> -> memref<1x1x80xi32, #tpu.memory_space<vmem>>
      %dma_start3A_387 = tpu.memref_squeeze %dma_start3A_386 : memref<1x1x80xi32, #tpu.memory_space<vmem>> -> memref<80xi32, #tpu.memory_space<vmem>>
      %dma_start3A_388 = arith.constant 0 : i32
      %dma_start3A_389 = arith.constant 0 : i32
      %dma_start3A_390 = tpu.memref_slice %arg4[%dma_start3A_388, %dma_start3A_389] : memref<10000x128xf32, #tpu.memory_space<hbm>> -> memref<10000x128xf32, #tpu.memory_space<hbm>>
      tpu.enqueue_indirect_dma source(%dma_start3A_390 : memref<10000x128xf32, #tpu.memory_space<hbm>>) target(%dma_start3A_384 : memref<80x128xf32, #tpu.memory_space<vmem>>) offsets(%dma_start3A_387 : memref<80xi32, #tpu.memory_space<vmem>>) semaphore(%arg12 : memref<!tpu.dma_semaphore, #tpu.memory_space<semaphore_mem>>)
      %dma_wait3A_391 = arith.constant 0 : i32
      %dma_wait3A_392 = arith.constant 0 : i32
      %dma_wait3A_393 = arith.constant 0 : i32
      %dma_wait3A_394 = arith.constant 0 : i32
      %dma_wait3A_395 = arith.constant 0 : i32
      %dma_wait3A_396 = arith.constant 0 : i32
      %dma_wait3A_397 = tpu.memref_slice %arg9[%dma_wait3A_391, %dma_wait3A_392, %dma_wait3A_395, %dma_wait3A_396] : memref<2x2x80x128xf32, #tpu.memory_space<vmem>> -> memref<1x1x80x128xf32, #tpu.memory_space<vmem>>
      %dma_wait3A_398 = tpu.memref_squeeze %dma_wait3A_397 : memref<1x1x80x128xf32, #tpu.memory_space<vmem>> -> memref<80x128xf32, #tpu.memory_space<vmem>>
      %dma_wait3A_399 = arith.constant 0 : i32
      %dma_wait3A_400 = tpu.memref_slice %arg8[%dma_wait3A_393, %dma_wait3A_394, %dma_wait3A_399] : memref<2x2x80xi32, #tpu.memory_space<vmem>> -> memref<1x1x80xi32, #tpu.memory_space<vmem>>
      %dma_wait3A_401 = tpu.memref_squeeze %dma_wait3A_400 : memref<1x1x80xi32, #tpu.memory_space<vmem>> -> memref<80xi32, #tpu.memory_space<vmem>>
      %dma_wait3A_402 = arith.constant 0 : i32
      %dma_wait3A_403 = arith.constant 0 : i32
      %dma_wait3A_404 = tpu.memref_slice %arg10[%dma_wait3A_402, %dma_wait3A_403] : memref<10240x128xf32, #tpu.memory_space<vmem_shared>> -> memref<10240x128xf32, #tpu.memory_space<vmem_shared>>
      tpu.wait_indirect_dma semaphore(%arg13 : memref<!tpu.dma_semaphore, #tpu.memory_space<semaphore_mem>>) src(%dma_wait3A_398 : memref<80x128xf32, #tpu.memory_space<vmem>>) dst(%dma_wait3A_404 : memref<10240x128xf32, #tpu.memory_space<vmem_shared>>)
      %dma_wait3A_405 = arith.constant 0 : i32
      %dma_wait3A_406 = arith.constant 1 : i32
      %dma_wait3A_407 = arith.constant 0 : i32
      %dma_wait3A_408 = arith.constant 1 : i32
      %dma_wait3A_409 = arith.constant 0 : i32
      %dma_wait3A_410 = arith.constant 0 : i32
      %dma_wait3A_411 = tpu.memref_slice %arg9[%dma_wait3A_405, %dma_wait3A_406, %dma_wait3A_409, %dma_wait3A_410] : memref<2x2x80x128xf32, #tpu.memory_space<vmem>> -> memref<1x1x80x128xf32, #tpu.memory_space<vmem>>
      %dma_wait3A_412 = tpu.memref_squeeze %dma_wait3A_411 : memref<1x1x80x128xf32, #tpu.memory_space<vmem>> -> memref<80x128xf32, #tpu.memory_space<vmem>>
      %dma_wait3A_413 = arith.constant 0 : i32
      %dma_wait3A_414 = tpu.memref_slice %arg8[%dma_wait3A_407, %dma_wait3A_408, %dma_wait3A_413] : memref<2x2x80xi32, #tpu.memory_space<vmem>> -> memref<1x1x80xi32, #tpu.memory_space<vmem>>
      %dma_wait3A_415 = tpu.memref_squeeze %dma_wait3A_414 : memref<1x1x80xi32, #tpu.memory_space<vmem>> -> memref<80xi32, #tpu.memory_space<vmem>>
      %dma_wait3A_416 = arith.constant 0 : i32
      %dma_wait3A_417 = arith.constant 0 : i32
      %dma_wait3A_418 = tpu.memref_slice %arg10[%dma_wait3A_416, %dma_wait3A_417] : memref<10240x128xf32, #tpu.memory_space<vmem_shared>> -> memref<10240x128xf32, #tpu.memory_space<vmem_shared>>
      tpu.wait_indirect_dma semaphore(%arg13 : memref<!tpu.dma_semaphore, #tpu.memory_space<semaphore_mem>>) src(%dma_wait3A_412 : memref<80x128xf32, #tpu.memory_space<vmem>>) dst(%dma_wait3A_418 : memref<10240x128xf32, #tpu.memory_space<vmem_shared>>)
      %lt3A = arith.constant 30 : i32
      %lt3A_419 = arith.cmpi slt, %scan3A_124, %lt3A : i32
      %convert_element_type3A_420 = arith.extui %lt3A_419 : i1 to i32
      %cond3A_421 = arith.constant 0 : i32
      %cond3A_422 = arith.cmpi ne, %convert_element_type3A_420, %cond3A_421 : i32
      scf.if %cond3A_422 {
        %add3A_479 = arith.constant 1 : i32
        %add3A_480 = arith.addi %scan3A_124, %add3A_479 : i32
        %mul3A_481 = arith.constant 2 : i32
        %mul3A_482 = arith.muli %add3A_480, %mul3A_481 : i32
        %mul3A_483 = arith.constant 2 : i32
        %mul3A_484 = arith.muli %mul3A_482, %mul3A_483 : i32
        %add3A_485 = arith.constant 0 : i32
        %add3A_486 = arith.addi %mul3A_484, %add3A_485 : i32
        %mul3A_487 = arith.constant 80 : i32
        %mul3A_488 = arith.muli %add3A_486, %mul3A_487 : i32
        %add3A_489 = arith.addi %mul3A_6, %mul3A_488 : i32
        %dma_start3A_490 = arith.constant 0 : i32
        %dma_start3A_491 = arith.constant 0 : i32
        %dma_start3A_492 = arith.constant 0 : i32
        %dma_start3A_493 = tpu.memref_slice %arg7[%dma_start3A_490, %dma_start3A_491, %dma_start3A_492] : memref<2x2x80xi32, #tpu.memory_space<vmem>> -> memref<1x1x80xi32, #tpu.memory_space<vmem>>
        %dma_start3A_494 = tpu.memref_squeeze %dma_start3A_493 : memref<1x1x80xi32, #tpu.memory_space<vmem>> -> memref<80xi32, #tpu.memory_space<vmem>>
        %dma_start3A_495 = tpu.memref_slice %arg2[%add3A_489] : memref<320000xi32, #tpu.memory_space<hbm>> -> memref<80xi32, #tpu.memory_space<hbm>>
        %dma_start3A_496 = arith.constant 0 : i32
        %dma_start3A_497 = tpu.memref_slice %arg7[%dma_start3A_490, %dma_start3A_491, %dma_start3A_496] : memref<2x2x80xi32, #tpu.memory_space<vmem>> -> memref<1x1x80xi32, #tpu.memory_space<vmem>>
        %dma_start3A_498 = tpu.memref_squeeze %dma_start3A_497 : memref<1x1x80xi32, #tpu.memory_space<vmem>> -> memref<80xi32, #tpu.memory_space<vmem>>
        %dma_start3A_499 = tpu.memref_slice %arg2[%add3A_489] : memref<320000xi32, #tpu.memory_space<hbm>> -> memref<80xi32, #tpu.memory_space<hbm>>
        tpu.enqueue_dma source(%dma_start3A_499 : memref<80xi32, #tpu.memory_space<hbm>>) target(%dma_start3A_498 : memref<80xi32, #tpu.memory_space<vmem>>) target_semaphore(%arg11 : memref<!tpu.dma_semaphore, #tpu.memory_space<semaphore_mem>>)
        %dma_start3A_500 = arith.constant 0 : i32
        %dma_start3A_501 = arith.constant 0 : i32
        %dma_start3A_502 = arith.constant 0 : i32
        %dma_start3A_503 = tpu.memref_slice %arg8[%dma_start3A_500, %dma_start3A_501, %dma_start3A_502] : memref<2x2x80xi32, #tpu.memory_space<vmem>> -> memref<1x1x80xi32, #tpu.memory_space<vmem>>
        %dma_start3A_504 = tpu.memref_squeeze %dma_start3A_503 : memref<1x1x80xi32, #tpu.memory_space<vmem>> -> memref<80xi32, #tpu.memory_space<vmem>>
        %dma_start3A_505 = tpu.memref_slice %arg3[%add3A_489] : memref<320000xi32, #tpu.memory_space<hbm>> -> memref<80xi32, #tpu.memory_space<hbm>>
        %dma_start3A_506 = arith.constant 0 : i32
        %dma_start3A_507 = tpu.memref_slice %arg8[%dma_start3A_500, %dma_start3A_501, %dma_start3A_506] : memref<2x2x80xi32, #tpu.memory_space<vmem>> -> memref<1x1x80xi32, #tpu.memory_space<vmem>>
        %dma_start3A_508 = tpu.memref_squeeze %dma_start3A_507 : memref<1x1x80xi32, #tpu.memory_space<vmem>> -> memref<80xi32, #tpu.memory_space<vmem>>
        %dma_start3A_509 = tpu.memref_slice %arg3[%add3A_489] : memref<320000xi32, #tpu.memory_space<hbm>> -> memref<80xi32, #tpu.memory_space<hbm>>
        tpu.enqueue_dma source(%dma_start3A_509 : memref<80xi32, #tpu.memory_space<hbm>>) target(%dma_start3A_508 : memref<80xi32, #tpu.memory_space<vmem>>) target_semaphore(%arg11 : memref<!tpu.dma_semaphore, #tpu.memory_space<semaphore_mem>>)
        %add3A_510 = arith.constant 1 : i32
        %add3A_511 = arith.addi %mul3A_484, %add3A_510 : i32
        %mul3A_512 = arith.constant 80 : i32
        %mul3A_513 = arith.muli %add3A_511, %mul3A_512 : i32
        %add3A_514 = arith.addi %mul3A_6, %mul3A_513 : i32
        %dma_start3A_515 = arith.constant 0 : i32
        %dma_start3A_516 = arith.constant 1 : i32
        %dma_start3A_517 = arith.constant 0 : i32
        %dma_start3A_518 = tpu.memref_slice %arg7[%dma_start3A_515, %dma_start3A_516, %dma_start3A_517] : memref<2x2x80xi32, #tpu.memory_space<vmem>> -> memref<1x1x80xi32, #tpu.memory_space<vmem>>
        %dma_start3A_519 = tpu.memref_squeeze %dma_start3A_518 : memref<1x1x80xi32, #tpu.memory_space<vmem>> -> memref<80xi32, #tpu.memory_space<vmem>>
        %dma_start3A_520 = tpu.memref_slice %arg2[%add3A_514] : memref<320000xi32, #tpu.memory_space<hbm>> -> memref<80xi32, #tpu.memory_space<hbm>>
        %dma_start3A_521 = arith.constant 0 : i32
        %dma_start3A_522 = tpu.memref_slice %arg7[%dma_start3A_515, %dma_start3A_516, %dma_start3A_521] : memref<2x2x80xi32, #tpu.memory_space<vmem>> -> memref<1x1x80xi32, #tpu.memory_space<vmem>>
        %dma_start3A_523 = tpu.memref_squeeze %dma_start3A_522 : memref<1x1x80xi32, #tpu.memory_space<vmem>> -> memref<80xi32, #tpu.memory_space<vmem>>
        %dma_start3A_524 = tpu.memref_slice %arg2[%add3A_514] : memref<320000xi32, #tpu.memory_space<hbm>> -> memref<80xi32, #tpu.memory_space<hbm>>
        tpu.enqueue_dma source(%dma_start3A_524 : memref<80xi32, #tpu.memory_space<hbm>>) target(%dma_start3A_523 : memref<80xi32, #tpu.memory_space<vmem>>) target_semaphore(%arg11 : memref<!tpu.dma_semaphore, #tpu.memory_space<semaphore_mem>>)
        %dma_start3A_525 = arith.constant 0 : i32
        %dma_start3A_526 = arith.constant 1 : i32
        %dma_start3A_527 = arith.constant 0 : i32
        %dma_start3A_528 = tpu.memref_slice %arg8[%dma_start3A_525, %dma_start3A_526, %dma_start3A_527] : memref<2x2x80xi32, #tpu.memory_space<vmem>> -> memref<1x1x80xi32, #tpu.memory_space<vmem>>
        %dma_start3A_529 = tpu.memref_squeeze %dma_start3A_528 : memref<1x1x80xi32, #tpu.memory_space<vmem>> -> memref<80xi32, #tpu.memory_space<vmem>>
        %dma_start3A_530 = tpu.memref_slice %arg3[%add3A_514] : memref<320000xi32, #tpu.memory_space<hbm>> -> memref<80xi32, #tpu.memory_space<hbm>>
        %dma_start3A_531 = arith.constant 0 : i32
        %dma_start3A_532 = tpu.memref_slice %arg8[%dma_start3A_525, %dma_start3A_526, %dma_start3A_531] : memref<2x2x80xi32, #tpu.memory_space<vmem>> -> memref<1x1x80xi32, #tpu.memory_space<vmem>>
        %dma_start3A_533 = tpu.memref_squeeze %dma_start3A_532 : memref<1x1x80xi32, #tpu.memory_space<vmem>> -> memref<80xi32, #tpu.memory_space<vmem>>
        %dma_start3A_534 = tpu.memref_slice %arg3[%add3A_514] : memref<320000xi32, #tpu.memory_space<hbm>> -> memref<80xi32, #tpu.memory_space<hbm>>
        tpu.enqueue_dma source(%dma_start3A_534 : memref<80xi32, #tpu.memory_space<hbm>>) target(%dma_start3A_533 : memref<80xi32, #tpu.memory_space<vmem>>) target_semaphore(%arg11 : memref<!tpu.dma_semaphore, #tpu.memory_space<semaphore_mem>>)
      } else {
      }
      %dma_wait3A_423 = arith.constant 1 : i32
      %dma_wait3A_424 = arith.constant 0 : i32
      %dma_wait3A_425 = arith.constant 1 : i32
      %dma_wait3A_426 = arith.constant 0 : i32
      %dma_wait3A_427 = arith.constant 0 : i32
      %dma_wait3A_428 = arith.constant 0 : i32
      %dma_wait3A_429 = tpu.memref_slice %arg9[%dma_wait3A_425, %dma_wait3A_426, %dma_wait3A_427, %dma_wait3A_428] : memref<2x2x80x128xf32, #tpu.memory_space<vmem>> -> memref<1x1x80x128xf32, #tpu.memory_space<vmem>>
      %dma_wait3A_430 = tpu.memref_squeeze %dma_wait3A_429 : memref<1x1x80x128xf32, #tpu.memory_space<vmem>> -> memref<80x128xf32, #tpu.memory_space<vmem>>
      %dma_wait3A_431 = arith.constant 0 : i32
      %dma_wait3A_432 = tpu.memref_slice %arg7[%dma_wait3A_423, %dma_wait3A_424, %dma_wait3A_431] : memref<2x2x80xi32, #tpu.memory_space<vmem>> -> memref<1x1x80xi32, #tpu.memory_space<vmem>>
      %dma_wait3A_433 = tpu.memref_squeeze %dma_wait3A_432 : memref<1x1x80xi32, #tpu.memory_space<vmem>> -> memref<80xi32, #tpu.memory_space<vmem>>
      %dma_wait3A_434 = arith.constant 0 : i32
      %dma_wait3A_435 = arith.constant 0 : i32
      %dma_wait3A_436 = tpu.memref_slice %arg4[%dma_wait3A_434, %dma_wait3A_435] : memref<10000x128xf32, #tpu.memory_space<hbm>> -> memref<10000x128xf32, #tpu.memory_space<hbm>>
      tpu.wait_indirect_dma semaphore(%arg12 : memref<!tpu.dma_semaphore, #tpu.memory_space<semaphore_mem>>) src(%dma_wait3A_436 : memref<10000x128xf32, #tpu.memory_space<hbm>>) dst(%dma_wait3A_430 : memref<80x128xf32, #tpu.memory_space<vmem>>)
      %dma_wait3A_437 = arith.constant 1 : i32
      %dma_wait3A_438 = arith.constant 1 : i32
      %dma_wait3A_439 = arith.constant 1 : i32
      %dma_wait3A_440 = arith.constant 1 : i32
      %dma_wait3A_441 = arith.constant 0 : i32
      %dma_wait3A_442 = arith.constant 0 : i32
      %dma_wait3A_443 = tpu.memref_slice %arg9[%dma_wait3A_439, %dma_wait3A_440, %dma_wait3A_441, %dma_wait3A_442] : memref<2x2x80x128xf32, #tpu.memory_space<vmem>> -> memref<1x1x80x128xf32, #tpu.memory_space<vmem>>
      %dma_wait3A_444 = tpu.memref_squeeze %dma_wait3A_443 : memref<1x1x80x128xf32, #tpu.memory_space<vmem>> -> memref<80x128xf32, #tpu.memory_space<vmem>>
      %dma_wait3A_445 = arith.constant 0 : i32
      %dma_wait3A_446 = tpu.memref_slice %arg7[%dma_wait3A_437, %dma_wait3A_438, %dma_wait3A_445] : memref<2x2x80xi32, #tpu.memory_space<vmem>> -> memref<1x1x80xi32, #tpu.memory_space<vmem>>
      %dma_wait3A_447 = tpu.memref_squeeze %dma_wait3A_446 : memref<1x1x80xi32, #tpu.memory_space<vmem>> -> memref<80xi32, #tpu.memory_space<vmem>>
      %dma_wait3A_448 = arith.constant 0 : i32
      %dma_wait3A_449 = arith.constant 0 : i32
      %dma_wait3A_450 = tpu.memref_slice %arg4[%dma_wait3A_448, %dma_wait3A_449] : memref<10000x128xf32, #tpu.memory_space<hbm>> -> memref<10000x128xf32, #tpu.memory_space<hbm>>
      tpu.wait_indirect_dma semaphore(%arg12 : memref<!tpu.dma_semaphore, #tpu.memory_space<semaphore_mem>>) src(%dma_wait3A_450 : memref<10000x128xf32, #tpu.memory_space<hbm>>) dst(%dma_wait3A_444 : memref<80x128xf32, #tpu.memory_space<vmem>>)
      %dma_start3A_451 = arith.constant 1 : i32
      %dma_start3A_452 = arith.constant 0 : i32
      %dma_start3A_453 = arith.constant 1 : i32
      %dma_start3A_454 = arith.constant 0 : i32
      %dma_start3A_455 = arith.constant 0 : i32
      %dma_start3A_456 = arith.constant 0 : i32
      %dma_start3A_457 = tpu.memref_slice %arg9[%dma_start3A_451, %dma_start3A_452, %dma_start3A_455, %dma_start3A_456] : memref<2x2x80x128xf32, #tpu.memory_space<vmem>> -> memref<1x1x80x128xf32, #tpu.memory_space<vmem>>
      %dma_start3A_458 = tpu.memref_squeeze %dma_start3A_457 : memref<1x1x80x128xf32, #tpu.memory_space<vmem>> -> memref<80x128xf32, #tpu.memory_space<vmem>>
      %dma_start3A_459 = arith.constant 0 : i32
      %dma_start3A_460 = tpu.memref_slice %arg8[%dma_start3A_453, %dma_start3A_454, %dma_start3A_459] : memref<2x2x80xi32, #tpu.memory_space<vmem>> -> memref<1x1x80xi32, #tpu.memory_space<vmem>>
      %dma_start3A_461 = tpu.memref_squeeze %dma_start3A_460 : memref<1x1x80xi32, #tpu.memory_space<vmem>> -> memref<80xi32, #tpu.memory_space<vmem>>
      %dma_start3A_462 = arith.constant 0 : i32
      %dma_start3A_463 = arith.constant 0 : i32
      %dma_start3A_464 = tpu.memref_slice %arg10[%dma_start3A_462, %dma_start3A_463] : memref<10240x128xf32, #tpu.memory_space<vmem_shared>> -> memref<10240x128xf32, #tpu.memory_space<vmem_shared>>
      tpu.enqueue_indirect_dma source(%dma_start3A_458 : memref<80x128xf32, #tpu.memory_space<vmem>>) target(%dma_start3A_464 : memref<10240x128xf32, #tpu.memory_space<vmem_shared>>) offsets(%dma_start3A_461 : memref<80xi32, #tpu.memory_space<vmem>>) semaphore(%arg13 : memref<!tpu.dma_semaphore, #tpu.memory_space<semaphore_mem>>) {add = true}
      %dma_start3A_465 = arith.constant 1 : i32
      %dma_start3A_466 = arith.constant 1 : i32
      %dma_start3A_467 = arith.constant 1 : i32
      %dma_start3A_468 = arith.constant 1 : i32
      %dma_start3A_469 = arith.constant 0 : i32
      %dma_start3A_470 = arith.constant 0 : i32
      %dma_start3A_471 = tpu.memref_slice %arg9[%dma_start3A_465, %dma_start3A_466, %dma_start3A_469, %dma_start3A_470] : memref<2x2x80x128xf32, #tpu.memory_space<vmem>> -> memref<1x1x80x128xf32, #tpu.memory_space<vmem>>
      %dma_start3A_472 = tpu.memref_squeeze %dma_start3A_471 : memref<1x1x80x128xf32, #tpu.memory_space<vmem>> -> memref<80x128xf32, #tpu.memory_space<vmem>>
      %dma_start3A_473 = arith.constant 0 : i32
      %dma_start3A_474 = tpu.memref_slice %arg8[%dma_start3A_467, %dma_start3A_468, %dma_start3A_473] : memref<2x2x80xi32, #tpu.memory_space<vmem>> -> memref<1x1x80xi32, #tpu.memory_space<vmem>>
      %dma_start3A_475 = tpu.memref_squeeze %dma_start3A_474 : memref<1x1x80xi32, #tpu.memory_space<vmem>> -> memref<80xi32, #tpu.memory_space<vmem>>
      %dma_start3A_476 = arith.constant 0 : i32
      %dma_start3A_477 = arith.constant 0 : i32
      %dma_start3A_478 = tpu.memref_slice %arg10[%dma_start3A_476, %dma_start3A_477] : memref<10240x128xf32, #tpu.memory_space<vmem_shared>> -> memref<10240x128xf32, #tpu.memory_space<vmem_shared>>
      tpu.enqueue_indirect_dma source(%dma_start3A_472 : memref<80x128xf32, #tpu.memory_space<vmem>>) target(%dma_start3A_478 : memref<10240x128xf32, #tpu.memory_space<vmem_shared>>) offsets(%dma_start3A_475 : memref<80xi32, #tpu.memory_space<vmem>>) semaphore(%arg13 : memref<!tpu.dma_semaphore, #tpu.memory_space<semaphore_mem>>) {add = true}
    }
    %scan3A_54 = arith.constant 31 : i32
    %dma_wait3A = arith.constant 1 : i32
    %dma_wait3A_55 = arith.constant 0 : i32
    %dma_wait3A_56 = arith.constant 1 : i32
    %dma_wait3A_57 = arith.constant 0 : i32
    %dma_wait3A_58 = arith.constant 0 : i32
    %dma_wait3A_59 = arith.constant 0 : i32
    %dma_wait3A_60 = tpu.memref_slice %arg9[%dma_wait3A, %dma_wait3A_55, %dma_wait3A_58, %dma_wait3A_59] : memref<2x2x80x128xf32, #tpu.memory_space<vmem>> -> memref<1x1x80x128xf32, #tpu.memory_space<vmem>>
    %dma_wait3A_61 = tpu.memref_squeeze %dma_wait3A_60 : memref<1x1x80x128xf32, #tpu.memory_space<vmem>> -> memref<80x128xf32, #tpu.memory_space<vmem>>
    %dma_wait3A_62 = arith.constant 0 : i32
    %dma_wait3A_63 = tpu.memref_slice %arg8[%dma_wait3A_56, %dma_wait3A_57, %dma_wait3A_62] : memref<2x2x80xi32, #tpu.memory_space<vmem>> -> memref<1x1x80xi32, #tpu.memory_space<vmem>>
    %dma_wait3A_64 = tpu.memref_squeeze %dma_wait3A_63 : memref<1x1x80xi32, #tpu.memory_space<vmem>> -> memref<80xi32, #tpu.memory_space<vmem>>
    %dma_wait3A_65 = arith.constant 0 : i32
    %dma_wait3A_66 = arith.constant 0 : i32
    %dma_wait3A_67 = tpu.memref_slice %arg10[%dma_wait3A_65, %dma_wait3A_66] : memref<10240x128xf32, #tpu.memory_space<vmem_shared>> -> memref<10240x128xf32, #tpu.memory_space<vmem_shared>>
    tpu.wait_indirect_dma semaphore(%arg13 : memref<!tpu.dma_semaphore, #tpu.memory_space<semaphore_mem>>) src(%dma_wait3A_61 : memref<80x128xf32, #tpu.memory_space<vmem>>) dst(%dma_wait3A_67 : memref<10240x128xf32, #tpu.memory_space<vmem_shared>>)
    %dma_wait3A_68 = arith.constant 1 : i32
    %dma_wait3A_69 = arith.constant 1 : i32
    %dma_wait3A_70 = arith.constant 1 : i32
    %dma_wait3A_71 = arith.constant 1 : i32
    %dma_wait3A_72 = arith.constant 0 : i32
    %dma_wait3A_73 = arith.constant 0 : i32
    %dma_wait3A_74 = tpu.memref_slice %arg9[%dma_wait3A_68, %dma_wait3A_69, %dma_wait3A_72, %dma_wait3A_73] : memref<2x2x80x128xf32, #tpu.memory_space<vmem>> -> memref<1x1x80x128xf32, #tpu.memory_space<vmem>>
    %dma_wait3A_75 = tpu.memref_squeeze %dma_wait3A_74 : memref<1x1x80x128xf32, #tpu.memory_space<vmem>> -> memref<80x128xf32, #tpu.memory_space<vmem>>
    %dma_wait3A_76 = arith.constant 0 : i32
    %dma_wait3A_77 = tpu.memref_slice %arg8[%dma_wait3A_70, %dma_wait3A_71, %dma_wait3A_76] : memref<2x2x80xi32, #tpu.memory_space<vmem>> -> memref<1x1x80xi32, #tpu.memory_space<vmem>>
    %dma_wait3A_78 = tpu.memref_squeeze %dma_wait3A_77 : memref<1x1x80xi32, #tpu.memory_space<vmem>> -> memref<80xi32, #tpu.memory_space<vmem>>
    %dma_wait3A_79 = arith.constant 0 : i32
    %dma_wait3A_80 = arith.constant 0 : i32
    %dma_wait3A_81 = tpu.memref_slice %arg10[%dma_wait3A_79, %dma_wait3A_80] : memref<10240x128xf32, #tpu.memory_space<vmem_shared>> -> memref<10240x128xf32, #tpu.memory_space<vmem_shared>>
    tpu.wait_indirect_dma semaphore(%arg13 : memref<!tpu.dma_semaphore, #tpu.memory_space<semaphore_mem>>) src(%dma_wait3A_75 : memref<80x128xf32, #tpu.memory_space<vmem>>) dst(%dma_wait3A_81 : memref<10240x128xf32, #tpu.memory_space<vmem_shared>>)
    %add3A_82 = arith.constant 9920 : i32
    %add3A_83 = arith.addi %mul3A_6, %add3A_82 : i32
    %run_scoped3A = arith.constant 0 : i32
    %run_scoped3A_84 = arith.constant 0 : i32
    "tpu.region"() ({
      %run_scoped3A_124 = tpu.sem_alloc : memref<!tpu.dma_semaphore, #tpu.memory_space<semaphore_mem>>
      %dma_start3A_125 = arith.constant 0 : i32
      %dma_start3A_126 = tpu.memref_slice %arg7[%run_scoped3A, %run_scoped3A_84, %dma_start3A_125] : memref<2x2x80xi32, #tpu.memory_space<vmem>> -> memref<1x1x80xi32, #tpu.memory_space<vmem>>
      %dma_start3A_127 = tpu.memref_squeeze %dma_start3A_126 : memref<1x1x80xi32, #tpu.memory_space<vmem>> -> memref<80xi32, #tpu.memory_space<vmem>>
      %dma_start3A_128 = tpu.memref_slice %arg2[%add3A_83] : memref<320000xi32, #tpu.memory_space<hbm>> -> memref<80xi32, #tpu.memory_space<hbm>>
      %dma_start3A_129 = arith.constant 0 : i32
      %dma_start3A_130 = tpu.memref_slice %arg7[%run_scoped3A, %run_scoped3A_84, %dma_start3A_129] : memref<2x2x80xi32, #tpu.memory_space<vmem>> -> memref<1x1x80xi32, #tpu.memory_space<vmem>>
      %dma_start3A_131 = tpu.memref_squeeze %dma_start3A_130 : memref<1x1x80xi32, #tpu.memory_space<vmem>> -> memref<80xi32, #tpu.memory_space<vmem>>
      %dma_start3A_132 = tpu.memref_slice %arg2[%add3A_83] : memref<320000xi32, #tpu.memory_space<hbm>> -> memref<80xi32, #tpu.memory_space<hbm>>
      tpu.enqueue_dma source(%dma_start3A_132 : memref<80xi32, #tpu.memory_space<hbm>>) target(%dma_start3A_131 : memref<80xi32, #tpu.memory_space<vmem>>) target_semaphore(%run_scoped3A_124 : memref<!tpu.dma_semaphore, #tpu.memory_space<semaphore_mem>>)
      %dma_wait3A_133 = arith.constant 0 : i32
      %dma_wait3A_134 = tpu.memref_slice %arg7[%run_scoped3A, %run_scoped3A_84, %dma_wait3A_133] : memref<2x2x80xi32, #tpu.memory_space<vmem>> -> memref<1x1x80xi32, #tpu.memory_space<vmem>>
      %dma_wait3A_135 = tpu.memref_squeeze %dma_wait3A_134 : memref<1x1x80xi32, #tpu.memory_space<vmem>> -> memref<80xi32, #tpu.memory_space<vmem>>
      %dma_wait3A_136 = tpu.memref_slice %arg2[%add3A_83] : memref<320000xi32, #tpu.memory_space<hbm>> -> memref<80xi32, #tpu.memory_space<hbm>>
      %dma_wait3A_137 = arith.constant 0 : i32
      %dma_wait3A_138 = tpu.memref_slice %arg7[%run_scoped3A, %run_scoped3A_84, %dma_wait3A_137] : memref<2x2x80xi32, #tpu.memory_space<vmem>> -> memref<1x1x80xi32, #tpu.memory_space<vmem>>
      %dma_wait3A_139 = tpu.memref_squeeze %dma_wait3A_138 : memref<1x1x80xi32, #tpu.memory_space<vmem>> -> memref<80xi32, #tpu.memory_space<vmem>>
      %dma_wait3A_140 = tpu.memref_slice %arg2[%add3A_83] : memref<320000xi32, #tpu.memory_space<hbm>> -> memref<80xi32, #tpu.memory_space<hbm>>
      tpu.wait_dma2 semaphore(%run_scoped3A_124 : memref<!tpu.dma_semaphore, #tpu.memory_space<semaphore_mem>>) src(%dma_wait3A_140 : memref<80xi32, #tpu.memory_space<hbm>>) dst(%dma_wait3A_139 : memref<80xi32, #tpu.memory_space<vmem>>)
      tpu.yield
    }) : () -> ()
    %run_scoped3A_85 = arith.constant 0 : i32
    %run_scoped3A_86 = arith.constant 0 : i32
    "tpu.region"() ({
      %run_scoped3A_124 = tpu.sem_alloc : memref<!tpu.dma_semaphore, #tpu.memory_space<semaphore_mem>>
      %dma_start3A_125 = arith.constant 0 : i32
      %dma_start3A_126 = tpu.memref_slice %arg8[%run_scoped3A_85, %run_scoped3A_86, %dma_start3A_125] : memref<2x2x80xi32, #tpu.memory_space<vmem>> -> memref<1x1x80xi32, #tpu.memory_space<vmem>>
      %dma_start3A_127 = tpu.memref_squeeze %dma_start3A_126 : memref<1x1x80xi32, #tpu.memory_space<vmem>> -> memref<80xi32, #tpu.memory_space<vmem>>
      %dma_start3A_128 = tpu.memref_slice %arg3[%add3A_83] : memref<320000xi32, #tpu.memory_space<hbm>> -> memref<80xi32, #tpu.memory_space<hbm>>
      %dma_start3A_129 = arith.constant 0 : i32
      %dma_start3A_130 = tpu.memref_slice %arg8[%run_scoped3A_85, %run_scoped3A_86, %dma_start3A_129] : memref<2x2x80xi32, #tpu.memory_space<vmem>> -> memref<1x1x80xi32, #tpu.memory_space<vmem>>
      %dma_start3A_131 = tpu.memref_squeeze %dma_start3A_130 : memref<1x1x80xi32, #tpu.memory_space<vmem>> -> memref<80xi32, #tpu.memory_space<vmem>>
      %dma_start3A_132 = tpu.memref_slice %arg3[%add3A_83] : memref<320000xi32, #tpu.memory_space<hbm>> -> memref<80xi32, #tpu.memory_space<hbm>>
      tpu.enqueue_dma source(%dma_start3A_132 : memref<80xi32, #tpu.memory_space<hbm>>) target(%dma_start3A_131 : memref<80xi32, #tpu.memory_space<vmem>>) target_semaphore(%run_scoped3A_124 : memref<!tpu.dma_semaphore, #tpu.memory_space<semaphore_mem>>)
      %dma_wait3A_133 = arith.constant 0 : i32
      %dma_wait3A_134 = tpu.memref_slice %arg8[%run_scoped3A_85, %run_scoped3A_86, %dma_wait3A_133] : memref<2x2x80xi32, #tpu.memory_space<vmem>> -> memref<1x1x80xi32, #tpu.memory_space<vmem>>
      %dma_wait3A_135 = tpu.memref_squeeze %dma_wait3A_134 : memref<1x1x80xi32, #tpu.memory_space<vmem>> -> memref<80xi32, #tpu.memory_space<vmem>>
      %dma_wait3A_136 = tpu.memref_slice %arg3[%add3A_83] : memref<320000xi32, #tpu.memory_space<hbm>> -> memref<80xi32, #tpu.memory_space<hbm>>
      %dma_wait3A_137 = arith.constant 0 : i32
      %dma_wait3A_138 = tpu.memref_slice %arg8[%run_scoped3A_85, %run_scoped3A_86, %dma_wait3A_137] : memref<2x2x80xi32, #tpu.memory_space<vmem>> -> memref<1x1x80xi32, #tpu.memory_space<vmem>>
      %dma_wait3A_139 = tpu.memref_squeeze %dma_wait3A_138 : memref<1x1x80xi32, #tpu.memory_space<vmem>> -> memref<80xi32, #tpu.memory_space<vmem>>
      %dma_wait3A_140 = tpu.memref_slice %arg3[%add3A_83] : memref<320000xi32, #tpu.memory_space<hbm>> -> memref<80xi32, #tpu.memory_space<hbm>>
      tpu.wait_dma2 semaphore(%run_scoped3A_124 : memref<!tpu.dma_semaphore, #tpu.memory_space<semaphore_mem>>) src(%dma_wait3A_140 : memref<80xi32, #tpu.memory_space<hbm>>) dst(%dma_wait3A_139 : memref<80xi32, #tpu.memory_space<vmem>>)
      tpu.yield
    }) : () -> ()
    %dma_start3A_87 = arith.constant 0 : i32
    %dma_start3A_88 = arith.constant 0 : i32
    %dma_start3A_89 = arith.constant 0 : i32
    %dma_start3A_90 = arith.constant 0 : i32
    %dma_start3A_91 = arith.constant 0 : i32
    %dma_start3A_92 = arith.constant 0 : i32
    %dma_start3A_93 = tpu.memref_slice %arg9[%dma_start3A_89, %dma_start3A_90, %dma_start3A_91, %dma_start3A_92] : memref<2x2x80x128xf32, #tpu.memory_space<vmem>> -> memref<1x1x80x128xf32, #tpu.memory_space<vmem>>
    %dma_start3A_94 = tpu.memref_squeeze %dma_start3A_93 : memref<1x1x80x128xf32, #tpu.memory_space<vmem>> -> memref<80x128xf32, #tpu.memory_space<vmem>>
    %dma_start3A_95 = arith.constant 0 : i32
    %dma_start3A_96 = tpu.memref_slice %arg7[%dma_start3A_87, %dma_start3A_88, %dma_start3A_95] : memref<2x2x80xi32, #tpu.memory_space<vmem>> -> memref<1x1x80xi32, #tpu.memory_space<vmem>>
    %dma_start3A_97 = tpu.memref_squeeze %dma_start3A_96 : memref<1x1x80xi32, #tpu.memory_space<vmem>> -> memref<80xi32, #tpu.memory_space<vmem>>
    %dma_start3A_98 = arith.constant 0 : i32
    %dma_start3A_99 = arith.constant 0 : i32
    %dma_start3A_100 = tpu.memref_slice %arg4[%dma_start3A_98, %dma_start3A_99] : memref<10000x128xf32, #tpu.memory_space<hbm>> -> memref<10000x128xf32, #tpu.memory_space<hbm>>
    tpu.enqueue_indirect_dma source(%dma_start3A_100 : memref<10000x128xf32, #tpu.memory_space<hbm>>) target(%dma_start3A_94 : memref<80x128xf32, #tpu.memory_space<vmem>>) offsets(%dma_start3A_97 : memref<80xi32, #tpu.memory_space<vmem>>) semaphore(%arg12 : memref<!tpu.dma_semaphore, #tpu.memory_space<semaphore_mem>>)
    %dma_wait3A_101 = arith.constant 0 : i32
    %dma_wait3A_102 = arith.constant 0 : i32
    %dma_wait3A_103 = arith.constant 0 : i32
    %dma_wait3A_104 = arith.constant 0 : i32
    %dma_wait3A_105 = arith.constant 0 : i32
    %dma_wait3A_106 = arith.constant 0 : i32
    %dma_wait3A_107 = tpu.memref_slice %arg9[%dma_wait3A_103, %dma_wait3A_104, %dma_wait3A_105, %dma_wait3A_106] : memref<2x2x80x128xf32, #tpu.memory_space<vmem>> -> memref<1x1x80x128xf32, #tpu.memory_space<vmem>>
    %dma_wait3A_108 = tpu.memref_squeeze %dma_wait3A_107 : memref<1x1x80x128xf32, #tpu.memory_space<vmem>> -> memref<80x128xf32, #tpu.memory_space<vmem>>
    %dma_wait3A_109 = arith.constant 0 : i32
    %dma_wait3A_110 = tpu.memref_slice %arg7[%dma_wait3A_101, %dma_wait3A_102, %dma_wait3A_109] : memref<2x2x80xi32, #tpu.memory_space<vmem>> -> memref<1x1x80xi32, #tpu.memory_space<vmem>>
    %dma_wait3A_111 = tpu.memref_squeeze %dma_wait3A_110 : memref<1x1x80xi32, #tpu.memory_space<vmem>> -> memref<80xi32, #tpu.memory_space<vmem>>
    %dma_wait3A_112 = arith.constant 0 : i32
    %dma_wait3A_113 = arith.constant 0 : i32
    %dma_wait3A_114 = tpu.memref_slice %arg4[%dma_wait3A_112, %dma_wait3A_113] : memref<10000x128xf32, #tpu.memory_space<hbm>> -> memref<10000x128xf32, #tpu.memory_space<hbm>>
    tpu.wait_indirect_dma semaphore(%arg12 : memref<!tpu.dma_semaphore, #tpu.memory_space<semaphore_mem>>) src(%dma_wait3A_114 : memref<10000x128xf32, #tpu.memory_space<hbm>>) dst(%dma_wait3A_108 : memref<80x128xf32, #tpu.memory_space<vmem>>)
    %run_scoped3A_115 = arith.constant 0 : i32
    %run_scoped3A_116 = arith.constant 0 : i32
    %run_scoped3A_117 = arith.constant 0 : i32
    %run_scoped3A_118 = arith.constant 0 : i32
    "tpu.region"() ({
      %run_scoped3A_124 = tpu.sem_alloc : memref<!tpu.dma_semaphore, #tpu.memory_space<semaphore_mem>>
      %dma_start3A_125 = arith.constant 0 : i32
      %dma_start3A_126 = arith.constant 0 : i32
      %dma_start3A_127 = tpu.memref_slice %arg9[%run_scoped3A_115, %run_scoped3A_116, %dma_start3A_125, %dma_start3A_126] : memref<2x2x80x128xf32, #tpu.memory_space<vmem>> -> memref<1x1x80x128xf32, #tpu.memory_space<vmem>>
      %dma_start3A_128 = tpu.memref_squeeze %dma_start3A_127 : memref<1x1x80x128xf32, #tpu.memory_space<vmem>> -> memref<80x128xf32, #tpu.memory_space<vmem>>
      %dma_start3A_129 = arith.constant 0 : i32
      %dma_start3A_130 = tpu.memref_slice %arg8[%run_scoped3A_117, %run_scoped3A_118, %dma_start3A_129] : memref<2x2x80xi32, #tpu.memory_space<vmem>> -> memref<1x1x80xi32, #tpu.memory_space<vmem>>
      %dma_start3A_131 = tpu.memref_squeeze %dma_start3A_130 : memref<1x1x80xi32, #tpu.memory_space<vmem>> -> memref<80xi32, #tpu.memory_space<vmem>>
      %dma_start3A_132 = arith.constant 0 : i32
      %dma_start3A_133 = arith.constant 0 : i32
      %dma_start3A_134 = tpu.memref_slice %arg10[%dma_start3A_132, %dma_start3A_133] : memref<10240x128xf32, #tpu.memory_space<vmem_shared>> -> memref<10240x128xf32, #tpu.memory_space<vmem_shared>>
      tpu.enqueue_indirect_dma source(%dma_start3A_128 : memref<80x128xf32, #tpu.memory_space<vmem>>) target(%dma_start3A_134 : memref<10240x128xf32, #tpu.memory_space<vmem_shared>>) offsets(%dma_start3A_131 : memref<80xi32, #tpu.memory_space<vmem>>) semaphore(%run_scoped3A_124 : memref<!tpu.dma_semaphore, #tpu.memory_space<semaphore_mem>>) {add = true}
      %dma_wait3A_135 = arith.constant 0 : i32
      %dma_wait3A_136 = arith.constant 0 : i32
      %dma_wait3A_137 = tpu.memref_slice %arg9[%run_scoped3A_115, %run_scoped3A_116, %dma_wait3A_135, %dma_wait3A_136] : memref<2x2x80x128xf32, #tpu.memory_space<vmem>> -> memref<1x1x80x128xf32, #tpu.memory_space<vmem>>
      %dma_wait3A_138 = tpu.memref_squeeze %dma_wait3A_137 : memref<1x1x80x128xf32, #tpu.memory_space<vmem>> -> memref<80x128xf32, #tpu.memory_space<vmem>>
      %dma_wait3A_139 = arith.constant 0 : i32
      %dma_wait3A_140 = tpu.memref_slice %arg8[%run_scoped3A_117, %run_scoped3A_118, %dma_wait3A_139] : memref<2x2x80xi32, #tpu.memory_space<vmem>> -> memref<1x1x80xi32, #tpu.memory_space<vmem>>
      %dma_wait3A_141 = tpu.memref_squeeze %dma_wait3A_140 : memref<1x1x80xi32, #tpu.memory_space<vmem>> -> memref<80xi32, #tpu.memory_space<vmem>>
      %dma_wait3A_142 = arith.constant 0 : i32
      %dma_wait3A_143 = arith.constant 0 : i32
      %dma_wait3A_144 = tpu.memref_slice %arg10[%dma_wait3A_142, %dma_wait3A_143] : memref<10240x128xf32, #tpu.memory_space<vmem_shared>> -> memref<10240x128xf32, #tpu.memory_space<vmem_shared>>
      tpu.wait_indirect_dma semaphore(%run_scoped3A_124 : memref<!tpu.dma_semaphore, #tpu.memory_space<semaphore_mem>>) src(%dma_wait3A_138 : memref<80x128xf32, #tpu.memory_space<vmem>>) dst(%dma_wait3A_144 : memref<10240x128xf32, #tpu.memory_space<vmem_shared>>)
      tpu.yield
    }) : () -> ()
    %barrier3A_119 = arith.constant 0 : index
    tpu.barrier barrier_id(%barrier3A_119)
    %mul3A_120 = arith.constant 640 : i32
    %mul3A_121 = arith.muli %arg1, %mul3A_120 : i32
    %mul3A_122 = arith.constant 640 : i32
    %mul3A_123 = arith.muli %arg1, %mul3A_122 : i32
    "tpu.region"() ({
      %run_scoped3A_124 = tpu.sem_alloc : memref<!tpu.dma_semaphore, #tpu.memory_space<semaphore_mem>>
      %dma_start3A_125 = arith.constant 0 : i32
      %dma_start3A_126 = tpu.memref_slice %arg6[%arg0, %mul3A_123, %dma_start3A_125] : memref<2x10240x128xf32, #tpu.memory_space<hbm>> -> memref<1x640x128xf32, #tpu.memory_space<hbm>>
      %dma_start3A_127 = tpu.memref_squeeze %dma_start3A_126 : memref<1x640x128xf32, #tpu.memory_space<hbm>> -> memref<640x128xf32, #tpu.memory_space<hbm>>
      %dma_start3A_128 = arith.constant 0 : i32
      %dma_start3A_129 = tpu.memref_slice %arg10[%mul3A_121, %dma_start3A_128] : memref<10240x128xf32, #tpu.memory_space<vmem_shared>> -> memref<640x128xf32, #tpu.memory_space<vmem_shared>>
      tpu.enqueue_dma source(%dma_start3A_129 : memref<640x128xf32, #tpu.memory_space<vmem_shared>>) target(%dma_start3A_127 : memref<640x128xf32, #tpu.memory_space<hbm>>) target_semaphore(%run_scoped3A_124 : memref<!tpu.dma_semaphore, #tpu.memory_space<semaphore_mem>>)
      %dma_wait3A_130 = arith.constant 0 : i32
      %dma_wait3A_131 = tpu.memref_slice %arg6[%arg0, %mul3A_123, %dma_wait3A_130] : memref<2x10240x128xf32, #tpu.memory_space<hbm>> -> memref<1x640x128xf32, #tpu.memory_space<hbm>>
      %dma_wait3A_132 = tpu.memref_squeeze %dma_wait3A_131 : memref<1x640x128xf32, #tpu.memory_space<hbm>> -> memref<640x128xf32, #tpu.memory_space<hbm>>
      %dma_wait3A_133 = arith.constant 0 : i32
      %dma_wait3A_134 = tpu.memref_slice %arg10[%mul3A_121, %dma_wait3A_133] : memref<10240x128xf32, #tpu.memory_space<vmem_shared>> -> memref<640x128xf32, #tpu.memory_space<vmem_shared>>
      tpu.wait_dma2 semaphore(%run_scoped3A_124 : memref<!tpu.dma_semaphore, #tpu.memory_space<semaphore_mem>>) src(%dma_wait3A_134 : memref<640x128xf32, #tpu.memory_space<vmem_shared>>) dst(%dma_wait3A_132 : memref<640x128xf32, #tpu.memory_space<hbm>>)
      tpu.yield
    }) : () -> ()
    return
  }
}

#map = affine_map<(d0, d1) -> (0)>
#map1 = affine_map<(d0, d1) -> (0, 0)>
#map2 = affine_map<(d0, d1) -> (0, 0, 0)>
module attributes {stable_mosaic.version = 14 : i64} {
  func.func @_prop_body(%arg0: i32, %arg1: i32, %arg2: memref<320000xi32, #tpu.memory_space<hbm>>, %arg3: memref<320000xi32, #tpu.memory_space<hbm>>, %arg4: memref<10000x128xf32, #tpu.memory_space<hbm>>, %arg5: memref<10240x128xf32, #tpu.memory_space<hbm>>, %arg6: memref<2x10240x128xf32, #tpu.memory_space<hbm>>, %arg7: memref<2x2x80xi32, #tpu.memory_space<vmem>>, %arg8: memref<2x2x80xi32, #tpu.memory_space<vmem>>, %arg9: memref<2x2x80x128xf32, #tpu.memory_space<vmem>>, %arg10: memref<10240x128xf32, #tpu.memory_space<vmem_shared>>, %arg11: memref<!tpu.dma_semaphore, #tpu.memory_space<semaphore_mem>>, %arg12: memref<!tpu.dma_semaphore, #tpu.memory_space<semaphore_mem>>, %arg13: memref<!tpu.dma_semaphore, #tpu.memory_space<semaphore_mem>>) attributes {dimension_semantics = [#tpu.dimension_semantics<core_parallel>, #tpu.dimension_semantics<subcore_parallel>], iteration_bounds = array<i64: 2, 16>, scalar_prefetch = 0 : i64, scratch_operands = 7 : i64, tpu.core_type = #tpu.core_type<sc_vector_subcore>, window_params = [{transform_indices = #map}, {transform_indices = #map}, {transform_indices = #map1}, {transform_indices = #map1}, {transform_indices = #map2}]} {
    %mul3A = arith.constant 2 : i32
    %mul3A_0 = arith.muli %arg1, %mul3A : i32
    %add3A = arith.addi %mul3A_0, %arg0 : i32
    %mul3A_1 = arith.constant 640 : i32
    %mul3A_2 = arith.muli %arg1, %mul3A_1 : i32
    %mul3A_3 = arith.constant 640 : i32
    %mul3A_4 = arith.muli %arg1, %mul3A_3 : i32
    "tpu.region"() ({
      %run_scoped3A_124 = tpu.sem_alloc : memref<!tpu.dma_semaphore, #tpu.memory_space<semaphore_mem>>
      %dma_start3A_125 = arith.constant 0 : i32
      %dma_start3A_126 = tpu.memref_slice %arg10[%mul3A_4, %dma_start3A_125] : memref<10240x128xf32, #tpu.memory_space<vmem_shared>> -> memref<640x128xf32, #tpu.memory_space<vmem_shared>>
      %dma_start3A_127 = arith.constant 0 : i32
      %dma_start3A_128 = tpu.memref_slice %arg5[%mul3A_2, %dma_start3A_127] : memref<10240x128xf32, #tpu.memory_space<hbm>> -> memref<640x128xf32, #tpu.memory_space<hbm>>
      tpu.enqueue_dma source(%dma_start3A_128 : memref<640x128xf32, #tpu.memory_space<hbm>>) target(%dma_start3A_126 : memref<640x128xf32, #tpu.memory_space<vmem_shared>>) target_semaphore(%run_scoped3A_124 : memref<!tpu.dma_semaphore, #tpu.memory_space<semaphore_mem>>)
      %dma_wait3A_129 = arith.constant 0 : i32
      %dma_wait3A_130 = tpu.memref_slice %arg10[%mul3A_4, %dma_wait3A_129] : memref<10240x128xf32, #tpu.memory_space<vmem_shared>> -> memref<640x128xf32, #tpu.memory_space<vmem_shared>>
      %dma_wait3A_131 = arith.constant 0 : i32
      %dma_wait3A_132 = tpu.memref_slice %arg5[%mul3A_2, %dma_wait3A_131] : memref<10240x128xf32, #tpu.memory_space<hbm>> -> memref<640x128xf32, #tpu.memory_space<hbm>>
      tpu.wait_dma2 semaphore(%run_scoped3A_124 : memref<!tpu.dma_semaphore, #tpu.memory_space<semaphore_mem>>) src(%dma_wait3A_132 : memref<640x128xf32, #tpu.memory_space<hbm>>) dst(%dma_wait3A_130 : memref<640x128xf32, #tpu.memory_space<vmem_shared>>)
      tpu.yield
    }) : () -> ()
    %barrier3A = arith.constant 0 : index
    tpu.barrier barrier_id(%barrier3A)
    %mul3A_5 = arith.constant 10000 : i32
    %mul3A_6 = arith.muli %add3A, %mul3A_5 : i32
    %add3A_7 = arith.constant 0 : i32
    %add3A_8 = arith.addi %mul3A_6, %add3A_7 : i32
    %dma_start3A = arith.constant 0 : i32
    %dma_start3A_9 = arith.constant 0 : i32
    %dma_start3A_10 = arith.constant 0 : i32
    %dma_start3A_11 = tpu.memref_slice %arg7[%dma_start3A, %dma_start3A_9, %dma_start3A_10] : memref<2x2x80xi32, #tpu.memory_space<vmem>> -> memref<1x1x80xi32, #tpu.memory_space<vmem>>
    %dma_start3A_12 = tpu.memref_squeeze %dma_start3A_11 : memref<1x1x80xi32, #tpu.memory_space<vmem>> -> memref<80xi32, #tpu.memory_space<vmem>>
    %dma_start3A_13 = tpu.memref_slice %arg2[%add3A_8] : memref<320000xi32, #tpu.memory_space<hbm>> -> memref<80xi32, #tpu.memory_space<hbm>>
    %dma_start3A_14 = arith.constant 0 : i32
    %dma_start3A_15 = tpu.memref_slice %arg7[%dma_start3A, %dma_start3A_9, %dma_start3A_14] : memref<2x2x80xi32, #tpu.memory_space<vmem>> -> memref<1x1x80xi32, #tpu.memory_space<vmem>>
    %dma_start3A_16 = tpu.memref_squeeze %dma_start3A_15 : memref<1x1x80xi32, #tpu.memory_space<vmem>> -> memref<80xi32, #tpu.memory_space<vmem>>
    %dma_start3A_17 = tpu.memref_slice %arg2[%add3A_8] : memref<320000xi32, #tpu.memory_space<hbm>> -> memref<80xi32, #tpu.memory_space<hbm>>
    tpu.enqueue_dma source(%dma_start3A_17 : memref<80xi32, #tpu.memory_space<hbm>>) target(%dma_start3A_16 : memref<80xi32, #tpu.memory_space<vmem>>) target_semaphore(%arg11 : memref<!tpu.dma_semaphore, #tpu.memory_space<semaphore_mem>>)
    %dma_start3A_18 = arith.constant 0 : i32
    %dma_start3A_19 = arith.constant 0 : i32
    %dma_start3A_20 = arith.constant 0 : i32
    %dma_start3A_21 = tpu.memref_slice %arg8[%dma_start3A_18, %dma_start3A_19, %dma_start3A_20] : memref<2x2x80xi32, #tpu.memory_space<vmem>> -> memref<1x1x80xi32, #tpu.memory_space<vmem>>
    %dma_start3A_22 = tpu.memref_squeeze %dma_start3A_21 : memref<1x1x80xi32, #tpu.memory_space<vmem>> -> memref<80xi32, #tpu.memory_space<vmem>>
    %dma_start3A_23 = tpu.memref_slice %arg3[%add3A_8] : memref<320000xi32, #tpu.memory_space<hbm>> -> memref<80xi32, #tpu.memory_space<hbm>>
    %dma_start3A_24 = arith.constant 0 : i32
    %dma_start3A_25 = tpu.memref_slice %arg8[%dma_start3A_18, %dma_start3A_19, %dma_start3A_24] : memref<2x2x80xi32, #tpu.memory_space<vmem>> -> memref<1x1x80xi32, #tpu.memory_space<vmem>>
    %dma_start3A_26 = tpu.memref_squeeze %dma_start3A_25 : memref<1x1x80xi32, #tpu.memory_space<vmem>> -> memref<80xi32, #tpu.memory_space<vmem>>
    %dma_start3A_27 = tpu.memref_slice %arg3[%add3A_8] : memref<320000xi32, #tpu.memory_space<hbm>> -> memref<80xi32, #tpu.memory_space<hbm>>
    tpu.enqueue_dma source(%dma_start3A_27 : memref<80xi32, #tpu.memory_space<hbm>>) target(%dma_start3A_26 : memref<80xi32, #tpu.memory_space<vmem>>) target_semaphore(%arg11 : memref<!tpu.dma_semaphore, #tpu.memory_space<semaphore_mem>>)
    %add3A_28 = arith.constant 80 : i32
    %add3A_29 = arith.addi %mul3A_6, %add3A_28 : i32
    %dma_start3A_30 = arith.constant 0 : i32
    %dma_start3A_31 = arith.constant 1 : i32
    %dma_start3A_32 = arith.constant 0 : i32
    %dma_start3A_33 = tpu.memref_slice %arg7[%dma_start3A_30, %dma_start3A_31, %dma_start3A_32] : memref<2x2x80xi32, #tpu.memory_space<vmem>> -> memref<1x1x80xi32, #tpu.memory_space<vmem>>
    %dma_start3A_34 = tpu.memref_squeeze %dma_start3A_33 : memref<1x1x80xi32, #tpu.memory_space<vmem>> -> memref<80xi32, #tpu.memory_space<vmem>>
    %dma_start3A_35 = tpu.memref_slice %arg2[%add3A_29] : memref<320000xi32, #tpu.memory_space<hbm>> -> memref<80xi32, #tpu.memory_space<hbm>>
    %dma_start3A_36 = arith.constant 0 : i32
    %dma_start3A_37 = tpu.memref_slice %arg7[%dma_start3A_30, %dma_start3A_31, %dma_start3A_36] : memref<2x2x80xi32, #tpu.memory_space<vmem>> -> memref<1x1x80xi32, #tpu.memory_space<vmem>>
    %dma_start3A_38 = tpu.memref_squeeze %dma_start3A_37 : memref<1x1x80xi32, #tpu.memory_space<vmem>> -> memref<80xi32, #tpu.memory_space<vmem>>
    %dma_start3A_39 = tpu.memref_slice %arg2[%add3A_29] : memref<320000xi32, #tpu.memory_space<hbm>> -> memref<80xi32, #tpu.memory_space<hbm>>
    tpu.enqueue_dma source(%dma_start3A_39 : memref<80xi32, #tpu.memory_space<hbm>>) target(%dma_start3A_38 : memref<80xi32, #tpu.memory_space<vmem>>) target_semaphore(%arg11 : memref<!tpu.dma_semaphore, #tpu.memory_space<semaphore_mem>>)
    %dma_start3A_40 = arith.constant 0 : i32
    %dma_start3A_41 = arith.constant 1 : i32
    %dma_start3A_42 = arith.constant 0 : i32
    %dma_start3A_43 = tpu.memref_slice %arg8[%dma_start3A_40, %dma_start3A_41, %dma_start3A_42] : memref<2x2x80xi32, #tpu.memory_space<vmem>> -> memref<1x1x80xi32, #tpu.memory_space<vmem>>
    %dma_start3A_44 = tpu.memref_squeeze %dma_start3A_43 : memref<1x1x80xi32, #tpu.memory_space<vmem>> -> memref<80xi32, #tpu.memory_space<vmem>>
    %dma_start3A_45 = tpu.memref_slice %arg3[%add3A_29] : memref<320000xi32, #tpu.memory_space<hbm>> -> memref<80xi32, #tpu.memory_space<hbm>>
    %dma_start3A_46 = arith.constant 0 : i32
    %dma_start3A_47 = tpu.memref_slice %arg8[%dma_start3A_40, %dma_start3A_41, %dma_start3A_46] : memref<2x2x80xi32, #tpu.memory_space<vmem>> -> memref<1x1x80xi32, #tpu.memory_space<vmem>>
    %dma_start3A_48 = tpu.memref_squeeze %dma_start3A_47 : memref<1x1x80xi32, #tpu.memory_space<vmem>> -> memref<80xi32, #tpu.memory_space<vmem>>
    %dma_start3A_49 = tpu.memref_slice %arg3[%add3A_29] : memref<320000xi32, #tpu.memory_space<hbm>> -> memref<80xi32, #tpu.memory_space<hbm>>
    tpu.enqueue_dma source(%dma_start3A_49 : memref<80xi32, #tpu.memory_space<hbm>>) target(%dma_start3A_48 : memref<80xi32, #tpu.memory_space<vmem>>) target_semaphore(%arg11 : memref<!tpu.dma_semaphore, #tpu.memory_space<semaphore_mem>>)
    %scan3A = arith.constant 0 : i32
    %scan3A_50 = arith.constant 0 : i32
    %scan3A_51 = arith.constant 31 : i32
    %scan3A_52 = arith.addi %scan3A_50, %scan3A_51 : i32
    %scan3A_53 = arith.constant 1 : i32
    scf.for %scan3A_124 = %scan3A_50 to %scan3A_52 step %scan3A_53  : i32 {
      %dma_wait3A_125 = arith.constant 0 : i32
      %dma_wait3A_126 = arith.constant 0 : i32
      %dma_wait3A_127 = arith.constant 0 : i32
      %dma_wait3A_128 = tpu.memref_slice %arg7[%dma_wait3A_125, %dma_wait3A_126, %dma_wait3A_127] : memref<2x2x80xi32, #tpu.memory_space<vmem>> -> memref<1x1x80xi32, #tpu.memory_space<vmem>>
      %dma_wait3A_129 = tpu.memref_squeeze %dma_wait3A_128 : memref<1x1x80xi32, #tpu.memory_space<vmem>> -> memref<80xi32, #tpu.memory_space<vmem>>
      %dma_wait3A_130 = arith.constant 0 : i32
      %dma_wait3A_131 = tpu.memref_slice %arg2[%dma_wait3A_130] : memref<320000xi32, #tpu.memory_space<hbm>> -> memref<80xi32, #tpu.memory_space<hbm>>
      %dma_wait3A_132 = arith.constant 0 : i32
      %dma_wait3A_133 = tpu.memref_slice %arg7[%dma_wait3A_125, %dma_wait3A_126, %dma_wait3A_132] : memref<2x2x80xi32, #tpu.memory_space<vmem>> -> memref<1x1x80xi32, #tpu.memory_space<vmem>>
      %dma_wait3A_134 = tpu.memref_squeeze %dma_wait3A_133 : memref<1x1x80xi32, #tpu.memory_space<vmem>> -> memref<80xi32, #tpu.memory_space<vmem>>
      %dma_wait3A_135 = arith.constant 0 : i32
      %dma_wait3A_136 = tpu.memref_slice %arg2[%dma_wait3A_135] : memref<320000xi32, #tpu.memory_space<hbm>> -> memref<80xi32, #tpu.memory_space<hbm>>
      tpu.wait_dma2 semaphore(%arg11 : memref<!tpu.dma_semaphore, #tpu.memory_space<semaphore_mem>>) src(%dma_wait3A_136 : memref<80xi32, #tpu.memory_space<hbm>>) dst(%dma_wait3A_134 : memref<80xi32, #tpu.memory_space<vmem>>)
      %dma_wait3A_137 = arith.constant 0 : i32
      %dma_wait3A_138 = arith.constant 0 : i32
      %dma_wait3A_139 = arith.constant 0 : i32
      %dma_wait3A_140 = tpu.memref_slice %arg8[%dma_wait3A_137, %dma_wait3A_138, %dma_wait3A_139] : memref<2x2x80xi32, #tpu.memory_space<vmem>> -> memref<1x1x80xi32, #tpu.memory_space<vmem>>
      %dma_wait3A_141 = tpu.memref_squeeze %dma_wait3A_140 : memref<1x1x80xi32, #tpu.memory_space<vmem>> -> memref<80xi32, #tpu.memory_space<vmem>>
      %dma_wait3A_142 = arith.constant 0 : i32
      %dma_wait3A_143 = tpu.memref_slice %arg3[%dma_wait3A_142] : memref<320000xi32, #tpu.memory_space<hbm>> -> memref<80xi32, #tpu.memory_space<hbm>>
      %dma_wait3A_144 = arith.constant 0 : i32
      %dma_wait3A_145 = tpu.memref_slice %arg8[%dma_wait3A_137, %dma_wait3A_138, %dma_wait3A_144] : memref<2x2x80xi32, #tpu.memory_space<vmem>> -> memref<1x1x80xi32, #tpu.memory_space<vmem>>
      %dma_wait3A_146 = tpu.memref_squeeze %dma_wait3A_145 : memref<1x1x80xi32, #tpu.memory_space<vmem>> -> memref<80xi32, #tpu.memory_space<vmem>>
      %dma_wait3A_147 = arith.constant 0 : i32
      %dma_wait3A_148 = tpu.memref_slice %arg3[%dma_wait3A_147] : memref<320000xi32, #tpu.memory_space<hbm>> -> memref<80xi32, #tpu.memory_space<hbm>>
      tpu.wait_dma2 semaphore(%arg11 : memref<!tpu.dma_semaphore, #tpu.memory_space<semaphore_mem>>) src(%dma_wait3A_148 : memref<80xi32, #tpu.memory_space<hbm>>) dst(%dma_wait3A_146 : memref<80xi32, #tpu.memory_space<vmem>>)
      %dma_wait3A_149 = arith.constant 0 : i32
      %dma_wait3A_150 = arith.constant 1 : i32
      %dma_wait3A_151 = arith.constant 0 : i32
      %dma_wait3A_152 = tpu.memref_slice %arg7[%dma_wait3A_149, %dma_wait3A_150, %dma_wait3A_151] : memref<2x2x80xi32, #tpu.memory_space<vmem>> -> memref<1x1x80xi32, #tpu.memory_space<vmem>>
      %dma_wait3A_153 = tpu.memref_squeeze %dma_wait3A_152 : memref<1x1x80xi32, #tpu.memory_space<vmem>> -> memref<80xi32, #tpu.memory_space<vmem>>
      %dma_wait3A_154 = arith.constant 0 : i32
      %dma_wait3A_155 = tpu.memref_slice %arg2[%dma_wait3A_154] : memref<320000xi32, #tpu.memory_space<hbm>> -> memref<80xi32, #tpu.memory_space<hbm>>
      %dma_wait3A_156 = arith.constant 0 : i32
      %dma_wait3A_157 = tpu.memref_slice %arg7[%dma_wait3A_149, %dma_wait3A_150, %dma_wait3A_156] : memref<2x2x80xi32, #tpu.memory_space<vmem>> -> memref<1x1x80xi32, #tpu.memory_space<vmem>>
      %dma_wait3A_158 = tpu.memref_squeeze %dma_wait3A_157 : memref<1x1x80xi32, #tpu.memory_space<vmem>> -> memref<80xi32, #tpu.memory_space<vmem>>
      %dma_wait3A_159 = arith.constant 0 : i32
      %dma_wait3A_160 = tpu.memref_slice %arg2[%dma_wait3A_159] : memref<320000xi32, #tpu.memory_space<hbm>> -> memref<80xi32, #tpu.memory_space<hbm>>
      tpu.wait_dma2 semaphore(%arg11 : memref<!tpu.dma_semaphore, #tpu.memory_space<semaphore_mem>>) src(%dma_wait3A_160 : memref<80xi32, #tpu.memory_space<hbm>>) dst(%dma_wait3A_158 : memref<80xi32, #tpu.memory_space<vmem>>)
      %dma_wait3A_161 = arith.constant 0 : i32
      %dma_wait3A_162 = arith.constant 1 : i32
      %dma_wait3A_163 = arith.constant 0 : i32
      %dma_wait3A_164 = tpu.memref_slice %arg8[%dma_wait3A_161, %dma_wait3A_162, %dma_wait3A_163] : memref<2x2x80xi32, #tpu.memory_space<vmem>> -> memref<1x1x80xi32, #tpu.memory_space<vmem>>
      %dma_wait3A_165 = tpu.memref_squeeze %dma_wait3A_164 : memref<1x1x80xi32, #tpu.memory_space<vmem>> -> memref<80xi32, #tpu.memory_space<vmem>>
      %dma_wait3A_166 = arith.constant 0 : i32
      %dma_wait3A_167 = tpu.memref_slice %arg3[%dma_wait3A_166] : memref<320000xi32, #tpu.memory_space<hbm>> -> memref<80xi32, #tpu.memory_space<hbm>>
      %dma_wait3A_168 = arith.constant 0 : i32
      %dma_wait3A_169 = tpu.memref_slice %arg8[%dma_wait3A_161, %dma_wait3A_162, %dma_wait3A_168] : memref<2x2x80xi32, #tpu.memory_space<vmem>> -> memref<1x1x80xi32, #tpu.memory_space<vmem>>
      %dma_wait3A_170 = tpu.memref_squeeze %dma_wait3A_169 : memref<1x1x80xi32, #tpu.memory_space<vmem>> -> memref<80xi32, #tpu.memory_space<vmem>>
      %dma_wait3A_171 = arith.constant 0 : i32
      %dma_wait3A_172 = tpu.memref_slice %arg3[%dma_wait3A_171] : memref<320000xi32, #tpu.memory_space<hbm>> -> memref<80xi32, #tpu.memory_space<hbm>>
      tpu.wait_dma2 semaphore(%arg11 : memref<!tpu.dma_semaphore, #tpu.memory_space<semaphore_mem>>) src(%dma_wait3A_172 : memref<80xi32, #tpu.memory_space<hbm>>) dst(%dma_wait3A_170 : memref<80xi32, #tpu.memory_space<vmem>>)
      %dma_start3A_173 = arith.constant 0 : i32
      %dma_start3A_174 = arith.constant 0 : i32
      %dma_start3A_175 = arith.constant 0 : i32
      %dma_start3A_176 = arith.constant 0 : i32
      %dma_start3A_177 = arith.constant 0 : i32
      %dma_start3A_178 = arith.constant 0 : i32
      %dma_start3A_179 = tpu.memref_slice %arg9[%dma_start3A_175, %dma_start3A_176, %dma_start3A_177, %dma_start3A_178] : memref<2x2x80x128xf32, #tpu.memory_space<vmem>> -> memref<1x1x80x128xf32, #tpu.memory_space<vmem>>
      %dma_start3A_180 = tpu.memref_squeeze %dma_start3A_179 : memref<1x1x80x128xf32, #tpu.memory_space<vmem>> -> memref<80x128xf32, #tpu.memory_space<vmem>>
      %dma_start3A_181 = arith.constant 0 : i32
      %dma_start3A_182 = tpu.memref_slice %arg7[%dma_start3A_173, %dma_start3A_174, %dma_start3A_181] : memref<2x2x80xi32, #tpu.memory_space<vmem>> -> memref<1x1x80xi32, #tpu.memory_space<vmem>>
      %dma_start3A_183 = tpu.memref_squeeze %dma_start3A_182 : memref<1x1x80xi32, #tpu.memory_space<vmem>> -> memref<80xi32, #tpu.memory_space<vmem>>
      %dma_start3A_184 = arith.constant 0 : i32
      %dma_start3A_185 = arith.constant 0 : i32
      %dma_start3A_186 = tpu.memref_slice %arg4[%dma_start3A_184, %dma_start3A_185] : memref<10000x128xf32, #tpu.memory_space<hbm>> -> memref<10000x128xf32, #tpu.memory_space<hbm>>
      tpu.enqueue_indirect_dma source(%dma_start3A_186 : memref<10000x128xf32, #tpu.memory_space<hbm>>) target(%dma_start3A_180 : memref<80x128xf32, #tpu.memory_space<vmem>>) offsets(%dma_start3A_183 : memref<80xi32, #tpu.memory_space<vmem>>) semaphore(%arg12 : memref<!tpu.dma_semaphore, #tpu.memory_space<semaphore_mem>>)
      %dma_start3A_187 = arith.constant 0 : i32
      %dma_start3A_188 = arith.constant 1 : i32
      %dma_start3A_189 = arith.constant 0 : i32
      %dma_start3A_190 = arith.constant 1 : i32
      %dma_start3A_191 = arith.constant 0 : i32
      %dma_start3A_192 = arith.constant 0 : i32
      %dma_start3A_193 = tpu.memref_slice %arg9[%dma_start3A_189, %dma_start3A_190, %dma_start3A_191, %dma_start3A_192] : memref<2x2x80x128xf32, #tpu.memory_space<vmem>> -> memref<1x1x80x128xf32, #tpu.memory_space<vmem>>
      %dma_start3A_194 = tpu.memref_squeeze %dma_start3A_193 : memref<1x1x80x128xf32, #tpu.memory_space<vmem>> -> memref<80x128xf32, #tpu.memory_space<vmem>>
      %dma_start3A_195 = arith.constant 0 : i32
      %dma_start3A_196 = tpu.memref_slice %arg7[%dma_start3A_187, %dma_start3A_188, %dma_start3A_195] : memref<2x2x80xi32, #tpu.memory_space<vmem>> -> memref<1x1x80xi32, #tpu.memory_space<vmem>>
      %dma_start3A_197 = tpu.memref_squeeze %dma_start3A_196 : memref<1x1x80xi32, #tpu.memory_space<vmem>> -> memref<80xi32, #tpu.memory_space<vmem>>
      %dma_start3A_198 = arith.constant 0 : i32
      %dma_start3A_199 = arith.constant 0 : i32
      %dma_start3A_200 = tpu.memref_slice %arg4[%dma_start3A_198, %dma_start3A_199] : memref<10000x128xf32, #tpu.memory_space<hbm>> -> memref<10000x128xf32, #tpu.memory_space<hbm>>
      tpu.enqueue_indirect_dma source(%dma_start3A_200 : memref<10000x128xf32, #tpu.memory_space<hbm>>) target(%dma_start3A_194 : memref<80x128xf32, #tpu.memory_space<vmem>>) offsets(%dma_start3A_197 : memref<80xi32, #tpu.memory_space<vmem>>) semaphore(%arg12 : memref<!tpu.dma_semaphore, #tpu.memory_space<semaphore_mem>>)
      %gt3A = arith.constant 0 : i32
      %gt3A_201 = arith.cmpi sgt, %scan3A_124, %gt3A : i32
      %convert_element_type3A = arith.extui %gt3A_201 : i1 to i32
      %cond3A = arith.constant 0 : i32
      %cond3A_202 = arith.cmpi ne, %convert_element_type3A, %cond3A : i32
      scf.if %cond3A_202 {
        %dma_wait3A_479 = arith.constant 1 : i32
        %dma_wait3A_480 = arith.constant 0 : i32
        %dma_wait3A_481 = arith.constant 1 : i32
        %dma_wait3A_482 = arith.constant 0 : i32
        %dma_wait3A_483 = arith.constant 0 : i32
        %dma_wait3A_484 = arith.constant 0 : i32
        %dma_wait3A_485 = tpu.memref_slice %arg9[%dma_wait3A_479, %dma_wait3A_480, %dma_wait3A_483, %dma_wait3A_484] : memref<2x2x80x128xf32, #tpu.memory_space<vmem>> -> memref<1x1x80x128xf32, #tpu.memory_space<vmem>>
        %dma_wait3A_486 = tpu.memref_squeeze %dma_wait3A_485 : memref<1x1x80x128xf32, #tpu.memory_space<vmem>> -> memref<80x128xf32, #tpu.memory_space<vmem>>
        %dma_wait3A_487 = arith.constant 0 : i32
        %dma_wait3A_488 = tpu.memref_slice %arg8[%dma_wait3A_481, %dma_wait3A_482, %dma_wait3A_487] : memref<2x2x80xi32, #tpu.memory_space<vmem>> -> memref<1x1x80xi32, #tpu.memory_space<vmem>>
        %dma_wait3A_489 = tpu.memref_squeeze %dma_wait3A_488 : memref<1x1x80xi32, #tpu.memory_space<vmem>> -> memref<80xi32, #tpu.memory_space<vmem>>
        %dma_wait3A_490 = arith.constant 0 : i32
        %dma_wait3A_491 = arith.constant 0 : i32
        %dma_wait3A_492 = tpu.memref_slice %arg10[%dma_wait3A_490, %dma_wait3A_491] : memref<10240x128xf32, #tpu.memory_space<vmem_shared>> -> memref<10240x128xf32, #tpu.memory_space<vmem_shared>>
        tpu.wait_indirect_dma semaphore(%arg13 : memref<!tpu.dma_semaphore, #tpu.memory_space<semaphore_mem>>) src(%dma_wait3A_486 : memref<80x128xf32, #tpu.memory_space<vmem>>) dst(%dma_wait3A_492 : memref<10240x128xf32, #tpu.memory_space<vmem_shared>>)
        %dma_wait3A_493 = arith.constant 1 : i32
        %dma_wait3A_494 = arith.constant 1 : i32
        %dma_wait3A_495 = arith.constant 1 : i32
        %dma_wait3A_496 = arith.constant 1 : i32
        %dma_wait3A_497 = arith.constant 0 : i32
        %dma_wait3A_498 = arith.constant 0 : i32
        %dma_wait3A_499 = tpu.memref_slice %arg9[%dma_wait3A_493, %dma_wait3A_494, %dma_wait3A_497, %dma_wait3A_498] : memref<2x2x80x128xf32, #tpu.memory_space<vmem>> -> memref<1x1x80x128xf32, #tpu.memory_space<vmem>>
        %dma_wait3A_500 = tpu.memref_squeeze %dma_wait3A_499 : memref<1x1x80x128xf32, #tpu.memory_space<vmem>> -> memref<80x128xf32, #tpu.memory_space<vmem>>
        %dma_wait3A_501 = arith.constant 0 : i32
        %dma_wait3A_502 = tpu.memref_slice %arg8[%dma_wait3A_495, %dma_wait3A_496, %dma_wait3A_501] : memref<2x2x80xi32, #tpu.memory_space<vmem>> -> memref<1x1x80xi32, #tpu.memory_space<vmem>>
        %dma_wait3A_503 = tpu.memref_squeeze %dma_wait3A_502 : memref<1x1x80xi32, #tpu.memory_space<vmem>> -> memref<80xi32, #tpu.memory_space<vmem>>
        %dma_wait3A_504 = arith.constant 0 : i32
        %dma_wait3A_505 = arith.constant 0 : i32
        %dma_wait3A_506 = tpu.memref_slice %arg10[%dma_wait3A_504, %dma_wait3A_505] : memref<10240x128xf32, #tpu.memory_space<vmem_shared>> -> memref<10240x128xf32, #tpu.memory_space<vmem_shared>>
        tpu.wait_indirect_dma semaphore(%arg13 : memref<!tpu.dma_semaphore, #tpu.memory_space<semaphore_mem>>) src(%dma_wait3A_500 : memref<80x128xf32, #tpu.memory_space<vmem>>) dst(%dma_wait3A_506 : memref<10240x128xf32, #tpu.memory_space<vmem_shared>>)
      } else {
      }
      %mul3A_203 = arith.constant 2 : i32
      %mul3A_204 = arith.muli %scan3A_124, %mul3A_203 : i32
      %mul3A_205 = arith.constant 2 : i32
      %mul3A_206 = arith.muli %mul3A_204, %mul3A_205 : i32
      %add3A_207 = arith.constant 2 : i32
      %add3A_208 = arith.addi %mul3A_206, %add3A_207 : i32
      %add3A_209 = arith.constant 0 : i32
      %add3A_210 = arith.addi %add3A_208, %add3A_209 : i32
      %mul3A_211 = arith.constant 80 : i32
      %mul3A_212 = arith.muli %add3A_210, %mul3A_211 : i32
      %add3A_213 = arith.addi %mul3A_6, %mul3A_212 : i32
      %dma_start3A_214 = arith.constant 1 : i32
      %dma_start3A_215 = arith.constant 0 : i32
      %dma_start3A_216 = arith.constant 0 : i32
      %dma_start3A_217 = tpu.memref_slice %arg7[%dma_start3A_214, %dma_start3A_215, %dma_start3A_216] : memref<2x2x80xi32, #tpu.memory_space<vmem>> -> memref<1x1x80xi32, #tpu.memory_space<vmem>>
      %dma_start3A_218 = tpu.memref_squeeze %dma_start3A_217 : memref<1x1x80xi32, #tpu.memory_space<vmem>> -> memref<80xi32, #tpu.memory_space<vmem>>
      %dma_start3A_219 = tpu.memref_slice %arg2[%add3A_213] : memref<320000xi32, #tpu.memory_space<hbm>> -> memref<80xi32, #tpu.memory_space<hbm>>
      %dma_start3A_220 = arith.constant 0 : i32
      %dma_start3A_221 = tpu.memref_slice %arg7[%dma_start3A_214, %dma_start3A_215, %dma_start3A_220] : memref<2x2x80xi32, #tpu.memory_space<vmem>> -> memref<1x1x80xi32, #tpu.memory_space<vmem>>
      %dma_start3A_222 = tpu.memref_squeeze %dma_start3A_221 : memref<1x1x80xi32, #tpu.memory_space<vmem>> -> memref<80xi32, #tpu.memory_space<vmem>>
      %dma_start3A_223 = tpu.memref_slice %arg2[%add3A_213] : memref<320000xi32, #tpu.memory_space<hbm>> -> memref<80xi32, #tpu.memory_space<hbm>>
      tpu.enqueue_dma source(%dma_start3A_223 : memref<80xi32, #tpu.memory_space<hbm>>) target(%dma_start3A_222 : memref<80xi32, #tpu.memory_space<vmem>>) target_semaphore(%arg11 : memref<!tpu.dma_semaphore, #tpu.memory_space<semaphore_mem>>)
      %dma_start3A_224 = arith.constant 1 : i32
      %dma_start3A_225 = arith.constant 0 : i32
      %dma_start3A_226 = arith.constant 0 : i32
      %dma_start3A_227 = tpu.memref_slice %arg8[%dma_start3A_224, %dma_start3A_225, %dma_start3A_226] : memref<2x2x80xi32, #tpu.memory_space<vmem>> -> memref<1x1x80xi32, #tpu.memory_space<vmem>>
      %dma_start3A_228 = tpu.memref_squeeze %dma_start3A_227 : memref<1x1x80xi32, #tpu.memory_space<vmem>> -> memref<80xi32, #tpu.memory_space<vmem>>
      %dma_start3A_229 = tpu.memref_slice %arg3[%add3A_213] : memref<320000xi32, #tpu.memory_space<hbm>> -> memref<80xi32, #tpu.memory_space<hbm>>
      %dma_start3A_230 = arith.constant 0 : i32
      %dma_start3A_231 = tpu.memref_slice %arg8[%dma_start3A_224, %dma_start3A_225, %dma_start3A_230] : memref<2x2x80xi32, #tpu.memory_space<vmem>> -> memref<1x1x80xi32, #tpu.memory_space<vmem>>
      %dma_start3A_232 = tpu.memref_squeeze %dma_start3A_231 : memref<1x1x80xi32, #tpu.memory_space<vmem>> -> memref<80xi32, #tpu.memory_space<vmem>>
      %dma_start3A_233 = tpu.memref_slice %arg3[%add3A_213] : memref<320000xi32, #tpu.memory_space<hbm>> -> memref<80xi32, #tpu.memory_space<hbm>>
      tpu.enqueue_dma source(%dma_start3A_233 : memref<80xi32, #tpu.memory_space<hbm>>) target(%dma_start3A_232 : memref<80xi32, #tpu.memory_space<vmem>>) target_semaphore(%arg11 : memref<!tpu.dma_semaphore, #tpu.memory_space<semaphore_mem>>)
      %add3A_234 = arith.constant 1 : i32
      %add3A_235 = arith.addi %add3A_208, %add3A_234 : i32
      %mul3A_236 = arith.constant 80 : i32
      %mul3A_237 = arith.muli %add3A_235, %mul3A_236 : i32
      %add3A_238 = arith.addi %mul3A_6, %mul3A_237 : i32
      %dma_start3A_239 = arith.constant 1 : i32
      %dma_start3A_240 = arith.constant 1 : i32
      %dma_start3A_241 = arith.constant 0 : i32
      %dma_start3A_242 = tpu.memref_slice %arg7[%dma_start3A_239, %dma_start3A_240, %dma_start3A_241] : memref<2x2x80xi32, #tpu.memory_space<vmem>> -> memref<1x1x80xi32, #tpu.memory_space<vmem>>
      %dma_start3A_243 = tpu.memref_squeeze %dma_start3A_242 : memref<1x1x80xi32, #tpu.memory_space<vmem>> -> memref<80xi32, #tpu.memory_space<vmem>>
      %dma_start3A_244 = tpu.memref_slice %arg2[%add3A_238] : memref<320000xi32, #tpu.memory_space<hbm>> -> memref<80xi32, #tpu.memory_space<hbm>>
      %dma_start3A_245 = arith.constant 0 : i32
      %dma_start3A_246 = tpu.memref_slice %arg7[%dma_start3A_239, %dma_start3A_240, %dma_start3A_245] : memref<2x2x80xi32, #tpu.memory_space<vmem>> -> memref<1x1x80xi32, #tpu.memory_space<vmem>>
      %dma_start3A_247 = tpu.memref_squeeze %dma_start3A_246 : memref<1x1x80xi32, #tpu.memory_space<vmem>> -> memref<80xi32, #tpu.memory_space<vmem>>
      %dma_start3A_248 = tpu.memref_slice %arg2[%add3A_238] : memref<320000xi32, #tpu.memory_space<hbm>> -> memref<80xi32, #tpu.memory_space<hbm>>
      tpu.enqueue_dma source(%dma_start3A_248 : memref<80xi32, #tpu.memory_space<hbm>>) target(%dma_start3A_247 : memref<80xi32, #tpu.memory_space<vmem>>) target_semaphore(%arg11 : memref<!tpu.dma_semaphore, #tpu.memory_space<semaphore_mem>>)
      %dma_start3A_249 = arith.constant 1 : i32
      %dma_start3A_250 = arith.constant 1 : i32
      %dma_start3A_251 = arith.constant 0 : i32
      %dma_start3A_252 = tpu.memref_slice %arg8[%dma_start3A_249, %dma_start3A_250, %dma_start3A_251] : memref<2x2x80xi32, #tpu.memory_space<vmem>> -> memref<1x1x80xi32, #tpu.memory_space<vmem>>
      %dma_start3A_253 = tpu.memref_squeeze %dma_start3A_252 : memref<1x1x80xi32, #tpu.memory_space<vmem>> -> memref<80xi32, #tpu.memory_space<vmem>>
      %dma_start3A_254 = tpu.memref_slice %arg3[%add3A_238] : memref<320000xi32, #tpu.memory_space<hbm>> -> memref<80xi32, #tpu.memory_space<hbm>>
      %dma_start3A_255 = arith.constant 0 : i32
      %dma_start3A_256 = tpu.memref_slice %arg8[%dma_start3A_249, %dma_start3A_250, %dma_start3A_255] : memref<2x2x80xi32, #tpu.memory_space<vmem>> -> memref<1x1x80xi32, #tpu.memory_space<vmem>>
      %dma_start3A_257 = tpu.memref_squeeze %dma_start3A_256 : memref<1x1x80xi32, #tpu.memory_space<vmem>> -> memref<80xi32, #tpu.memory_space<vmem>>
      %dma_start3A_258 = tpu.memref_slice %arg3[%add3A_238] : memref<320000xi32, #tpu.memory_space<hbm>> -> memref<80xi32, #tpu.memory_space<hbm>>
      tpu.enqueue_dma source(%dma_start3A_258 : memref<80xi32, #tpu.memory_space<hbm>>) target(%dma_start3A_257 : memref<80xi32, #tpu.memory_space<vmem>>) target_semaphore(%arg11 : memref<!tpu.dma_semaphore, #tpu.memory_space<semaphore_mem>>)
      %dma_wait3A_259 = arith.constant 0 : i32
      %dma_wait3A_260 = arith.constant 0 : i32
      %dma_wait3A_261 = arith.constant 0 : i32
      %dma_wait3A_262 = arith.constant 0 : i32
      %dma_wait3A_263 = arith.constant 0 : i32
      %dma_wait3A_264 = arith.constant 0 : i32
      %dma_wait3A_265 = tpu.memref_slice %arg9[%dma_wait3A_261, %dma_wait3A_262, %dma_wait3A_263, %dma_wait3A_264] : memref<2x2x80x128xf32, #tpu.memory_space<vmem>> -> memref<1x1x80x128xf32, #tpu.memory_space<vmem>>
      %dma_wait3A_266 = tpu.memref_squeeze %dma_wait3A_265 : memref<1x1x80x128xf32, #tpu.memory_space<vmem>> -> memref<80x128xf32, #tpu.memory_space<vmem>>
      %dma_wait3A_267 = arith.constant 0 : i32
      %dma_wait3A_268 = tpu.memref_slice %arg7[%dma_wait3A_259, %dma_wait3A_260, %dma_wait3A_267] : memref<2x2x80xi32, #tpu.memory_space<vmem>> -> memref<1x1x80xi32, #tpu.memory_space<vmem>>
      %dma_wait3A_269 = tpu.memref_squeeze %dma_wait3A_268 : memref<1x1x80xi32, #tpu.memory_space<vmem>> -> memref<80xi32, #tpu.memory_space<vmem>>
      %dma_wait3A_270 = arith.constant 0 : i32
      %dma_wait3A_271 = arith.constant 0 : i32
      %dma_wait3A_272 = tpu.memref_slice %arg4[%dma_wait3A_270, %dma_wait3A_271] : memref<10000x128xf32, #tpu.memory_space<hbm>> -> memref<10000x128xf32, #tpu.memory_space<hbm>>
      tpu.wait_indirect_dma semaphore(%arg12 : memref<!tpu.dma_semaphore, #tpu.memory_space<semaphore_mem>>) src(%dma_wait3A_272 : memref<10000x128xf32, #tpu.memory_space<hbm>>) dst(%dma_wait3A_266 : memref<80x128xf32, #tpu.memory_space<vmem>>)
      %dma_wait3A_273 = arith.constant 0 : i32
      %dma_wait3A_274 = arith.constant 1 : i32
      %dma_wait3A_275 = arith.constant 0 : i32
      %dma_wait3A_276 = arith.constant 1 : i32
      %dma_wait3A_277 = arith.constant 0 : i32
      %dma_wait3A_278 = arith.constant 0 : i32
      %dma_wait3A_279 = tpu.memref_slice %arg9[%dma_wait3A_275, %dma_wait3A_276, %dma_wait3A_277, %dma_wait3A_278] : memref<2x2x80x128xf32, #tpu.memory_space<vmem>> -> memref<1x1x80x128xf32, #tpu.memory_space<vmem>>
      %dma_wait3A_280 = tpu.memref_squeeze %dma_wait3A_279 : memref<1x1x80x128xf32, #tpu.memory_space<vmem>> -> memref<80x128xf32, #tpu.memory_space<vmem>>
      %dma_wait3A_281 = arith.constant 0 : i32
      %dma_wait3A_282 = tpu.memref_slice %arg7[%dma_wait3A_273, %dma_wait3A_274, %dma_wait3A_281] : memref<2x2x80xi32, #tpu.memory_space<vmem>> -> memref<1x1x80xi32, #tpu.memory_space<vmem>>
      %dma_wait3A_283 = tpu.memref_squeeze %dma_wait3A_282 : memref<1x1x80xi32, #tpu.memory_space<vmem>> -> memref<80xi32, #tpu.memory_space<vmem>>
      %dma_wait3A_284 = arith.constant 0 : i32
      %dma_wait3A_285 = arith.constant 0 : i32
      %dma_wait3A_286 = tpu.memref_slice %arg4[%dma_wait3A_284, %dma_wait3A_285] : memref<10000x128xf32, #tpu.memory_space<hbm>> -> memref<10000x128xf32, #tpu.memory_space<hbm>>
      tpu.wait_indirect_dma semaphore(%arg12 : memref<!tpu.dma_semaphore, #tpu.memory_space<semaphore_mem>>) src(%dma_wait3A_286 : memref<10000x128xf32, #tpu.memory_space<hbm>>) dst(%dma_wait3A_280 : memref<80x128xf32, #tpu.memory_space<vmem>>)
      %dma_start3A_287 = arith.constant 0 : i32
      %dma_start3A_288 = arith.constant 0 : i32
      %dma_start3A_289 = arith.constant 0 : i32
      %dma_start3A_290 = arith.constant 0 : i32
      %dma_start3A_291 = arith.constant 0 : i32
      %dma_start3A_292 = arith.constant 0 : i32
      %dma_start3A_293 = tpu.memref_slice %arg9[%dma_start3A_287, %dma_start3A_288, %dma_start3A_291, %dma_start3A_292] : memref<2x2x80x128xf32, #tpu.memory_space<vmem>> -> memref<1x1x80x128xf32, #tpu.memory_space<vmem>>
      %dma_start3A_294 = tpu.memref_squeeze %dma_start3A_293 : memref<1x1x80x128xf32, #tpu.memory_space<vmem>> -> memref<80x128xf32, #tpu.memory_space<vmem>>
      %dma_start3A_295 = arith.constant 0 : i32
      %dma_start3A_296 = tpu.memref_slice %arg8[%dma_start3A_289, %dma_start3A_290, %dma_start3A_295] : memref<2x2x80xi32, #tpu.memory_space<vmem>> -> memref<1x1x80xi32, #tpu.memory_space<vmem>>
      %dma_start3A_297 = tpu.memref_squeeze %dma_start3A_296 : memref<1x1x80xi32, #tpu.memory_space<vmem>> -> memref<80xi32, #tpu.memory_space<vmem>>
      %dma_start3A_298 = arith.constant 0 : i32
      %dma_start3A_299 = arith.constant 0 : i32
      %dma_start3A_300 = tpu.memref_slice %arg10[%dma_start3A_298, %dma_start3A_299] : memref<10240x128xf32, #tpu.memory_space<vmem_shared>> -> memref<10240x128xf32, #tpu.memory_space<vmem_shared>>
      tpu.enqueue_indirect_dma source(%dma_start3A_294 : memref<80x128xf32, #tpu.memory_space<vmem>>) target(%dma_start3A_300 : memref<10240x128xf32, #tpu.memory_space<vmem_shared>>) offsets(%dma_start3A_297 : memref<80xi32, #tpu.memory_space<vmem>>) semaphore(%arg13 : memref<!tpu.dma_semaphore, #tpu.memory_space<semaphore_mem>>) {add = true}
      %dma_start3A_301 = arith.constant 0 : i32
      %dma_start3A_302 = arith.constant 1 : i32
      %dma_start3A_303 = arith.constant 0 : i32
      %dma_start3A_304 = arith.constant 1 : i32
      %dma_start3A_305 = arith.constant 0 : i32
      %dma_start3A_306 = arith.constant 0 : i32
      %dma_start3A_307 = tpu.memref_slice %arg9[%dma_start3A_301, %dma_start3A_302, %dma_start3A_305, %dma_start3A_306] : memref<2x2x80x128xf32, #tpu.memory_space<vmem>> -> memref<1x1x80x128xf32, #tpu.memory_space<vmem>>
      %dma_start3A_308 = tpu.memref_squeeze %dma_start3A_307 : memref<1x1x80x128xf32, #tpu.memory_space<vmem>> -> memref<80x128xf32, #tpu.memory_space<vmem>>
      %dma_start3A_309 = arith.constant 0 : i32
      %dma_start3A_310 = tpu.memref_slice %arg8[%dma_start3A_303, %dma_start3A_304, %dma_start3A_309] : memref<2x2x80xi32, #tpu.memory_space<vmem>> -> memref<1x1x80xi32, #tpu.memory_space<vmem>>
      %dma_start3A_311 = tpu.memref_squeeze %dma_start3A_310 : memref<1x1x80xi32, #tpu.memory_space<vmem>> -> memref<80xi32, #tpu.memory_space<vmem>>
      %dma_start3A_312 = arith.constant 0 : i32
      %dma_start3A_313 = arith.constant 0 : i32
      %dma_start3A_314 = tpu.memref_slice %arg10[%dma_start3A_312, %dma_start3A_313] : memref<10240x128xf32, #tpu.memory_space<vmem_shared>> -> memref<10240x128xf32, #tpu.memory_space<vmem_shared>>
      tpu.enqueue_indirect_dma source(%dma_start3A_308 : memref<80x128xf32, #tpu.memory_space<vmem>>) target(%dma_start3A_314 : memref<10240x128xf32, #tpu.memory_space<vmem_shared>>) offsets(%dma_start3A_311 : memref<80xi32, #tpu.memory_space<vmem>>) semaphore(%arg13 : memref<!tpu.dma_semaphore, #tpu.memory_space<semaphore_mem>>) {add = true}
      %dma_wait3A_315 = arith.constant 1 : i32
      %dma_wait3A_316 = arith.constant 0 : i32
      %dma_wait3A_317 = arith.constant 0 : i32
      %dma_wait3A_318 = tpu.memref_slice %arg7[%dma_wait3A_315, %dma_wait3A_316, %dma_wait3A_317] : memref<2x2x80xi32, #tpu.memory_space<vmem>> -> memref<1x1x80xi32, #tpu.memory_space<vmem>>
      %dma_wait3A_319 = tpu.memref_squeeze %dma_wait3A_318 : memref<1x1x80xi32, #tpu.memory_space<vmem>> -> memref<80xi32, #tpu.memory_space<vmem>>
      %dma_wait3A_320 = arith.constant 0 : i32
      %dma_wait3A_321 = tpu.memref_slice %arg2[%dma_wait3A_320] : memref<320000xi32, #tpu.memory_space<hbm>> -> memref<80xi32, #tpu.memory_space<hbm>>
      %dma_wait3A_322 = arith.constant 0 : i32
      %dma_wait3A_323 = tpu.memref_slice %arg7[%dma_wait3A_315, %dma_wait3A_316, %dma_wait3A_322] : memref<2x2x80xi32, #tpu.memory_space<vmem>> -> memref<1x1x80xi32, #tpu.memory_space<vmem>>
      %dma_wait3A_324 = tpu.memref_squeeze %dma_wait3A_323 : memref<1x1x80xi32, #tpu.memory_space<vmem>> -> memref<80xi32, #tpu.memory_space<vmem>>
      %dma_wait3A_325 = arith.constant 0 : i32
      %dma_wait3A_326 = tpu.memref_slice %arg2[%dma_wait3A_325] : memref<320000xi32, #tpu.memory_space<hbm>> -> memref<80xi32, #tpu.memory_space<hbm>>
      tpu.wait_dma2 semaphore(%arg11 : memref<!tpu.dma_semaphore, #tpu.memory_space<semaphore_mem>>) src(%dma_wait3A_326 : memref<80xi32, #tpu.memory_space<hbm>>) dst(%dma_wait3A_324 : memref<80xi32, #tpu.memory_space<vmem>>)
      %dma_wait3A_327 = arith.constant 1 : i32
      %dma_wait3A_328 = arith.constant 0 : i32
      %dma_wait3A_329 = arith.constant 0 : i32
      %dma_wait3A_330 = tpu.memref_slice %arg8[%dma_wait3A_327, %dma_wait3A_328, %dma_wait3A_329] : memref<2x2x80xi32, #tpu.memory_space<vmem>> -> memref<1x1x80xi32, #tpu.memory_space<vmem>>
      %dma_wait3A_331 = tpu.memref_squeeze %dma_wait3A_330 : memref<1x1x80xi32, #tpu.memory_space<vmem>> -> memref<80xi32, #tpu.memory_space<vmem>>
      %dma_wait3A_332 = arith.constant 0 : i32
      %dma_wait3A_333 = tpu.memref_slice %arg3[%dma_wait3A_332] : memref<320000xi32, #tpu.memory_space<hbm>> -> memref<80xi32, #tpu.memory_space<hbm>>
      %dma_wait3A_334 = arith.constant 0 : i32
      %dma_wait3A_335 = tpu.memref_slice %arg8[%dma_wait3A_327, %dma_wait3A_328, %dma_wait3A_334] : memref<2x2x80xi32, #tpu.memory_space<vmem>> -> memref<1x1x80xi32, #tpu.memory_space<vmem>>
      %dma_wait3A_336 = tpu.memref_squeeze %dma_wait3A_335 : memref<1x1x80xi32, #tpu.memory_space<vmem>> -> memref<80xi32, #tpu.memory_space<vmem>>
      %dma_wait3A_337 = arith.constant 0 : i32
      %dma_wait3A_338 = tpu.memref_slice %arg3[%dma_wait3A_337] : memref<320000xi32, #tpu.memory_space<hbm>> -> memref<80xi32, #tpu.memory_space<hbm>>
      tpu.wait_dma2 semaphore(%arg11 : memref<!tpu.dma_semaphore, #tpu.memory_space<semaphore_mem>>) src(%dma_wait3A_338 : memref<80xi32, #tpu.memory_space<hbm>>) dst(%dma_wait3A_336 : memref<80xi32, #tpu.memory_space<vmem>>)
      %dma_wait3A_339 = arith.constant 1 : i32
      %dma_wait3A_340 = arith.constant 1 : i32
      %dma_wait3A_341 = arith.constant 0 : i32
      %dma_wait3A_342 = tpu.memref_slice %arg7[%dma_wait3A_339, %dma_wait3A_340, %dma_wait3A_341] : memref<2x2x80xi32, #tpu.memory_space<vmem>> -> memref<1x1x80xi32, #tpu.memory_space<vmem>>
      %dma_wait3A_343 = tpu.memref_squeeze %dma_wait3A_342 : memref<1x1x80xi32, #tpu.memory_space<vmem>> -> memref<80xi32, #tpu.memory_space<vmem>>
      %dma_wait3A_344 = arith.constant 0 : i32
      %dma_wait3A_345 = tpu.memref_slice %arg2[%dma_wait3A_344] : memref<320000xi32, #tpu.memory_space<hbm>> -> memref<80xi32, #tpu.memory_space<hbm>>
      %dma_wait3A_346 = arith.constant 0 : i32
      %dma_wait3A_347 = tpu.memref_slice %arg7[%dma_wait3A_339, %dma_wait3A_340, %dma_wait3A_346] : memref<2x2x80xi32, #tpu.memory_space<vmem>> -> memref<1x1x80xi32, #tpu.memory_space<vmem>>
      %dma_wait3A_348 = tpu.memref_squeeze %dma_wait3A_347 : memref<1x1x80xi32, #tpu.memory_space<vmem>> -> memref<80xi32, #tpu.memory_space<vmem>>
      %dma_wait3A_349 = arith.constant 0 : i32
      %dma_wait3A_350 = tpu.memref_slice %arg2[%dma_wait3A_349] : memref<320000xi32, #tpu.memory_space<hbm>> -> memref<80xi32, #tpu.memory_space<hbm>>
      tpu.wait_dma2 semaphore(%arg11 : memref<!tpu.dma_semaphore, #tpu.memory_space<semaphore_mem>>) src(%dma_wait3A_350 : memref<80xi32, #tpu.memory_space<hbm>>) dst(%dma_wait3A_348 : memref<80xi32, #tpu.memory_space<vmem>>)
      %dma_wait3A_351 = arith.constant 1 : i32
      %dma_wait3A_352 = arith.constant 1 : i32
      %dma_wait3A_353 = arith.constant 0 : i32
      %dma_wait3A_354 = tpu.memref_slice %arg8[%dma_wait3A_351, %dma_wait3A_352, %dma_wait3A_353] : memref<2x2x80xi32, #tpu.memory_space<vmem>> -> memref<1x1x80xi32, #tpu.memory_space<vmem>>
      %dma_wait3A_355 = tpu.memref_squeeze %dma_wait3A_354 : memref<1x1x80xi32, #tpu.memory_space<vmem>> -> memref<80xi32, #tpu.memory_space<vmem>>
      %dma_wait3A_356 = arith.constant 0 : i32
      %dma_wait3A_357 = tpu.memref_slice %arg3[%dma_wait3A_356] : memref<320000xi32, #tpu.memory_space<hbm>> -> memref<80xi32, #tpu.memory_space<hbm>>
      %dma_wait3A_358 = arith.constant 0 : i32
      %dma_wait3A_359 = tpu.memref_slice %arg8[%dma_wait3A_351, %dma_wait3A_352, %dma_wait3A_358] : memref<2x2x80xi32, #tpu.memory_space<vmem>> -> memref<1x1x80xi32, #tpu.memory_space<vmem>>
      %dma_wait3A_360 = tpu.memref_squeeze %dma_wait3A_359 : memref<1x1x80xi32, #tpu.memory_space<vmem>> -> memref<80xi32, #tpu.memory_space<vmem>>
      %dma_wait3A_361 = arith.constant 0 : i32
      %dma_wait3A_362 = tpu.memref_slice %arg3[%dma_wait3A_361] : memref<320000xi32, #tpu.memory_space<hbm>> -> memref<80xi32, #tpu.memory_space<hbm>>
      tpu.wait_dma2 semaphore(%arg11 : memref<!tpu.dma_semaphore, #tpu.memory_space<semaphore_mem>>) src(%dma_wait3A_362 : memref<80xi32, #tpu.memory_space<hbm>>) dst(%dma_wait3A_360 : memref<80xi32, #tpu.memory_space<vmem>>)
      %dma_start3A_363 = arith.constant 1 : i32
      %dma_start3A_364 = arith.constant 0 : i32
      %dma_start3A_365 = arith.constant 1 : i32
      %dma_start3A_366 = arith.constant 0 : i32
      %dma_start3A_367 = arith.constant 0 : i32
      %dma_start3A_368 = arith.constant 0 : i32
      %dma_start3A_369 = tpu.memref_slice %arg9[%dma_start3A_365, %dma_start3A_366, %dma_start3A_367, %dma_start3A_368] : memref<2x2x80x128xf32, #tpu.memory_space<vmem>> -> memref<1x1x80x128xf32, #tpu.memory_space<vmem>>
      %dma_start3A_370 = tpu.memref_squeeze %dma_start3A_369 : memref<1x1x80x128xf32, #tpu.memory_space<vmem>> -> memref<80x128xf32, #tpu.memory_space<vmem>>
      %dma_start3A_371 = arith.constant 0 : i32
      %dma_start3A_372 = tpu.memref_slice %arg7[%dma_start3A_363, %dma_start3A_364, %dma_start3A_371] : memref<2x2x80xi32, #tpu.memory_space<vmem>> -> memref<1x1x80xi32, #tpu.memory_space<vmem>>
      %dma_start3A_373 = tpu.memref_squeeze %dma_start3A_372 : memref<1x1x80xi32, #tpu.memory_space<vmem>> -> memref<80xi32, #tpu.memory_space<vmem>>
      %dma_start3A_374 = arith.constant 0 : i32
      %dma_start3A_375 = arith.constant 0 : i32
      %dma_start3A_376 = tpu.memref_slice %arg4[%dma_start3A_374, %dma_start3A_375] : memref<10000x128xf32, #tpu.memory_space<hbm>> -> memref<10000x128xf32, #tpu.memory_space<hbm>>
      tpu.enqueue_indirect_dma source(%dma_start3A_376 : memref<10000x128xf32, #tpu.memory_space<hbm>>) target(%dma_start3A_370 : memref<80x128xf32, #tpu.memory_space<vmem>>) offsets(%dma_start3A_373 : memref<80xi32, #tpu.memory_space<vmem>>) semaphore(%arg12 : memref<!tpu.dma_semaphore, #tpu.memory_space<semaphore_mem>>)
      %dma_start3A_377 = arith.constant 1 : i32
      %dma_start3A_378 = arith.constant 1 : i32
      %dma_start3A_379 = arith.constant 1 : i32
      %dma_start3A_380 = arith.constant 1 : i32
      %dma_start3A_381 = arith.constant 0 : i32
      %dma_start3A_382 = arith.constant 0 : i32
      %dma_start3A_383 = tpu.memref_slice %arg9[%dma_start3A_379, %dma_start3A_380, %dma_start3A_381, %dma_start3A_382] : memref<2x2x80x128xf32, #tpu.memory_space<vmem>> -> memref<1x1x80x128xf32, #tpu.memory_space<vmem>>
      %dma_start3A_384 = tpu.memref_squeeze %dma_start3A_383 : memref<1x1x80x128xf32, #tpu.memory_space<vmem>> -> memref<80x128xf32, #tpu.memory_space<vmem>>
      %dma_start3A_385 = arith.constant 0 : i32
      %dma_start3A_386 = tpu.memref_slice %arg7[%dma_start3A_377, %dma_start3A_378, %dma_start3A_385] : memref<2x2x80xi32, #tpu.memory_space<vmem>> -> memref<1x1x80xi32, #tpu.memory_space<vmem>>
      %dma_start3A_387 = tpu.memref_squeeze %dma_start3A_386 : memref<1x1x80xi32, #tpu.memory_space<vmem>> -> memref<80xi32, #tpu.memory_space<vmem>>
      %dma_start3A_388 = arith.constant 0 : i32
      %dma_start3A_389 = arith.constant 0 : i32
      %dma_start3A_390 = tpu.memref_slice %arg4[%dma_start3A_388, %dma_start3A_389] : memref<10000x128xf32, #tpu.memory_space<hbm>> -> memref<10000x128xf32, #tpu.memory_space<hbm>>
      tpu.enqueue_indirect_dma source(%dma_start3A_390 : memref<10000x128xf32, #tpu.memory_space<hbm>>) target(%dma_start3A_384 : memref<80x128xf32, #tpu.memory_space<vmem>>) offsets(%dma_start3A_387 : memref<80xi32, #tpu.memory_space<vmem>>) semaphore(%arg12 : memref<!tpu.dma_semaphore, #tpu.memory_space<semaphore_mem>>)
      %dma_wait3A_391 = arith.constant 0 : i32
      %dma_wait3A_392 = arith.constant 0 : i32
      %dma_wait3A_393 = arith.constant 0 : i32
      %dma_wait3A_394 = arith.constant 0 : i32
      %dma_wait3A_395 = arith.constant 0 : i32
      %dma_wait3A_396 = arith.constant 0 : i32
      %dma_wait3A_397 = tpu.memref_slice %arg9[%dma_wait3A_391, %dma_wait3A_392, %dma_wait3A_395, %dma_wait3A_396] : memref<2x2x80x128xf32, #tpu.memory_space<vmem>> -> memref<1x1x80x128xf32, #tpu.memory_space<vmem>>
      %dma_wait3A_398 = tpu.memref_squeeze %dma_wait3A_397 : memref<1x1x80x128xf32, #tpu.memory_space<vmem>> -> memref<80x128xf32, #tpu.memory_space<vmem>>
      %dma_wait3A_399 = arith.constant 0 : i32
      %dma_wait3A_400 = tpu.memref_slice %arg8[%dma_wait3A_393, %dma_wait3A_394, %dma_wait3A_399] : memref<2x2x80xi32, #tpu.memory_space<vmem>> -> memref<1x1x80xi32, #tpu.memory_space<vmem>>
      %dma_wait3A_401 = tpu.memref_squeeze %dma_wait3A_400 : memref<1x1x80xi32, #tpu.memory_space<vmem>> -> memref<80xi32, #tpu.memory_space<vmem>>
      %dma_wait3A_402 = arith.constant 0 : i32
      %dma_wait3A_403 = arith.constant 0 : i32
      %dma_wait3A_404 = tpu.memref_slice %arg10[%dma_wait3A_402, %dma_wait3A_403] : memref<10240x128xf32, #tpu.memory_space<vmem_shared>> -> memref<10240x128xf32, #tpu.memory_space<vmem_shared>>
      tpu.wait_indirect_dma semaphore(%arg13 : memref<!tpu.dma_semaphore, #tpu.memory_space<semaphore_mem>>) src(%dma_wait3A_398 : memref<80x128xf32, #tpu.memory_space<vmem>>) dst(%dma_wait3A_404 : memref<10240x128xf32, #tpu.memory_space<vmem_shared>>)
      %dma_wait3A_405 = arith.constant 0 : i32
      %dma_wait3A_406 = arith.constant 1 : i32
      %dma_wait3A_407 = arith.constant 0 : i32
      %dma_wait3A_408 = arith.constant 1 : i32
      %dma_wait3A_409 = arith.constant 0 : i32
      %dma_wait3A_410 = arith.constant 0 : i32
      %dma_wait3A_411 = tpu.memref_slice %arg9[%dma_wait3A_405, %dma_wait3A_406, %dma_wait3A_409, %dma_wait3A_410] : memref<2x2x80x128xf32, #tpu.memory_space<vmem>> -> memref<1x1x80x128xf32, #tpu.memory_space<vmem>>
      %dma_wait3A_412 = tpu.memref_squeeze %dma_wait3A_411 : memref<1x1x80x128xf32, #tpu.memory_space<vmem>> -> memref<80x128xf32, #tpu.memory_space<vmem>>
      %dma_wait3A_413 = arith.constant 0 : i32
      %dma_wait3A_414 = tpu.memref_slice %arg8[%dma_wait3A_407, %dma_wait3A_408, %dma_wait3A_413] : memref<2x2x80xi32, #tpu.memory_space<vmem>> -> memref<1x1x80xi32, #tpu.memory_space<vmem>>
      %dma_wait3A_415 = tpu.memref_squeeze %dma_wait3A_414 : memref<1x1x80xi32, #tpu.memory_space<vmem>> -> memref<80xi32, #tpu.memory_space<vmem>>
      %dma_wait3A_416 = arith.constant 0 : i32
      %dma_wait3A_417 = arith.constant 0 : i32
      %dma_wait3A_418 = tpu.memref_slice %arg10[%dma_wait3A_416, %dma_wait3A_417] : memref<10240x128xf32, #tpu.memory_space<vmem_shared>> -> memref<10240x128xf32, #tpu.memory_space<vmem_shared>>
      tpu.wait_indirect_dma semaphore(%arg13 : memref<!tpu.dma_semaphore, #tpu.memory_space<semaphore_mem>>) src(%dma_wait3A_412 : memref<80x128xf32, #tpu.memory_space<vmem>>) dst(%dma_wait3A_418 : memref<10240x128xf32, #tpu.memory_space<vmem_shared>>)
      %lt3A = arith.constant 30 : i32
      %lt3A_419 = arith.cmpi slt, %scan3A_124, %lt3A : i32
      %convert_element_type3A_420 = arith.extui %lt3A_419 : i1 to i32
      %cond3A_421 = arith.constant 0 : i32
      %cond3A_422 = arith.cmpi ne, %convert_element_type3A_420, %cond3A_421 : i32
      scf.if %cond3A_422 {
        %add3A_479 = arith.constant 1 : i32
        %add3A_480 = arith.addi %scan3A_124, %add3A_479 : i32
        %mul3A_481 = arith.constant 2 : i32
        %mul3A_482 = arith.muli %add3A_480, %mul3A_481 : i32
        %mul3A_483 = arith.constant 2 : i32
        %mul3A_484 = arith.muli %mul3A_482, %mul3A_483 : i32
        %add3A_485 = arith.constant 0 : i32
        %add3A_486 = arith.addi %mul3A_484, %add3A_485 : i32
        %mul3A_487 = arith.constant 80 : i32
        %mul3A_488 = arith.muli %add3A_486, %mul3A_487 : i32
        %add3A_489 = arith.addi %mul3A_6, %mul3A_488 : i32
        %dma_start3A_490 = arith.constant 0 : i32
        %dma_start3A_491 = arith.constant 0 : i32
        %dma_start3A_492 = arith.constant 0 : i32
        %dma_start3A_493 = tpu.memref_slice %arg7[%dma_start3A_490, %dma_start3A_491, %dma_start3A_492] : memref<2x2x80xi32, #tpu.memory_space<vmem>> -> memref<1x1x80xi32, #tpu.memory_space<vmem>>
        %dma_start3A_494 = tpu.memref_squeeze %dma_start3A_493 : memref<1x1x80xi32, #tpu.memory_space<vmem>> -> memref<80xi32, #tpu.memory_space<vmem>>
        %dma_start3A_495 = tpu.memref_slice %arg2[%add3A_489] : memref<320000xi32, #tpu.memory_space<hbm>> -> memref<80xi32, #tpu.memory_space<hbm>>
        %dma_start3A_496 = arith.constant 0 : i32
        %dma_start3A_497 = tpu.memref_slice %arg7[%dma_start3A_490, %dma_start3A_491, %dma_start3A_496] : memref<2x2x80xi32, #tpu.memory_space<vmem>> -> memref<1x1x80xi32, #tpu.memory_space<vmem>>
        %dma_start3A_498 = tpu.memref_squeeze %dma_start3A_497 : memref<1x1x80xi32, #tpu.memory_space<vmem>> -> memref<80xi32, #tpu.memory_space<vmem>>
        %dma_start3A_499 = tpu.memref_slice %arg2[%add3A_489] : memref<320000xi32, #tpu.memory_space<hbm>> -> memref<80xi32, #tpu.memory_space<hbm>>
        tpu.enqueue_dma source(%dma_start3A_499 : memref<80xi32, #tpu.memory_space<hbm>>) target(%dma_start3A_498 : memref<80xi32, #tpu.memory_space<vmem>>) target_semaphore(%arg11 : memref<!tpu.dma_semaphore, #tpu.memory_space<semaphore_mem>>)
        %dma_start3A_500 = arith.constant 0 : i32
        %dma_start3A_501 = arith.constant 0 : i32
        %dma_start3A_502 = arith.constant 0 : i32
        %dma_start3A_503 = tpu.memref_slice %arg8[%dma_start3A_500, %dma_start3A_501, %dma_start3A_502] : memref<2x2x80xi32, #tpu.memory_space<vmem>> -> memref<1x1x80xi32, #tpu.memory_space<vmem>>
        %dma_start3A_504 = tpu.memref_squeeze %dma_start3A_503 : memref<1x1x80xi32, #tpu.memory_space<vmem>> -> memref<80xi32, #tpu.memory_space<vmem>>
        %dma_start3A_505 = tpu.memref_slice %arg3[%add3A_489] : memref<320000xi32, #tpu.memory_space<hbm>> -> memref<80xi32, #tpu.memory_space<hbm>>
        %dma_start3A_506 = arith.constant 0 : i32
        %dma_start3A_507 = tpu.memref_slice %arg8[%dma_start3A_500, %dma_start3A_501, %dma_start3A_506] : memref<2x2x80xi32, #tpu.memory_space<vmem>> -> memref<1x1x80xi32, #tpu.memory_space<vmem>>
        %dma_start3A_508 = tpu.memref_squeeze %dma_start3A_507 : memref<1x1x80xi32, #tpu.memory_space<vmem>> -> memref<80xi32, #tpu.memory_space<vmem>>
        %dma_start3A_509 = tpu.memref_slice %arg3[%add3A_489] : memref<320000xi32, #tpu.memory_space<hbm>> -> memref<80xi32, #tpu.memory_space<hbm>>
        tpu.enqueue_dma source(%dma_start3A_509 : memref<80xi32, #tpu.memory_space<hbm>>) target(%dma_start3A_508 : memref<80xi32, #tpu.memory_space<vmem>>) target_semaphore(%arg11 : memref<!tpu.dma_semaphore, #tpu.memory_space<semaphore_mem>>)
        %add3A_510 = arith.constant 1 : i32
        %add3A_511 = arith.addi %mul3A_484, %add3A_510 : i32
        %mul3A_512 = arith.constant 80 : i32
        %mul3A_513 = arith.muli %add3A_511, %mul3A_512 : i32
        %add3A_514 = arith.addi %mul3A_6, %mul3A_513 : i32
        %dma_start3A_515 = arith.constant 0 : i32
        %dma_start3A_516 = arith.constant 1 : i32
        %dma_start3A_517 = arith.constant 0 : i32
        %dma_start3A_518 = tpu.memref_slice %arg7[%dma_start3A_515, %dma_start3A_516, %dma_start3A_517] : memref<2x2x80xi32, #tpu.memory_space<vmem>> -> memref<1x1x80xi32, #tpu.memory_space<vmem>>
        %dma_start3A_519 = tpu.memref_squeeze %dma_start3A_518 : memref<1x1x80xi32, #tpu.memory_space<vmem>> -> memref<80xi32, #tpu.memory_space<vmem>>
        %dma_start3A_520 = tpu.memref_slice %arg2[%add3A_514] : memref<320000xi32, #tpu.memory_space<hbm>> -> memref<80xi32, #tpu.memory_space<hbm>>
        %dma_start3A_521 = arith.constant 0 : i32
        %dma_start3A_522 = tpu.memref_slice %arg7[%dma_start3A_515, %dma_start3A_516, %dma_start3A_521] : memref<2x2x80xi32, #tpu.memory_space<vmem>> -> memref<1x1x80xi32, #tpu.memory_space<vmem>>
        %dma_start3A_523 = tpu.memref_squeeze %dma_start3A_522 : memref<1x1x80xi32, #tpu.memory_space<vmem>> -> memref<80xi32, #tpu.memory_space<vmem>>
        %dma_start3A_524 = tpu.memref_slice %arg2[%add3A_514] : memref<320000xi32, #tpu.memory_space<hbm>> -> memref<80xi32, #tpu.memory_space<hbm>>
        tpu.enqueue_dma source(%dma_start3A_524 : memref<80xi32, #tpu.memory_space<hbm>>) target(%dma_start3A_523 : memref<80xi32, #tpu.memory_space<vmem>>) target_semaphore(%arg11 : memref<!tpu.dma_semaphore, #tpu.memory_space<semaphore_mem>>)
        %dma_start3A_525 = arith.constant 0 : i32
        %dma_start3A_526 = arith.constant 1 : i32
        %dma_start3A_527 = arith.constant 0 : i32
        %dma_start3A_528 = tpu.memref_slice %arg8[%dma_start3A_525, %dma_start3A_526, %dma_start3A_527] : memref<2x2x80xi32, #tpu.memory_space<vmem>> -> memref<1x1x80xi32, #tpu.memory_space<vmem>>
        %dma_start3A_529 = tpu.memref_squeeze %dma_start3A_528 : memref<1x1x80xi32, #tpu.memory_space<vmem>> -> memref<80xi32, #tpu.memory_space<vmem>>
        %dma_start3A_530 = tpu.memref_slice %arg3[%add3A_514] : memref<320000xi32, #tpu.memory_space<hbm>> -> memref<80xi32, #tpu.memory_space<hbm>>
        %dma_start3A_531 = arith.constant 0 : i32
        %dma_start3A_532 = tpu.memref_slice %arg8[%dma_start3A_525, %dma_start3A_526, %dma_start3A_531] : memref<2x2x80xi32, #tpu.memory_space<vmem>> -> memref<1x1x80xi32, #tpu.memory_space<vmem>>
        %dma_start3A_533 = tpu.memref_squeeze %dma_start3A_532 : memref<1x1x80xi32, #tpu.memory_space<vmem>> -> memref<80xi32, #tpu.memory_space<vmem>>
        %dma_start3A_534 = tpu.memref_slice %arg3[%add3A_514] : memref<320000xi32, #tpu.memory_space<hbm>> -> memref<80xi32, #tpu.memory_space<hbm>>
        tpu.enqueue_dma source(%dma_start3A_534 : memref<80xi32, #tpu.memory_space<hbm>>) target(%dma_start3A_533 : memref<80xi32, #tpu.memory_space<vmem>>) target_semaphore(%arg11 : memref<!tpu.dma_semaphore, #tpu.memory_space<semaphore_mem>>)
      } else {
      }
      %dma_wait3A_423 = arith.constant 1 : i32
      %dma_wait3A_424 = arith.constant 0 : i32
      %dma_wait3A_425 = arith.constant 1 : i32
      %dma_wait3A_426 = arith.constant 0 : i32
      %dma_wait3A_427 = arith.constant 0 : i32
      %dma_wait3A_428 = arith.constant 0 : i32
      %dma_wait3A_429 = tpu.memref_slice %arg9[%dma_wait3A_425, %dma_wait3A_426, %dma_wait3A_427, %dma_wait3A_428] : memref<2x2x80x128xf32, #tpu.memory_space<vmem>> -> memref<1x1x80x128xf32, #tpu.memory_space<vmem>>
      %dma_wait3A_430 = tpu.memref_squeeze %dma_wait3A_429 : memref<1x1x80x128xf32, #tpu.memory_space<vmem>> -> memref<80x128xf32, #tpu.memory_space<vmem>>
      %dma_wait3A_431 = arith.constant 0 : i32
      %dma_wait3A_432 = tpu.memref_slice %arg7[%dma_wait3A_423, %dma_wait3A_424, %dma_wait3A_431] : memref<2x2x80xi32, #tpu.memory_space<vmem>> -> memref<1x1x80xi32, #tpu.memory_space<vmem>>
      %dma_wait3A_433 = tpu.memref_squeeze %dma_wait3A_432 : memref<1x1x80xi32, #tpu.memory_space<vmem>> -> memref<80xi32, #tpu.memory_space<vmem>>
      %dma_wait3A_434 = arith.constant 0 : i32
      %dma_wait3A_435 = arith.constant 0 : i32
      %dma_wait3A_436 = tpu.memref_slice %arg4[%dma_wait3A_434, %dma_wait3A_435] : memref<10000x128xf32, #tpu.memory_space<hbm>> -> memref<10000x128xf32, #tpu.memory_space<hbm>>
      tpu.wait_indirect_dma semaphore(%arg12 : memref<!tpu.dma_semaphore, #tpu.memory_space<semaphore_mem>>) src(%dma_wait3A_436 : memref<10000x128xf32, #tpu.memory_space<hbm>>) dst(%dma_wait3A_430 : memref<80x128xf32, #tpu.memory_space<vmem>>)
      %dma_wait3A_437 = arith.constant 1 : i32
      %dma_wait3A_438 = arith.constant 1 : i32
      %dma_wait3A_439 = arith.constant 1 : i32
      %dma_wait3A_440 = arith.constant 1 : i32
      %dma_wait3A_441 = arith.constant 0 : i32
      %dma_wait3A_442 = arith.constant 0 : i32
      %dma_wait3A_443 = tpu.memref_slice %arg9[%dma_wait3A_439, %dma_wait3A_440, %dma_wait3A_441, %dma_wait3A_442] : memref<2x2x80x128xf32, #tpu.memory_space<vmem>> -> memref<1x1x80x128xf32, #tpu.memory_space<vmem>>
      %dma_wait3A_444 = tpu.memref_squeeze %dma_wait3A_443 : memref<1x1x80x128xf32, #tpu.memory_space<vmem>> -> memref<80x128xf32, #tpu.memory_space<vmem>>
      %dma_wait3A_445 = arith.constant 0 : i32
      %dma_wait3A_446 = tpu.memref_slice %arg7[%dma_wait3A_437, %dma_wait3A_438, %dma_wait3A_445] : memref<2x2x80xi32, #tpu.memory_space<vmem>> -> memref<1x1x80xi32, #tpu.memory_space<vmem>>
      %dma_wait3A_447 = tpu.memref_squeeze %dma_wait3A_446 : memref<1x1x80xi32, #tpu.memory_space<vmem>> -> memref<80xi32, #tpu.memory_space<vmem>>
      %dma_wait3A_448 = arith.constant 0 : i32
      %dma_wait3A_449 = arith.constant 0 : i32
      %dma_wait3A_450 = tpu.memref_slice %arg4[%dma_wait3A_448, %dma_wait3A_449] : memref<10000x128xf32, #tpu.memory_space<hbm>> -> memref<10000x128xf32, #tpu.memory_space<hbm>>
      tpu.wait_indirect_dma semaphore(%arg12 : memref<!tpu.dma_semaphore, #tpu.memory_space<semaphore_mem>>) src(%dma_wait3A_450 : memref<10000x128xf32, #tpu.memory_space<hbm>>) dst(%dma_wait3A_444 : memref<80x128xf32, #tpu.memory_space<vmem>>)
      %dma_start3A_451 = arith.constant 1 : i32
      %dma_start3A_452 = arith.constant 0 : i32
      %dma_start3A_453 = arith.constant 1 : i32
      %dma_start3A_454 = arith.constant 0 : i32
      %dma_start3A_455 = arith.constant 0 : i32
      %dma_start3A_456 = arith.constant 0 : i32
      %dma_start3A_457 = tpu.memref_slice %arg9[%dma_start3A_451, %dma_start3A_452, %dma_start3A_455, %dma_start3A_456] : memref<2x2x80x128xf32, #tpu.memory_space<vmem>> -> memref<1x1x80x128xf32, #tpu.memory_space<vmem>>
      %dma_start3A_458 = tpu.memref_squeeze %dma_start3A_457 : memref<1x1x80x128xf32, #tpu.memory_space<vmem>> -> memref<80x128xf32, #tpu.memory_space<vmem>>
      %dma_start3A_459 = arith.constant 0 : i32
      %dma_start3A_460 = tpu.memref_slice %arg8[%dma_start3A_453, %dma_start3A_454, %dma_start3A_459] : memref<2x2x80xi32, #tpu.memory_space<vmem>> -> memref<1x1x80xi32, #tpu.memory_space<vmem>>
      %dma_start3A_461 = tpu.memref_squeeze %dma_start3A_460 : memref<1x1x80xi32, #tpu.memory_space<vmem>> -> memref<80xi32, #tpu.memory_space<vmem>>
      %dma_start3A_462 = arith.constant 0 : i32
      %dma_start3A_463 = arith.constant 0 : i32
      %dma_start3A_464 = tpu.memref_slice %arg10[%dma_start3A_462, %dma_start3A_463] : memref<10240x128xf32, #tpu.memory_space<vmem_shared>> -> memref<10240x128xf32, #tpu.memory_space<vmem_shared>>
      tpu.enqueue_indirect_dma source(%dma_start3A_458 : memref<80x128xf32, #tpu.memory_space<vmem>>) target(%dma_start3A_464 : memref<10240x128xf32, #tpu.memory_space<vmem_shared>>) offsets(%dma_start3A_461 : memref<80xi32, #tpu.memory_space<vmem>>) semaphore(%arg13 : memref<!tpu.dma_semaphore, #tpu.memory_space<semaphore_mem>>) {add = true}
      %dma_start3A_465 = arith.constant 1 : i32
      %dma_start3A_466 = arith.constant 1 : i32
      %dma_start3A_467 = arith.constant 1 : i32
      %dma_start3A_468 = arith.constant 1 : i32
      %dma_start3A_469 = arith.constant 0 : i32
      %dma_start3A_470 = arith.constant 0 : i32
      %dma_start3A_471 = tpu.memref_slice %arg9[%dma_start3A_465, %dma_start3A_466, %dma_start3A_469, %dma_start3A_470] : memref<2x2x80x128xf32, #tpu.memory_space<vmem>> -> memref<1x1x80x128xf32, #tpu.memory_space<vmem>>
      %dma_start3A_472 = tpu.memref_squeeze %dma_start3A_471 : memref<1x1x80x128xf32, #tpu.memory_space<vmem>> -> memref<80x128xf32, #tpu.memory_space<vmem>>
      %dma_start3A_473 = arith.constant 0 : i32
      %dma_start3A_474 = tpu.memref_slice %arg8[%dma_start3A_467, %dma_start3A_468, %dma_start3A_473] : memref<2x2x80xi32, #tpu.memory_space<vmem>> -> memref<1x1x80xi32, #tpu.memory_space<vmem>>
      %dma_start3A_475 = tpu.memref_squeeze %dma_start3A_474 : memref<1x1x80xi32, #tpu.memory_space<vmem>> -> memref<80xi32, #tpu.memory_space<vmem>>
      %dma_start3A_476 = arith.constant 0 : i32
      %dma_start3A_477 = arith.constant 0 : i32
      %dma_start3A_478 = tpu.memref_slice %arg10[%dma_start3A_476, %dma_start3A_477] : memref<10240x128xf32, #tpu.memory_space<vmem_shared>> -> memref<10240x128xf32, #tpu.memory_space<vmem_shared>>
      tpu.enqueue_indirect_dma source(%dma_start3A_472 : memref<80x128xf32, #tpu.memory_space<vmem>>) target(%dma_start3A_478 : memref<10240x128xf32, #tpu.memory_space<vmem_shared>>) offsets(%dma_start3A_475 : memref<80xi32, #tpu.memory_space<vmem>>) semaphore(%arg13 : memref<!tpu.dma_semaphore, #tpu.memory_space<semaphore_mem>>) {add = true}
    }
    %scan3A_54 = arith.constant 31 : i32
    %dma_wait3A = arith.constant 1 : i32
    %dma_wait3A_55 = arith.constant 0 : i32
    %dma_wait3A_56 = arith.constant 1 : i32
    %dma_wait3A_57 = arith.constant 0 : i32
    %dma_wait3A_58 = arith.constant 0 : i32
    %dma_wait3A_59 = arith.constant 0 : i32
    %dma_wait3A_60 = tpu.memref_slice %arg9[%dma_wait3A, %dma_wait3A_55, %dma_wait3A_58, %dma_wait3A_59] : memref<2x2x80x128xf32, #tpu.memory_space<vmem>> -> memref<1x1x80x128xf32, #tpu.memory_space<vmem>>
    %dma_wait3A_61 = tpu.memref_squeeze %dma_wait3A_60 : memref<1x1x80x128xf32, #tpu.memory_space<vmem>> -> memref<80x128xf32, #tpu.memory_space<vmem>>
    %dma_wait3A_62 = arith.constant 0 : i32
    %dma_wait3A_63 = tpu.memref_slice %arg8[%dma_wait3A_56, %dma_wait3A_57, %dma_wait3A_62] : memref<2x2x80xi32, #tpu.memory_space<vmem>> -> memref<1x1x80xi32, #tpu.memory_space<vmem>>
    %dma_wait3A_64 = tpu.memref_squeeze %dma_wait3A_63 : memref<1x1x80xi32, #tpu.memory_space<vmem>> -> memref<80xi32, #tpu.memory_space<vmem>>
    %dma_wait3A_65 = arith.constant 0 : i32
    %dma_wait3A_66 = arith.constant 0 : i32
    %dma_wait3A_67 = tpu.memref_slice %arg10[%dma_wait3A_65, %dma_wait3A_66] : memref<10240x128xf32, #tpu.memory_space<vmem_shared>> -> memref<10240x128xf32, #tpu.memory_space<vmem_shared>>
    tpu.wait_indirect_dma semaphore(%arg13 : memref<!tpu.dma_semaphore, #tpu.memory_space<semaphore_mem>>) src(%dma_wait3A_61 : memref<80x128xf32, #tpu.memory_space<vmem>>) dst(%dma_wait3A_67 : memref<10240x128xf32, #tpu.memory_space<vmem_shared>>)
    %dma_wait3A_68 = arith.constant 1 : i32
    %dma_wait3A_69 = arith.constant 1 : i32
    %dma_wait3A_70 = arith.constant 1 : i32
    %dma_wait3A_71 = arith.constant 1 : i32
    %dma_wait3A_72 = arith.constant 0 : i32
    %dma_wait3A_73 = arith.constant 0 : i32
    %dma_wait3A_74 = tpu.memref_slice %arg9[%dma_wait3A_68, %dma_wait3A_69, %dma_wait3A_72, %dma_wait3A_73] : memref<2x2x80x128xf32, #tpu.memory_space<vmem>> -> memref<1x1x80x128xf32, #tpu.memory_space<vmem>>
    %dma_wait3A_75 = tpu.memref_squeeze %dma_wait3A_74 : memref<1x1x80x128xf32, #tpu.memory_space<vmem>> -> memref<80x128xf32, #tpu.memory_space<vmem>>
    %dma_wait3A_76 = arith.constant 0 : i32
    %dma_wait3A_77 = tpu.memref_slice %arg8[%dma_wait3A_70, %dma_wait3A_71, %dma_wait3A_76] : memref<2x2x80xi32, #tpu.memory_space<vmem>> -> memref<1x1x80xi32, #tpu.memory_space<vmem>>
    %dma_wait3A_78 = tpu.memref_squeeze %dma_wait3A_77 : memref<1x1x80xi32, #tpu.memory_space<vmem>> -> memref<80xi32, #tpu.memory_space<vmem>>
    %dma_wait3A_79 = arith.constant 0 : i32
    %dma_wait3A_80 = arith.constant 0 : i32
    %dma_wait3A_81 = tpu.memref_slice %arg10[%dma_wait3A_79, %dma_wait3A_80] : memref<10240x128xf32, #tpu.memory_space<vmem_shared>> -> memref<10240x128xf32, #tpu.memory_space<vmem_shared>>
    tpu.wait_indirect_dma semaphore(%arg13 : memref<!tpu.dma_semaphore, #tpu.memory_space<semaphore_mem>>) src(%dma_wait3A_75 : memref<80x128xf32, #tpu.memory_space<vmem>>) dst(%dma_wait3A_81 : memref<10240x128xf32, #tpu.memory_space<vmem_shared>>)
    %add3A_82 = arith.constant 9920 : i32
    %add3A_83 = arith.addi %mul3A_6, %add3A_82 : i32
    %run_scoped3A = arith.constant 0 : i32
    %run_scoped3A_84 = arith.constant 0 : i32
    "tpu.region"() ({
      %run_scoped3A_124 = tpu.sem_alloc : memref<!tpu.dma_semaphore, #tpu.memory_space<semaphore_mem>>
      %dma_start3A_125 = arith.constant 0 : i32
      %dma_start3A_126 = tpu.memref_slice %arg7[%run_scoped3A, %run_scoped3A_84, %dma_start3A_125] : memref<2x2x80xi32, #tpu.memory_space<vmem>> -> memref<1x1x80xi32, #tpu.memory_space<vmem>>
      %dma_start3A_127 = tpu.memref_squeeze %dma_start3A_126 : memref<1x1x80xi32, #tpu.memory_space<vmem>> -> memref<80xi32, #tpu.memory_space<vmem>>
      %dma_start3A_128 = tpu.memref_slice %arg2[%add3A_83] : memref<320000xi32, #tpu.memory_space<hbm>> -> memref<80xi32, #tpu.memory_space<hbm>>
      %dma_start3A_129 = arith.constant 0 : i32
      %dma_start3A_130 = tpu.memref_slice %arg7[%run_scoped3A, %run_scoped3A_84, %dma_start3A_129] : memref<2x2x80xi32, #tpu.memory_space<vmem>> -> memref<1x1x80xi32, #tpu.memory_space<vmem>>
      %dma_start3A_131 = tpu.memref_squeeze %dma_start3A_130 : memref<1x1x80xi32, #tpu.memory_space<vmem>> -> memref<80xi32, #tpu.memory_space<vmem>>
      %dma_start3A_132 = tpu.memref_slice %arg2[%add3A_83] : memref<320000xi32, #tpu.memory_space<hbm>> -> memref<80xi32, #tpu.memory_space<hbm>>
      tpu.enqueue_dma source(%dma_start3A_132 : memref<80xi32, #tpu.memory_space<hbm>>) target(%dma_start3A_131 : memref<80xi32, #tpu.memory_space<vmem>>) target_semaphore(%run_scoped3A_124 : memref<!tpu.dma_semaphore, #tpu.memory_space<semaphore_mem>>)
      %dma_wait3A_133 = arith.constant 0 : i32
      %dma_wait3A_134 = tpu.memref_slice %arg7[%run_scoped3A, %run_scoped3A_84, %dma_wait3A_133] : memref<2x2x80xi32, #tpu.memory_space<vmem>> -> memref<1x1x80xi32, #tpu.memory_space<vmem>>
      %dma_wait3A_135 = tpu.memref_squeeze %dma_wait3A_134 : memref<1x1x80xi32, #tpu.memory_space<vmem>> -> memref<80xi32, #tpu.memory_space<vmem>>
      %dma_wait3A_136 = tpu.memref_slice %arg2[%add3A_83] : memref<320000xi32, #tpu.memory_space<hbm>> -> memref<80xi32, #tpu.memory_space<hbm>>
      %dma_wait3A_137 = arith.constant 0 : i32
      %dma_wait3A_138 = tpu.memref_slice %arg7[%run_scoped3A, %run_scoped3A_84, %dma_wait3A_137] : memref<2x2x80xi32, #tpu.memory_space<vmem>> -> memref<1x1x80xi32, #tpu.memory_space<vmem>>
      %dma_wait3A_139 = tpu.memref_squeeze %dma_wait3A_138 : memref<1x1x80xi32, #tpu.memory_space<vmem>> -> memref<80xi32, #tpu.memory_space<vmem>>
      %dma_wait3A_140 = tpu.memref_slice %arg2[%add3A_83] : memref<320000xi32, #tpu.memory_space<hbm>> -> memref<80xi32, #tpu.memory_space<hbm>>
      tpu.wait_dma2 semaphore(%run_scoped3A_124 : memref<!tpu.dma_semaphore, #tpu.memory_space<semaphore_mem>>) src(%dma_wait3A_140 : memref<80xi32, #tpu.memory_space<hbm>>) dst(%dma_wait3A_139 : memref<80xi32, #tpu.memory_space<vmem>>)
      tpu.yield
    }) : () -> ()
    %run_scoped3A_85 = arith.constant 0 : i32
    %run_scoped3A_86 = arith.constant 0 : i32
    "tpu.region"() ({
      %run_scoped3A_124 = tpu.sem_alloc : memref<!tpu.dma_semaphore, #tpu.memory_space<semaphore_mem>>
      %dma_start3A_125 = arith.constant 0 : i32
      %dma_start3A_126 = tpu.memref_slice %arg8[%run_scoped3A_85, %run_scoped3A_86, %dma_start3A_125] : memref<2x2x80xi32, #tpu.memory_space<vmem>> -> memref<1x1x80xi32, #tpu.memory_space<vmem>>
      %dma_start3A_127 = tpu.memref_squeeze %dma_start3A_126 : memref<1x1x80xi32, #tpu.memory_space<vmem>> -> memref<80xi32, #tpu.memory_space<vmem>>
      %dma_start3A_128 = tpu.memref_slice %arg3[%add3A_83] : memref<320000xi32, #tpu.memory_space<hbm>> -> memref<80xi32, #tpu.memory_space<hbm>>
      %dma_start3A_129 = arith.constant 0 : i32
      %dma_start3A_130 = tpu.memref_slice %arg8[%run_scoped3A_85, %run_scoped3A_86, %dma_start3A_129] : memref<2x2x80xi32, #tpu.memory_space<vmem>> -> memref<1x1x80xi32, #tpu.memory_space<vmem>>
      %dma_start3A_131 = tpu.memref_squeeze %dma_start3A_130 : memref<1x1x80xi32, #tpu.memory_space<vmem>> -> memref<80xi32, #tpu.memory_space<vmem>>
      %dma_start3A_132 = tpu.memref_slice %arg3[%add3A_83] : memref<320000xi32, #tpu.memory_space<hbm>> -> memref<80xi32, #tpu.memory_space<hbm>>
      tpu.enqueue_dma source(%dma_start3A_132 : memref<80xi32, #tpu.memory_space<hbm>>) target(%dma_start3A_131 : memref<80xi32, #tpu.memory_space<vmem>>) target_semaphore(%run_scoped3A_124 : memref<!tpu.dma_semaphore, #tpu.memory_space<semaphore_mem>>)
      %dma_wait3A_133 = arith.constant 0 : i32
      %dma_wait3A_134 = tpu.memref_slice %arg8[%run_scoped3A_85, %run_scoped3A_86, %dma_wait3A_133] : memref<2x2x80xi32, #tpu.memory_space<vmem>> -> memref<1x1x80xi32, #tpu.memory_space<vmem>>
      %dma_wait3A_135 = tpu.memref_squeeze %dma_wait3A_134 : memref<1x1x80xi32, #tpu.memory_space<vmem>> -> memref<80xi32, #tpu.memory_space<vmem>>
      %dma_wait3A_136 = tpu.memref_slice %arg3[%add3A_83] : memref<320000xi32, #tpu.memory_space<hbm>> -> memref<80xi32, #tpu.memory_space<hbm>>
      %dma_wait3A_137 = arith.constant 0 : i32
      %dma_wait3A_138 = tpu.memref_slice %arg8[%run_scoped3A_85, %run_scoped3A_86, %dma_wait3A_137] : memref<2x2x80xi32, #tpu.memory_space<vmem>> -> memref<1x1x80xi32, #tpu.memory_space<vmem>>
      %dma_wait3A_139 = tpu.memref_squeeze %dma_wait3A_138 : memref<1x1x80xi32, #tpu.memory_space<vmem>> -> memref<80xi32, #tpu.memory_space<vmem>>
      %dma_wait3A_140 = tpu.memref_slice %arg3[%add3A_83] : memref<320000xi32, #tpu.memory_space<hbm>> -> memref<80xi32, #tpu.memory_space<hbm>>
      tpu.wait_dma2 semaphore(%run_scoped3A_124 : memref<!tpu.dma_semaphore, #tpu.memory_space<semaphore_mem>>) src(%dma_wait3A_140 : memref<80xi32, #tpu.memory_space<hbm>>) dst(%dma_wait3A_139 : memref<80xi32, #tpu.memory_space<vmem>>)
      tpu.yield
    }) : () -> ()
    %dma_start3A_87 = arith.constant 0 : i32
    %dma_start3A_88 = arith.constant 0 : i32
    %dma_start3A_89 = arith.constant 0 : i32
    %dma_start3A_90 = arith.constant 0 : i32
    %dma_start3A_91 = arith.constant 0 : i32
    %dma_start3A_92 = arith.constant 0 : i32
    %dma_start3A_93 = tpu.memref_slice %arg9[%dma_start3A_89, %dma_start3A_90, %dma_start3A_91, %dma_start3A_92] : memref<2x2x80x128xf32, #tpu.memory_space<vmem>> -> memref<1x1x80x128xf32, #tpu.memory_space<vmem>>
    %dma_start3A_94 = tpu.memref_squeeze %dma_start3A_93 : memref<1x1x80x128xf32, #tpu.memory_space<vmem>> -> memref<80x128xf32, #tpu.memory_space<vmem>>
    %dma_start3A_95 = arith.constant 0 : i32
    %dma_start3A_96 = tpu.memref_slice %arg7[%dma_start3A_87, %dma_start3A_88, %dma_start3A_95] : memref<2x2x80xi32, #tpu.memory_space<vmem>> -> memref<1x1x80xi32, #tpu.memory_space<vmem>>
    %dma_start3A_97 = tpu.memref_squeeze %dma_start3A_96 : memref<1x1x80xi32, #tpu.memory_space<vmem>> -> memref<80xi32, #tpu.memory_space<vmem>>
    %dma_start3A_98 = arith.constant 0 : i32
    %dma_start3A_99 = arith.constant 0 : i32
    %dma_start3A_100 = tpu.memref_slice %arg4[%dma_start3A_98, %dma_start3A_99] : memref<10000x128xf32, #tpu.memory_space<hbm>> -> memref<10000x128xf32, #tpu.memory_space<hbm>>
    tpu.enqueue_indirect_dma source(%dma_start3A_100 : memref<10000x128xf32, #tpu.memory_space<hbm>>) target(%dma_start3A_94 : memref<80x128xf32, #tpu.memory_space<vmem>>) offsets(%dma_start3A_97 : memref<80xi32, #tpu.memory_space<vmem>>) semaphore(%arg12 : memref<!tpu.dma_semaphore, #tpu.memory_space<semaphore_mem>>)
    %dma_wait3A_101 = arith.constant 0 : i32
    %dma_wait3A_102 = arith.constant 0 : i32
    %dma_wait3A_103 = arith.constant 0 : i32
    %dma_wait3A_104 = arith.constant 0 : i32
    %dma_wait3A_105 = arith.constant 0 : i32
    %dma_wait3A_106 = arith.constant 0 : i32
    %dma_wait3A_107 = tpu.memref_slice %arg9[%dma_wait3A_103, %dma_wait3A_104, %dma_wait3A_105, %dma_wait3A_106] : memref<2x2x80x128xf32, #tpu.memory_space<vmem>> -> memref<1x1x80x128xf32, #tpu.memory_space<vmem>>
    %dma_wait3A_108 = tpu.memref_squeeze %dma_wait3A_107 : memref<1x1x80x128xf32, #tpu.memory_space<vmem>> -> memref<80x128xf32, #tpu.memory_space<vmem>>
    %dma_wait3A_109 = arith.constant 0 : i32
    %dma_wait3A_110 = tpu.memref_slice %arg7[%dma_wait3A_101, %dma_wait3A_102, %dma_wait3A_109] : memref<2x2x80xi32, #tpu.memory_space<vmem>> -> memref<1x1x80xi32, #tpu.memory_space<vmem>>
    %dma_wait3A_111 = tpu.memref_squeeze %dma_wait3A_110 : memref<1x1x80xi32, #tpu.memory_space<vmem>> -> memref<80xi32, #tpu.memory_space<vmem>>
    %dma_wait3A_112 = arith.constant 0 : i32
    %dma_wait3A_113 = arith.constant 0 : i32
    %dma_wait3A_114 = tpu.memref_slice %arg4[%dma_wait3A_112, %dma_wait3A_113] : memref<10000x128xf32, #tpu.memory_space<hbm>> -> memref<10000x128xf32, #tpu.memory_space<hbm>>
    tpu.wait_indirect_dma semaphore(%arg12 : memref<!tpu.dma_semaphore, #tpu.memory_space<semaphore_mem>>) src(%dma_wait3A_114 : memref<10000x128xf32, #tpu.memory_space<hbm>>) dst(%dma_wait3A_108 : memref<80x128xf32, #tpu.memory_space<vmem>>)
    %run_scoped3A_115 = arith.constant 0 : i32
    %run_scoped3A_116 = arith.constant 0 : i32
    %run_scoped3A_117 = arith.constant 0 : i32
    %run_scoped3A_118 = arith.constant 0 : i32
    "tpu.region"() ({
      %run_scoped3A_124 = tpu.sem_alloc : memref<!tpu.dma_semaphore, #tpu.memory_space<semaphore_mem>>
      %dma_start3A_125 = arith.constant 0 : i32
      %dma_start3A_126 = arith.constant 0 : i32
      %dma_start3A_127 = tpu.memref_slice %arg9[%run_scoped3A_115, %run_scoped3A_116, %dma_start3A_125, %dma_start3A_126] : memref<2x2x80x128xf32, #tpu.memory_space<vmem>> -> memref<1x1x80x128xf32, #tpu.memory_space<vmem>>
      %dma_start3A_128 = tpu.memref_squeeze %dma_start3A_127 : memref<1x1x80x128xf32, #tpu.memory_space<vmem>> -> memref<80x128xf32, #tpu.memory_space<vmem>>
      %dma_start3A_129 = arith.constant 0 : i32
      %dma_start3A_130 = tpu.memref_slice %arg8[%run_scoped3A_117, %run_scoped3A_118, %dma_start3A_129] : memref<2x2x80xi32, #tpu.memory_space<vmem>> -> memref<1x1x80xi32, #tpu.memory_space<vmem>>
      %dma_start3A_131 = tpu.memref_squeeze %dma_start3A_130 : memref<1x1x80xi32, #tpu.memory_space<vmem>> -> memref<80xi32, #tpu.memory_space<vmem>>
      %dma_start3A_132 = arith.constant 0 : i32
      %dma_start3A_133 = arith.constant 0 : i32
      %dma_start3A_134 = tpu.memref_slice %arg10[%dma_start3A_132, %dma_start3A_133] : memref<10240x128xf32, #tpu.memory_space<vmem_shared>> -> memref<10240x128xf32, #tpu.memory_space<vmem_shared>>
      tpu.enqueue_indirect_dma source(%dma_start3A_128 : memref<80x128xf32, #tpu.memory_space<vmem>>) target(%dma_start3A_134 : memref<10240x128xf32, #tpu.memory_space<vmem_shared>>) offsets(%dma_start3A_131 : memref<80xi32, #tpu.memory_space<vmem>>) semaphore(%run_scoped3A_124 : memref<!tpu.dma_semaphore, #tpu.memory_space<semaphore_mem>>) {add = true}
      %dma_wait3A_135 = arith.constant 0 : i32
      %dma_wait3A_136 = arith.constant 0 : i32
      %dma_wait3A_137 = tpu.memref_slice %arg9[%run_scoped3A_115, %run_scoped3A_116, %dma_wait3A_135, %dma_wait3A_136] : memref<2x2x80x128xf32, #tpu.memory_space<vmem>> -> memref<1x1x80x128xf32, #tpu.memory_space<vmem>>
      %dma_wait3A_138 = tpu.memref_squeeze %dma_wait3A_137 : memref<1x1x80x128xf32, #tpu.memory_space<vmem>> -> memref<80x128xf32, #tpu.memory_space<vmem>>
      %dma_wait3A_139 = arith.constant 0 : i32
      %dma_wait3A_140 = tpu.memref_slice %arg8[%run_scoped3A_117, %run_scoped3A_118, %dma_wait3A_139] : memref<2x2x80xi32, #tpu.memory_space<vmem>> -> memref<1x1x80xi32, #tpu.memory_space<vmem>>
      %dma_wait3A_141 = tpu.memref_squeeze %dma_wait3A_140 : memref<1x1x80xi32, #tpu.memory_space<vmem>> -> memref<80xi32, #tpu.memory_space<vmem>>
      %dma_wait3A_142 = arith.constant 0 : i32
      %dma_wait3A_143 = arith.constant 0 : i32
      %dma_wait3A_144 = tpu.memref_slice %arg10[%dma_wait3A_142, %dma_wait3A_143] : memref<10240x128xf32, #tpu.memory_space<vmem_shared>> -> memref<10240x128xf32, #tpu.memory_space<vmem_shared>>
      tpu.wait_indirect_dma semaphore(%run_scoped3A_124 : memref<!tpu.dma_semaphore, #tpu.memory_space<semaphore_mem>>) src(%dma_wait3A_138 : memref<80x128xf32, #tpu.memory_space<vmem>>) dst(%dma_wait3A_144 : memref<10240x128xf32, #tpu.memory_space<vmem_shared>>)
      tpu.yield
    }) : () -> ()
    %barrier3A_119 = arith.constant 0 : index
    tpu.barrier barrier_id(%barrier3A_119)
    %mul3A_120 = arith.constant 640 : i32
    %mul3A_121 = arith.muli %arg1, %mul3A_120 : i32
    %mul3A_122 = arith.constant 640 : i32
    %mul3A_123 = arith.muli %arg1, %mul3A_122 : i32
    "tpu.region"() ({
      %run_scoped3A_124 = tpu.sem_alloc : memref<!tpu.dma_semaphore, #tpu.memory_space<semaphore_mem>>
      %dma_start3A_125 = arith.constant 0 : i32
      %dma_start3A_126 = tpu.memref_slice %arg6[%arg0, %mul3A_123, %dma_start3A_125] : memref<2x10240x128xf32, #tpu.memory_space<hbm>> -> memref<1x640x128xf32, #tpu.memory_space<hbm>>
      %dma_start3A_127 = tpu.memref_squeeze %dma_start3A_126 : memref<1x640x128xf32, #tpu.memory_space<hbm>> -> memref<640x128xf32, #tpu.memory_space<hbm>>
      %dma_start3A_128 = arith.constant 0 : i32
      %dma_start3A_129 = tpu.memref_slice %arg10[%mul3A_121, %dma_start3A_128] : memref<10240x128xf32, #tpu.memory_space<vmem_shared>> -> memref<640x128xf32, #tpu.memory_space<vmem_shared>>
      tpu.enqueue_dma source(%dma_start3A_129 : memref<640x128xf32, #tpu.memory_space<vmem_shared>>) target(%dma_start3A_127 : memref<640x128xf32, #tpu.memory_space<hbm>>) target_semaphore(%run_scoped3A_124 : memref<!tpu.dma_semaphore, #tpu.memory_space<semaphore_mem>>)
      %dma_wait3A_130 = arith.constant 0 : i32
      %dma_wait3A_131 = tpu.memref_slice %arg6[%arg0, %mul3A_123, %dma_wait3A_130] : memref<2x10240x128xf32, #tpu.memory_space<hbm>> -> memref<1x640x128xf32, #tpu.memory_space<hbm>>
      %dma_wait3A_132 = tpu.memref_squeeze %dma_wait3A_131 : memref<1x640x128xf32, #tpu.memory_space<hbm>> -> memref<640x128xf32, #tpu.memory_space<hbm>>
      %dma_wait3A_133 = arith.constant 0 : i32
      %dma_wait3A_134 = tpu.memref_slice %arg10[%mul3A_121, %dma_wait3A_133] : memref<10240x128xf32, #tpu.memory_space<vmem_shared>> -> memref<640x128xf32, #tpu.memory_space<vmem_shared>>
      tpu.wait_dma2 semaphore(%run_scoped3A_124 : memref<!tpu.dma_semaphore, #tpu.memory_space<semaphore_mem>>) src(%dma_wait3A_134 : memref<640x128xf32, #tpu.memory_space<vmem_shared>>) dst(%dma_wait3A_132 : memref<640x128xf32, #tpu.memory_space<hbm>>)
      tpu.yield
    }) : () -> ()
    return
  }
}

module attributes {stable_mosaic.version = 14 : i64} {
  func.func @_dinv_body(%arg0: memref<2x10240xf32, #tpu.memory_space<vmem>>, %arg1: memref<1x10240xf32, #tpu.memory_space<vmem>>) attributes {dimension_semantics = [], scalar_prefetch = 0 : i64, scratch_operands = 0 : i64, tpu.core_type = #tpu.core_type<tc>} {
    %get3A = arith.constant 0 : index
    %get3A_0 = arith.constant 0 : index
    %get3A_1 = vector.load %arg0[%get3A, %get3A_0] : memref<2x10240xf32, #tpu.memory_space<vmem>>, vector<1x10240xf32>
    %get3A_2 = arith.constant 1 : index
    %get3A_3 = arith.constant 0 : index
    %get3A_4 = vector.load %arg0[%get3A_2, %get3A_3] : memref<2x10240xf32, #tpu.memory_space<vmem>>, vector<1x10240xf32>
    %add3A = arith.addf %get3A_1, %get3A_4 : vector<1x10240xf32>
    %add3A_5 = arith.constant 1.000000e+00 : f32
    %add3A_6 = vector.broadcast %add3A_5 : f32 to vector<1x10240xf32>
    %add3A_7 = arith.addf %add3A, %add3A_6 : vector<1x10240xf32>
    %rsqrt3A = math.rsqrt %add3A_7 : vector<1x10240xf32>
    %swap3A = arith.constant 0 : index
    %swap3A_8 = arith.constant 0 : index
    %swap3A_9 = vector.load %arg1[%swap3A, %swap3A_8] : memref<1x10240xf32, #tpu.memory_space<vmem>>, vector<1x10240xf32>
    tpu.vector_store %arg1[%swap3A, %swap3A_8], %rsqrt3A {strides = array<i32>} : memref<1x10240xf32, #tpu.memory_space<vmem>>, vector<1x10240xf32>,
    return
  }
}

module attributes {stable_mosaic.version = 14 : i64} {
  func.func @_scale_body(%arg0: i32, %arg1: memref<2000x128xf32, #tpu.memory_space<vmem>>, %arg2: memref<2000x1xf32, #tpu.memory_space<vmem>>, %arg3: memref<2000x128xf32, #tpu.memory_space<vmem>>) attributes {dimension_semantics = [#tpu.dimension_semantics<arbitrary>], iteration_bounds = array<i64: 5>, scalar_prefetch = 0 : i64, scratch_operands = 0 : i64, tpu.core_type = #tpu.core_type<tc>, window_params = [{transform_indices = @transform_0, window_bounds = array<i64: 2000, 128>}, {transform_indices = @transform_1, window_bounds = array<i64: 2000, 1>}, {transform_indices = @transform_2, window_bounds = array<i64: 2000, 128>}]} {
    %get3A = arith.constant 0 : index
    %get3A_0 = arith.constant 0 : index
    %get3A_1 = vector.load %arg1[%get3A, %get3A_0] : memref<2000x128xf32, #tpu.memory_space<vmem>>, vector<2000x128xf32>
    %get3A_2 = arith.constant 0 : index
    %get3A_3 = arith.constant 0 : index
    %get3A_4 = vector.load %arg2[%get3A_2, %get3A_3] : memref<2000x1xf32, #tpu.memory_space<vmem>>, vector<2000x1xf32>
    %mul3A = vector.broadcast %get3A_4 : vector<2000x1xf32> to vector<2000x128xf32>
    %mul3A_5 = arith.mulf %get3A_1, %mul3A : vector<2000x128xf32>
    %swap3A = arith.constant 0 : index
    %swap3A_6 = arith.constant 0 : index
    %swap3A_7 = vector.load %arg3[%swap3A, %swap3A_6] : memref<2000x128xf32, #tpu.memory_space<vmem>>, vector<2000x128xf32>
    tpu.vector_store %arg3[%swap3A, %swap3A_6], %mul3A_5 {strides = array<i32>} : memref<2000x128xf32, #tpu.memory_space<vmem>>, vector<2000x128xf32>,
    return
  }
  func.func @transform_0(%arg0: i32) -> (i32, i32) {
    %c0_i32 = arith.constant 0 : i32
    %c0_i32_0 = arith.constant 0 : i32
    return %arg0, %c0_i32 : i32, i32
  }
  func.func @transform_1(%arg0: i32) -> (i32, i32) {
    %c0_i32 = arith.constant 0 : i32
    %c0_i32_0 = arith.constant 0 : i32
    return %arg0, %c0_i32 : i32, i32
  }
  func.func @transform_2(%arg0: i32) -> (i32, i32) {
    %c0_i32 = arith.constant 0 : i32
    %c0_i32_0 = arith.constant 0 : i32
    return %arg0, %c0_i32 : i32, i32
  }
}

module attributes {stable_mosaic.version = 14 : i64} {
  func.func @_dense_body(%arg0: i32, %arg1: memref<2x2000x128xf32, #tpu.memory_space<vmem>>, %arg2: memref<2000x128xf32, #tpu.memory_space<vmem>>, %arg3: memref<2000x1xf32, #tpu.memory_space<vmem>>, %arg4: memref<128x128xf32, #tpu.memory_space<vmem>>, %arg5: memref<1x128xf32, #tpu.memory_space<vmem>>, %arg6: memref<2000x128xf32, #tpu.memory_space<vmem>>, %arg7: memref<2000x128xf32, #tpu.memory_space<vmem>>) attributes {dimension_semantics = [#tpu.dimension_semantics<arbitrary>], iteration_bounds = array<i64: 5>, scalar_prefetch = 0 : i64, scratch_operands = 0 : i64, tpu.core_type = #tpu.core_type<tc>, window_params = [{transform_indices = @transform_0, window_bounds = array<i64: 2, 2000, 128>}, {transform_indices = @transform_1, window_bounds = array<i64: 2000, 128>}, {transform_indices = @transform_2, window_bounds = array<i64: 2000, 1>}, {pipeline_mode = #tpu.pipeline_mode<synchronous>, transform_indices = @transform_3, window_bounds = array<i64: 128, 128>}, {pipeline_mode = #tpu.pipeline_mode<synchronous>, transform_indices = @transform_4, window_bounds = array<i64: 1, 128>}, {transform_indices = @transform_5, window_bounds = array<i64: 2000, 128>}, {transform_indices = @transform_6, window_bounds = array<i64: 2000, 128>}]} {
    %get3A = arith.constant 0 : index
    %get3A_0 = arith.constant 0 : index
    %get3A_1 = arith.constant 0 : index
    %get3A_2 = vector.load %arg1[%get3A, %get3A_0, %get3A_1] : memref<2x2000x128xf32, #tpu.memory_space<vmem>>, vector<1x2000x128xf32>
    %get3A_3 = vector.shape_cast %get3A_2 : vector<1x2000x128xf32> to vector<2000x128xf32>
    %get3A_4 = arith.constant 1 : index
    %get3A_5 = arith.constant 0 : index
    %get3A_6 = arith.constant 0 : index
    %get3A_7 = vector.load %arg1[%get3A_4, %get3A_5, %get3A_6] : memref<2x2000x128xf32, #tpu.memory_space<vmem>>, vector<1x2000x128xf32>
    %get3A_8 = vector.shape_cast %get3A_7 : vector<1x2000x128xf32> to vector<2000x128xf32>
    %add3A = arith.addf %get3A_3, %get3A_8 : vector<2000x128xf32>
    %get3A_9 = arith.constant 0 : index
    %get3A_10 = arith.constant 0 : index
    %get3A_11 = vector.load %arg3[%get3A_9, %get3A_10] : memref<2000x1xf32, #tpu.memory_space<vmem>>, vector<2000x1xf32>
    %mul3A = vector.broadcast %get3A_11 : vector<2000x1xf32> to vector<2000x128xf32>
    %mul3A_12 = arith.mulf %mul3A, %add3A : vector<2000x128xf32>
    %mul3A_13 = arith.mulf %get3A_11, %get3A_11 : vector<2000x1xf32>
    %get3A_14 = arith.constant 0 : index
    %get3A_15 = arith.constant 0 : index
    %get3A_16 = vector.load %arg2[%get3A_14, %get3A_15] : memref<2000x128xf32, #tpu.memory_space<vmem>>, vector<2000x128xf32>
    %mul3A_17 = vector.broadcast %mul3A_13 : vector<2000x1xf32> to vector<2000x128xf32>
    %mul3A_18 = arith.mulf %mul3A_17, %get3A_16 : vector<2000x128xf32>
    %add3A_19 = arith.addf %mul3A_12, %mul3A_18 : vector<2000x128xf32>
    %get3A_20 = arith.constant 0 : index
    %get3A_21 = arith.constant 0 : index
    %get3A_22 = vector.load %arg4[%get3A_20, %get3A_21] : memref<128x128xf32, #tpu.memory_space<vmem>>, vector<128x128xf32>
    %dot_general3A = arith.constant dense<0.000000e+00> : vector<2000x128xf32>
    %dot_general3A_23 = tpu.matmul %add3A_19, %get3A_22, %dot_general3A {dimension_numbers = #tpu.dot_dimension_numbers<[1], [0], [0], [1], [0, 0, 1, 1], [], []>, precision = #tpu.contract_precision<fp32>, transpose_lhs_hint = false} : vector<2000x128xf32>, vector<128x128xf32>, vector<2000x128xf32> -> vector<2000x128xf32>
    %get3A_24 = arith.constant 0 : index
    %get3A_25 = arith.constant 0 : index
    %get3A_26 = vector.load %arg5[%get3A_24, %get3A_25] : memref<1x128xf32, #tpu.memory_space<vmem>>, vector<1x128xf32>
    %add3A_27 = vector.broadcast %get3A_26 : vector<1x128xf32> to vector<2000x128xf32>
    %add3A_28 = arith.addf %dot_general3A_23, %add3A_27 : vector<2000x128xf32>
    %max3A = arith.constant 0.000000e+00 : f32
    %max3A_29 = vector.broadcast %max3A : f32 to vector<2000x128xf32>
    %max3A_30 = arith.maximumf %add3A_28, %max3A_29 : vector<2000x128xf32>
    %swap3A = arith.constant 0 : index
    %swap3A_31 = arith.constant 0 : index
    %swap3A_32 = vector.load %arg6[%swap3A, %swap3A_31] : memref<2000x128xf32, #tpu.memory_space<vmem>>, vector<2000x128xf32>
    tpu.vector_store %arg6[%swap3A, %swap3A_31], %max3A_30 {strides = array<i32>} : memref<2000x128xf32, #tpu.memory_space<vmem>>, vector<2000x128xf32>,
    %mul3A_33 = vector.broadcast %get3A_11 : vector<2000x1xf32> to vector<2000x128xf32>
    %mul3A_34 = arith.mulf %mul3A_33, %max3A_30 : vector<2000x128xf32>
    %swap3A_35 = arith.constant 0 : index
    %swap3A_36 = arith.constant 0 : index
    %swap3A_37 = vector.load %arg7[%swap3A_35, %swap3A_36] : memref<2000x128xf32, #tpu.memory_space<vmem>>, vector<2000x128xf32>
    tpu.vector_store %arg7[%swap3A_35, %swap3A_36], %mul3A_34 {strides = array<i32>} : memref<2000x128xf32, #tpu.memory_space<vmem>>, vector<2000x128xf32>,
    return
  }
  func.func @transform_0(%arg0: i32) -> (i32, i32, i32) {
    %c0_i32 = arith.constant 0 : i32
    %c0_i32_0 = arith.constant 0 : i32
    %c0_i32_1 = arith.constant 0 : i32
    return %c0_i32, %arg0, %c0_i32_0 : i32, i32, i32
  }
  func.func @transform_1(%arg0: i32) -> (i32, i32) {
    %c0_i32 = arith.constant 0 : i32
    %c0_i32_0 = arith.constant 0 : i32
    return %arg0, %c0_i32 : i32, i32
  }
  func.func @transform_2(%arg0: i32) -> (i32, i32) {
    %c0_i32 = arith.constant 0 : i32
    %c0_i32_0 = arith.constant 0 : i32
    return %arg0, %c0_i32 : i32, i32
  }
  func.func @transform_3(%arg0: i32) -> (i32, i32) {
    %c0_i32 = arith.constant 0 : i32
    %c0_i32_0 = arith.constant 0 : i32
    %c0_i32_1 = arith.constant 0 : i32
    return %c0_i32, %c0_i32_0 : i32, i32
  }
  func.func @transform_4(%arg0: i32) -> (i32, i32) {
    %c0_i32 = arith.constant 0 : i32
    %c0_i32_0 = arith.constant 0 : i32
    %c0_i32_1 = arith.constant 0 : i32
    return %c0_i32, %c0_i32_0 : i32, i32
  }
  func.func @transform_5(%arg0: i32) -> (i32, i32) {
    %c0_i32 = arith.constant 0 : i32
    %c0_i32_0 = arith.constant 0 : i32
    return %arg0, %c0_i32 : i32, i32
  }
  func.func @transform_6(%arg0: i32) -> (i32, i32) {
    %c0_i32 = arith.constant 0 : i32
    %c0_i32_0 = arith.constant 0 : i32
    return %arg0, %c0_i32 : i32, i32
  }
}

module attributes {stable_mosaic.version = 14 : i64} {
  func.func @_dense_body(%arg0: i32, %arg1: memref<2x2000x128xf32, #tpu.memory_space<vmem>>, %arg2: memref<2000x128xf32, #tpu.memory_space<vmem>>, %arg3: memref<2000x1xf32, #tpu.memory_space<vmem>>, %arg4: memref<128x128xf32, #tpu.memory_space<vmem>>, %arg5: memref<1x128xf32, #tpu.memory_space<vmem>>, %arg6: memref<2000x128xf32, #tpu.memory_space<vmem>>) attributes {dimension_semantics = [#tpu.dimension_semantics<arbitrary>], iteration_bounds = array<i64: 5>, scalar_prefetch = 0 : i64, scratch_operands = 0 : i64, tpu.core_type = #tpu.core_type<tc>, window_params = [{transform_indices = @transform_0, window_bounds = array<i64: 2, 2000, 128>}, {transform_indices = @transform_1, window_bounds = array<i64: 2000, 128>}, {transform_indices = @transform_2, window_bounds = array<i64: 2000, 1>}, {pipeline_mode = #tpu.pipeline_mode<synchronous>, transform_indices = @transform_3, window_bounds = array<i64: 128, 128>}, {pipeline_mode = #tpu.pipeline_mode<synchronous>, transform_indices = @transform_4, window_bounds = array<i64: 1, 128>}, {transform_indices = @transform_5, window_bounds = array<i64: 2000, 128>}]} {
    %get3A = arith.constant 0 : index
    %get3A_0 = arith.constant 0 : index
    %get3A_1 = arith.constant 0 : index
    %get3A_2 = vector.load %arg1[%get3A, %get3A_0, %get3A_1] : memref<2x2000x128xf32, #tpu.memory_space<vmem>>, vector<1x2000x128xf32>
    %get3A_3 = vector.shape_cast %get3A_2 : vector<1x2000x128xf32> to vector<2000x128xf32>
    %get3A_4 = arith.constant 1 : index
    %get3A_5 = arith.constant 0 : index
    %get3A_6 = arith.constant 0 : index
    %get3A_7 = vector.load %arg1[%get3A_4, %get3A_5, %get3A_6] : memref<2x2000x128xf32, #tpu.memory_space<vmem>>, vector<1x2000x128xf32>
    %get3A_8 = vector.shape_cast %get3A_7 : vector<1x2000x128xf32> to vector<2000x128xf32>
    %add3A = arith.addf %get3A_3, %get3A_8 : vector<2000x128xf32>
    %get3A_9 = arith.constant 0 : index
    %get3A_10 = arith.constant 0 : index
    %get3A_11 = vector.load %arg3[%get3A_9, %get3A_10] : memref<2000x1xf32, #tpu.memory_space<vmem>>, vector<2000x1xf32>
    %mul3A = vector.broadcast %get3A_11 : vector<2000x1xf32> to vector<2000x128xf32>
    %mul3A_12 = arith.mulf %mul3A, %add3A : vector<2000x128xf32>
    %mul3A_13 = arith.mulf %get3A_11, %get3A_11 : vector<2000x1xf32>
    %get3A_14 = arith.constant 0 : index
    %get3A_15 = arith.constant 0 : index
    %get3A_16 = vector.load %arg2[%get3A_14, %get3A_15] : memref<2000x128xf32, #tpu.memory_space<vmem>>, vector<2000x128xf32>
    %mul3A_17 = vector.broadcast %mul3A_13 : vector<2000x1xf32> to vector<2000x128xf32>
    %mul3A_18 = arith.mulf %mul3A_17, %get3A_16 : vector<2000x128xf32>
    %add3A_19 = arith.addf %mul3A_12, %mul3A_18 : vector<2000x128xf32>
    %get3A_20 = arith.constant 0 : index
    %get3A_21 = arith.constant 0 : index
    %get3A_22 = vector.load %arg4[%get3A_20, %get3A_21] : memref<128x128xf32, #tpu.memory_space<vmem>>, vector<128x128xf32>
    %dot_general3A = arith.constant dense<0.000000e+00> : vector<2000x128xf32>
    %dot_general3A_23 = tpu.matmul %add3A_19, %get3A_22, %dot_general3A {dimension_numbers = #tpu.dot_dimension_numbers<[1], [0], [0], [1], [0, 0, 1, 1], [], []>, precision = #tpu.contract_precision<fp32>, transpose_lhs_hint = false} : vector<2000x128xf32>, vector<128x128xf32>, vector<2000x128xf32> -> vector<2000x128xf32>
    %get3A_24 = arith.constant 0 : index
    %get3A_25 = arith.constant 0 : index
    %get3A_26 = vector.load %arg5[%get3A_24, %get3A_25] : memref<1x128xf32, #tpu.memory_space<vmem>>, vector<1x128xf32>
    %add3A_27 = vector.broadcast %get3A_26 : vector<1x128xf32> to vector<2000x128xf32>
    %add3A_28 = arith.addf %dot_general3A_23, %add3A_27 : vector<2000x128xf32>
    %swap3A = arith.constant 0 : index
    %swap3A_29 = arith.constant 0 : index
    %swap3A_30 = vector.load %arg6[%swap3A, %swap3A_29] : memref<2000x128xf32, #tpu.memory_space<vmem>>, vector<2000x128xf32>
    tpu.vector_store %arg6[%swap3A, %swap3A_29], %add3A_28 {strides = array<i32>} : memref<2000x128xf32, #tpu.memory_space<vmem>>, vector<2000x128xf32>,
    return
  }
  func.func @transform_0(%arg0: i32) -> (i32, i32, i32) {
    %c0_i32 = arith.constant 0 : i32
    %c0_i32_0 = arith.constant 0 : i32
    %c0_i32_1 = arith.constant 0 : i32
    return %c0_i32, %arg0, %c0_i32_0 : i32, i32, i32
  }
  func.func @transform_1(%arg0: i32) -> (i32, i32) {
    %c0_i32 = arith.constant 0 : i32
    %c0_i32_0 = arith.constant 0 : i32
    return %arg0, %c0_i32 : i32, i32
  }
  func.func @transform_2(%arg0: i32) -> (i32, i32) {
    %c0_i32 = arith.constant 0 : i32
    %c0_i32_0 = arith.constant 0 : i32
    return %arg0, %c0_i32 : i32, i32
  }
  func.func @transform_3(%arg0: i32) -> (i32, i32) {
    %c0_i32 = arith.constant 0 : i32
    %c0_i32_0 = arith.constant 0 : i32
    %c0_i32_1 = arith.constant 0 : i32
    return %c0_i32, %c0_i32_0 : i32, i32
  }
  func.func @transform_4(%arg0: i32) -> (i32, i32) {
    %c0_i32 = arith.constant 0 : i32
    %c0_i32_0 = arith.constant 0 : i32
    %c0_i32_1 = arith.constant 0 : i32
    return %c0_i32, %c0_i32_0 : i32, i32
  }
  func.func @transform_5(%arg0: i32) -> (i32, i32) {
    %c0_i32 = arith.constant 0 : i32
    %c0_i32_0 = arith.constant 0 : i32
    return %arg0, %c0_i32 : i32, i32
  }
}

</mosaic_0001>

<sc_bundles>
// kernel: kernel.12.cloned.1.call-start
scs
__scs_entry_jumppad:
0x0: {  	(pc) =	sbr.rel $0x88, $3  }
0x1: {  	(tag) =	ssettag $0x0;
	lr =	simm.s32 $0x1  }
0x2: {  	[smem:$0x3F9B] =	sst lr;
	_ =	strace $0xD0000000  }
0x3: {  	_ = 	snop  }
0x4: {  	_ = 	snop  }
0x5: {  	_ = 	snop  }
0x6: {  	_ = 	snop  }
0x7: {  	_ = 	snop  }
__scs_overlays_trampoline_lowered:
0x8: {  	[smem:$0x3FAA] =	sst s0  }
0x9: {  	[smem:$0x3FAB] =	sst s1  }
0xa: {  	[smem:$0x3FAC] =	sst s2  }
0xb: {  	[smem:$0x3FAD] =	sst s3  }
0xc: {  	[smem:$0x3FAE] =	sst s4  }
0xd: {  	[smem:$0x3FAF] =	sst s5  }
0xe: {  	[smem:$0x3FB0] =	sst s6  }
0xf: {  	[smem:$0x3FB1] =	sst s7  }
0x10: {  	[smem:$0x3FB2] =	sst s8  }
0x11: {  	[smem:$0x3FB3] =	sst s9;
	s0 =	simm.s32 @!p0 $0x0  }
0x12: {  	s1 =	sld [smem:$0x3F99];
	s0 =	simm.s32 @p0 $0x1  }
0x13: {  	[smem:$0x3FB4] =	sst s0;
	s0 =	simm.s32 @!p1 $0x0  }
0x14: {  	s2 =	sld [smem:$0x3F98];
	s0 =	simm.s32 @p1 $0x1  }
0x15: {  	[smem:$0x3FB5] =	sst s0;
	s0 =	simm.s32 @!p2 $0x0  }
0x16: {  	s3 =	sld [smem:$0x3FDB];
	s0 =	simm.s32 @p2 $0x1  }
0x17: {  	s4 =	simm.s32 $0x1BF5;
	[smem:$0x3FB7] =	sst s0  }
0x18: {  	s0 =	sld [smem:$0x3F9A];
	_ =	swait.ge [sflag:s4], $0x0  }
0x19: {  	s7 =	sld [smem:$0x3F9B]  }
0x1a: {  	s8 =	sadd.s32 $0xFFFFE003, lr  }
0x1b: {  	s9 =	sadd.s32 $0xFFFFFEF7, lr;
	s5 =	simm.s32 $0xFFFFFFFF;
	p2 =	slt.u32 s8, $0xFFFFF086  }
0x1c: {  	p1 =	slt.u32 s9, $0xF7A;
	s5 =	simm.s32 @!p2 $0x0  }
0x1d: {  	s5 =	simm.s32 @p1 $0x1;
	p0 =	seq.s32 s7, s2  }
0x1e: {  	s7 =	smul.u32 @!p0 $0xF7A, s2;
	p2 =	seq.s32 @!p0 s5, $0x0  }
0x1f: {  	s9 =	smul.u32 $0xF7A, s1;
	s8 =	simm.s32 @!p0 $0x1BF5;
	p2 =	por !p2, p0  }
0x20: {  	[sflag:s8] =	ssyncset.s32 @!p0 $0xFFFFF086;
	s6 =	sadd.s32 @!p0 s3, s7;
	s7 =	simm.s32 @!p0 $0x108  }
0x21: {  	s3 =	sadd.s32 s3, s9;
	s6 =	sadd.s32 @!p0 $0x88, s6;
	s7 =	simm.s32 @p2 $0x1082  }
0x22: {  	[simem:s7], [sflag:s8] =	dma.local @!p0 [hbm:s6], $0xF7A  }
0x23: {  	s9 =	sor.u32 $0xD0000000, s2;
	s6 =	simm.s32 $0x108;
	_ =	swait.ge @!p0 [sflag:s8], $0x0  }
0x24: {  	s3 =	sadd.s32 $0x88, s3;
	s6 =	simm.s32 @!p1 $0x1082;
	[sflag:s4] =	ssyncset.s32 $0xFFFFF086  }
0x25: {  	[simem:s6], [sflag:s4] =	dma.local [hbm:s3], $0xF7A  }
0x26: {  	[smem:$0x3F9B] =	sst s1;
	(tag) =	ssettag s2;
	_ =	strace s9  }
0x27: {  	s1 =	sld [smem:$0x3FAB]  }
0x28: {  	s2 =	sld [smem:$0x3FAC]  }
0x29: {  	s4 =	sld [smem:$0x3FAE]  }
0x2a: {  	p0 =	seq.s32 s5, $0x0;
	s5 =	sld [smem:$0x3FAF]  }
0x2b: {  	s6 =	sld [smem:$0x3FB0]  }
0x2c: {  	s7 =	sld [smem:$0x3FB1]  }
0x2d: {  	s3 =	simm.s32 $0x108;
	s8 =	sld [smem:$0x3FB2]  }
0x2e: {  	s3 =	simm.s32 @!p0 $0x1082;
	s9 =	sld [smem:$0x3FB3]  }
0x2f: {  	lr =	sadd.s32 s0, s3;
	s0 =	sld [smem:$0x3FAA]  }
0x30: {  	s3 =	sld [smem:$0x3FAD]  }
0x31: {  	[smem:$0x3FB6] =	sst s10  }
0x32: {  	s10 =	sld [smem:$0x3FB4];
	_ =	sdelay $0x3  }
0x33: {  	p0 =	seq.s32 s10, $0x1;
	s10 =	sld [smem:$0x3FB6];
	_ =	sdelay $0x3  }
0x34: {  	[smem:$0x3FB6] =	sst s10  }
0x35: {  	s10 =	sld [smem:$0x3FB5];
	_ =	sdelay $0x3  }
0x36: {  	p1 =	seq.s32 s10, $0x1;
	s10 =	sld [smem:$0x3FB6];
	_ =	sdelay $0x3  }
0x37: {  	[smem:$0x3FB6] =	sst s10  }
0x38: {  	s10 =	sld [smem:$0x3FB7]  }
0x39: {  	_ = 	snop;
	(pc) =	sbr.ind lr, $3  }
0x3a: {  	_ = 	snop  }
0x3b: {  	_ = 	snop  }
0x3c: {  	p2 =	seq.s32 s10, $0x1;
	s10 =	sld [smem:$0x3FB6]  }
0x3d: {  	_ =	shalt  }
0x3e: {  	_ =	shalt  }
0x3f: {  	_ =	shalt  }
0x40: {  	_ =	shalt  }
0x41: {  	_ =	shalt  }
0x42: {  	_ =	shalt  }
0x43: {  	_ =	shalt  }
0x44: {  	_ =	shalt  }
0x45: {  	_ =	shalt  }
0x46: {  	_ =	shalt  }
0x47: {  	_ =	shalt  }
0x48: {  	_ =	shalt  }
0x49: {  	_ =	shalt  }
0x4a: {  	_ =	shalt  }
0x4b: {  	_ =	shalt  }
0x4c: {  	_ =	shalt  }
0x4d: {  	_ =	shalt  }
0x4e: {  	_ =	shalt  }
0x4f: {  	_ =	shalt  }
0x50: {  	_ =	shalt  }
0x51: {  	_ =	shalt  }
0x52: {  	_ =	shalt  }
0x53: {  	_ =	shalt  }
0x54: {  	_ =	shalt  }
0x55: {  	_ =	shalt  }
0x56: {  	_ =	shalt  }
0x57: {  	_ =	shalt  }
0x58: {  	_ =	shalt  }
0x59: {  	_ =	shalt  }
0x5a: {  	_ =	shalt  }
0x5b: {  	_ =	shalt  }
0x5c: {  	_ =	shalt  }
0x5d: {  	_ =	shalt  }
0x5e: {  	_ =	shalt  }
0x5f: {  	_ =	shalt  }
0x60: {  	_ =	shalt  }
0x61: {  	_ =	shalt  }
0x62: {  	_ =	shalt  }
0x63: {  	_ =	shalt  }
0x64: {  	_ =	shalt  }
0x65: {  	_ =	shalt  }
0x66: {  	_ =	shalt  }
0x67: {  	_ =	shalt  }
0x68: {  	_ =	shalt  }
0x69: {  	_ =	shalt  }
0x6a: {  	_ =	shalt  }
0x6b: {  	_ =	shalt  }
0x6c: {  	_ =	shalt  }
0x6d: {  	_ =	shalt  }
0x6e: {  	_ =	shalt  }
0x6f: {  	_ =	shalt  }
0x70: {  	_ =	shalt  }
0x71: {  	_ =	shalt  }
0x72: {  	_ =	shalt  }
0x73: {  	_ =	shalt  }
0x74: {  	_ =	shalt  }
0x75: {  	_ =	shalt  }
0x76: {  	_ =	shalt  }
0x77: {  	_ =	shalt  }
0x78: {  	_ =	shalt  }
0x79: {  	_ =	shalt  }
0x7a: {  	_ =	shalt  }
0x7b: {  	_ =	shalt  }
0x7c: {  	_ =	shalt  }
0x7d: {  	_ =	shalt  }
0x7e: {  	_ =	shalt  }
0x7f: {  	_ =	shalt  }
0x80: {  	_ =	shalt  }
0x81: {  	_ =	shalt  }
0x82: {  	_ =	shalt  }
0x83: {  	_ =	shalt  }
0x84: {  	_ =	shalt  }
0x85: {  	_ =	shalt  }
0x86: {  	_ =	shalt  }
0x87: {  	_ =	shalt  }
.Lfunc_end0:
.L_simem_size_0:
called_computation.1_lowered:
.L_overlay_start_0:
0x88: {  	s2 =	sld [smem:$0x3FD9]  }
0x89: {  	s3 =	sld [smem:$0x3FFE];
	_ =	sdelay $0x1  }
0x8a: {  	s1 =	srdreg.scid  }
0x8b: {  	s0 =	sand.u32 $0x1, s1  }
0x8c: {  	s17 =	sshll.u32 s0, $0xA;
	s2 =	sadd.s32 s3, s2  }
0x8d: {  	s2 =	sadd.s32 s2, s17  }
0x8e: {  	[smem:$0x3FC2] =	sst s2  }
0x8f: {  	_ = 	snop  }
0x90: {  	s2 =	sld [smem:$0x3FD0];
	(tm) =	ssettm $0x1  }
0x91: {  	s18 =	sld [smem:$0x3FFB];
	_ =	sdelay $0x3  }
0x92: {  	_ =	strace s18  }
0x93: {  	s3 =	sld [smem:$0x3FFC];
	_ =	sdelay $0x3  }
0x94: {  	_ =	strace s3  }
0x95: {  	s3 =	sld [smem:$0x3FFD];
	_ =	sdelay $0x3  }
0x96: {  	_ =	strace s3  }
0x97: {  	_ =	strace $0x8FFFFFFF  }
0x98: {  	s19 =	sld [smem:$0x3FDB];
	_ =	sdelay $0x1  }
0x99: {  	s4 =	simm.s32 $_scs_section_size  }
0x9a: {  	s5 =	simm.s32 $_size__tile_overlayer_lowered;
	s6 =	simm.s32 $_tile_overlayer_lowered  }
0x9b: {  	s22 =	simm.s32 $0x1BFF;
	s21 =	sshll.u32 s6, $0x1;
	s3 =	sadd.s32 s4, s19  }
0x9c: {  	s7 =	simm.s32 $0x0;
	s20 =	sshll.u32 s5, $0x1;
	s5 =	sadd.s32 s21, s3  }
0x9d: {  	[timem:s7], [sflag:s22] =	dma.local [hbm:s5], s20  }
0x9e: {  	_ =	swait.ge [sflag:s22], s20  }
0x9f: {  	s4 =	ssub.s32 $0x0, s20;
	[sflag:s22] =	ssyncset.done $0x0  }
0xa0: {  	[sflag:s22] =	ssyncadd.s32 s4;
	_ =	sdelay $0x1  }
0xa1: {  	s23 =	simm.s32 $0x1B8B  }
0xa2: {  	_ =	swait.ge [sflag:s23], $0x1  }
0xa3: {  	[sflag:s23] =	ssyncset.done $0x0  }
0xa4: {  	s25 =	simm.s32 $0x1B8E;
	s24 =	sld [smem:$0x3FFE];
	[sflag:s23] =	ssyncadd.s32 $0xFFFFFFFF  }
0xa5: {  	s26 =	simm.s32 $execute0_lowered;
	[smem:$0x3FD2] =	sst s25  }
0xa6: {  	s5 =	sshll.u32 s26, $0x1;
	_ =	strace $0x80000049;
	[dreg:$0x1] =	wrdreg $0xFFFFFFFF  }
0xa7: {  	s28 =	simm.s32 $_size_execute0_lowered;
	s3 =	sadd.s32 s3, s5;
	[dreg:$0x0] =	wrdreg $0x0  }
0xa8: {  	s5 =	sshll.u32 s28, $0x1;
	[dreg:$0x2] =	wrdreg s3  }
0xa9: {  	[dreg:$0x3] =	wrdreg s5  }
0xaa: {  	[dreg:$0x4] =	wrdreg $0xC0  }
0xab: {  	_ =	task [dreg:s7], $0x5FFFF  }
0xac: {  	[dreg:$0x1] =	wrdreg $0xFFFFFFFF  }
0xad: {  	[dreg:$0x0] =	wrdreg $0x60  }
0xae: {  	[dreg:$0x2] =	wrdreg s24  }
0xaf: {  	[dreg:$0x3] =	wrdreg s2  }
0xb0: {  	[dreg:$0x4] =	wrdreg $0xA4000  }
0xb1: {  	[dreg:$0x5] =	wrdreg $0x9  }
0xb2: {  	_ =	task.clear_ibuf [dreg:s7], $0x6FFFF;
	_ =	strace $0x90000049  }
0xb3: {  	s29 =	simm.s32 $0x9;
	_ =	strace $0x8000004B  }
0xb4: {  	_ =	swait.ge [sflag:s29], $0x1  }
0xb5: {  	[sflag:s29] =	ssyncadd.s32 $0xFFFFFFFF  }
0xb6: {  	_ =	strace $0x9000004B  }
0xb7: {  	_ =	sfence  }
0xb8: {  	s30 =	sld [smem:$0x0];
	_ =	sdelay $0x2  }
0xb9: {  	s31 =	sshll.u32 s1, $0xD;
	s1 =	sshrl.u32 s1, $0x2  }
0xba: {  	s3 =	sand.u32 $0x4000, s31;
	s1 =	sadd.s32 s1, s30  }
0xbb: {  	s0 =	sor.u32 s3, s0;
	s1 =	sshll.u32 s1, $0x11  }
0xbc: {  	s0 =	sor.u32 s1, s0  }
0xbd: {  	s0 =	sadd.s32 $0x8F2B, s0  }
0xbe: {  	[sflag:s0] =	ssyncadd.remote.s32 $0x1  }
0xbf: {  	_ =	sfence.sel $0xFFFF  }
0xc0: {  	[dreg:$0x0] =	wrdreg $0xFFFFFFFF;
	(pc) =	sbr.abs _section_cstart, $3  }
0xc1: {  	[dreg:$0x1] =	wrdreg $0xFFFFFFFF  }
0xc2: {  	_ =	task.clear_ibuf [dreg:s7], $0x2FFFF;
	_ =	strace $0x9FFFFFFF  }
0xc3: {  	(tm) =	ssettm $0x7FFFFFFF  }
tec
execute0_lowered:
.L_overlay_start_1:
0x0: {  	(tag) =	ssettag $0x1  }
0x1: {  	s0 =	rddreg [dreg:$0x0]  }
0x2: {  	s2 =	rddreg [dreg:$0x1]  }
0x3: {  	s3 =	rddreg [dreg:$0x2]  }
0x4: {  	s12 =	stileid.u32;
	s1 =	srdreg.scid  }
0x5: {  	s4 =	simm.s32 $0x0;
	s28 =	simm.s32 $0x100;
	s29 =	simm.s32 $0x300  }
0x6: {  	s30 =	simm.s32 $0x180;
	s31 =	simm.s32 $0x380;
	s6 =	smul.u32 $0x14000, s12  }
0x7: {  	s1 =	sand.u32 $0x1, s1;
	[smem:$0x7FF] =	sst s4;
	s10 =	smul.u32 $0x50000, s12  }
0x8: {  	s5 =	sadd.s32 $0xBC00, s0;
	s11 =	sshll.u32 s12, $0x1;
	s21 =	smul.u32 $0x4E20, s12  }
0x9: {  	s22 =	sshll.u32 s12, $0x6;
	s7 =	smul.u32 $0x140000, s1;
	_ =	strace $0x8000004A  }
0xa: {  	s9 =	ssub.s32 $0x2, s1;
	s11 =	sor.u32 s1, s11;
	s1 =	smul.u32 $0x2710, s1  }
0xb: {  	s12 =	sor.u32 $0x1C04, s22;
	s8 =	sshrl.u32 s6, $0x3;
	s18 =	sshrl.u32 s9, $0x1  }
0xc: {  	s19 =	sshrl.u32 s10, $0x2;
	s20 =	smul.u32 $0x2710, s11;
	[dreg:$0xc] =	wrdreg s12  }
0xd: {  	s7 =	sadd.s32 s6, s7;
	s6 =	sadd.s32 $0x1E00, s0;
	s8 =	sadd.s32 s8, s0  }
0xe: {  	s1 =	sadd.s32 s1, s21;
	s7 =	sshrl.u32 s7, $0x3;
	s8 =	sadd.s32 $0x15A00, s8  }
0xf: {  	s10 =	sshrl.u32 s20, $0x3;
	s14 =	sadd.s32 $0x190, s1;
	s0 =	sadd.s32 s7, s0  }
0x10: {  	s7 =	ssub.s32 s9, s18;
	s9 =	sadd.s32 s19, s3;
	[dreg:$0xb] =	wrdreg s8  }
0x11: {  	s22 =	sadd.s32 $0xA0, s1;
	s23 =	sadd.s32 s5, s10;
	[dreg:$0xa] =	wrdreg s9  }
0x12: {  	s24 =	sadd.s32 $0xA, s10;
	s25 =	sadd.s32 s6, s10;
	[dreg:$0xd] =	wrdreg s23  }
0x13: {  	s18 =	sadd.s32 $0xF0, s1;
	s1 =	sadd.s32 $0x140, s1;
	[dreg:$0xe] =	wrdreg s25  }
0x14: {  	s13 =	sadd.s32 $0x4D8, s10;
	s26 =	sadd.s32 s5, s24;
	[dreg:$0x15] =	wrdreg s1  }
0x15: {  	s16 =	sshrl.u32 s14, $0x3;
	s11 =	sadd.s32 s6, s24;
	[dreg:$0xf] =	wrdreg s26  }
0x16: {  	s10 =	simm.s32 $0x0;
	s15 =	sadd.s32 s5, s13;
	[dreg:$0x10] =	wrdreg s11  }
0x17: {  	s8 =	sadd.s32 s6, s13;
	s0 =	sadd.s32 $0x3DA00, s0;
	[dreg:$0x11] =	wrdreg s15  }
0x18: {  	s17 =	sadd.s32 s16, s6;
	s19 =	sadd.s32 s16, s5;
	[dreg:$0x12] =	wrdreg s8  }
0x19: {  	s20 =	sshrl.u32 s18, $0x3;
	s24 =	sshrl.u32 s22, $0x3;
	[dreg:$0x13] =	wrdreg s0  }
0x1a: {  	s7 =	smax.u32 s7, $0x1;
	s22 =	simm.s32 $0x280;
	[dreg:$0x4] =	wrdreg s17  }
0x1b: {  	s1 =	simm.s32 $0x5400;
	[dreg:$0x5] =	wrdreg s19;
	s21 =	sadd.s32 s20, s6  }
0x1c: {  	s23 =	sadd.s32 s20, s5;
	[dreg:$0x14] =	wrdreg s7;
	s25 =	sadd.s32 s24, s6  }
0x1d: {  	s26 =	sadd.s32 s24, s5;
	s19 =	simm.s32 $0x4;
	[dreg:$0x6] =	wrdreg s21  }
0x1e: {  	s20 =	simm.s32 $0x200;
	s24 =	simm.s32 $0x50;
	[dreg:$0x7] =	wrdreg s23  }
0x1f: {  	s0 =	simm.s32 $0x2;
	s7 =	simm.s32 $0x7C00;
	[dreg:$0x8] =	wrdreg s25  }
0x20: {  	s8 =	simm.s32 $0x3;
	[dreg:$0x9] =	wrdreg s26;
	s21 =	simm.s32 $0x80  }
0x21: {  	s23 =	simm.s32 $0x1;
	s25 =	simm.s32 $0x400;
	s26 =	simm.s32 $0x2C00  }
.LBB2_1:
0x22: {  	s9 =	rddreg [dreg:$0xa]  }
0x23: {  	s14 =	rddreg [dreg:$0xb];
	s11 =	sshrl.u32 s9, $0x3  }
0x24: {  	[spmem:s11], [sflag:s12] =	dma.local [hbm:s14], $0x2800  }
0x25: {  	_ =	swait.ge [sflag:s19], $0x2800  }
0x26: {  	[sflag:s19] =	ssyncset.done $0x0  }
0x27: {  	[sflag:s19] =	ssyncadd.s32 $0xFFFFD800  }
0x28: {  	[bflag:$0x0] =	sbarrier.arrive $0xFFFF  }
0x29: {  	s15 =	rddreg [dreg:$0xd]  }
0x2a: {  	[tilespmem:s4], [sflag:$0x1] =	stream.linear.gather [hbm4b:s15+s4], $0x50, $0x38;
	[tilespmem:$0x1E400] =	vst v63  }
0x2b: {  	s16 =	rddreg [dreg:$0xe]  }
0x2c: {  	[tilespmem:s20], [sflag:$0x1] =	stream.linear.gather [hbm4b:s16+s4], $0x50, $0x38;
	[tilespmem:$0x1E400] =	vst v63  }
0x2d: {  	s17 =	rddreg [dreg:$0xf]  }
0x2e: {  	[tilespmem:s21], [sflag:$0x1] =	stream.linear.gather [hbm4b:s17+s4], $0x50, $0x38;
	[tilespmem:$0x1E400] =	vst v63  }
0x2f: {  	s18 =	rddreg [dreg:$0x10]  }
0x30: {  	[tilespmem:s22], [sflag:$0x1] =	stream.linear.gather [hbm4b:s18+s4], $0x50, $0x38;
	[tilespmem:$0x1E400] =	vst v63  }
0x31: {  	_ =	swait.ge [sflag:s23], $0x50  }
0x32: {  	[sflag:s23] =	ssyncset.done $0x0  }
0x33: {  	[sflag:s23] =	ssyncadd.s32 $0xFFFFFFB0  }
0x34: {  	_ =	swait.ge [sflag:s23], $0x50  }
0x35: {  	[sflag:s23] =	ssyncset.done $0x0  }
0x36: {  	[sflag:s23] =	ssyncadd.s32 $0xFFFFFFB0  }
0x37: {  	_ =	swait.ge [sflag:s23], $0x50  }
0x38: {  	[sflag:s23] =	ssyncset.done $0x0  }
0x39: {  	[sflag:s23] =	ssyncadd.s32 $0xFFFFFFB0  }
0x3a: {  	_ =	swait.ge [sflag:s23], $0x50  }
0x3b: {  	[sflag:s23] =	ssyncset.done $0x0  }
0x3c: {  	p0 =	por $0x1, $0x1;
	[sflag:s23] =	ssyncadd.s32 $0xFFFFFFB0  }
0x3d: {  	[tilespmem:s25], [sflag:$0x2] =	stream.indirect.gather [hbm4b:s2+s24], $0x80, s4, s24, $0xb8;
	[tilespmem:$0x1E400] =	vst v63  }
0x3e: {  	s12 =	simm.s32 @!p0 $0x3  }
0x3f: {  	[tilespmem:s26], [sflag:$0x2] =	stream.indirect.gather [hbm4b:s2+s24], $0x80, s21, s24, $0xb8;
	[tilespmem:$0x1E400] =	vst v63  }
0x40: {  	_ =	swait.ge @!p0 [sflag:s12], $0x2800  }
0x41: {  	[sflag:s12] =	ssyncset.done @!p0 $0x0  }
0x42: {  	[sflag:s12] =	ssyncadd.s32 @!p0 $0xFFFFD800  }
0x43: {  	_ =	swait.ge @!p0 [sflag:s12], $0x2800  }
0x44: {  	s14 =	rddreg [dreg:$0x9];
	[sflag:s12] =	ssyncset.done @!p0 $0x0  }
0x45: {  	s18 =	rddreg [dreg:$0x8];
	[sflag:s12] =	ssyncadd.s32 @!p0 $0xFFFFD800;
	s9 =	sadd.s32 $0x0, s14  }
0x46: {  	[tilespmem:s28], [sflag:$0x1] =	stream.linear.gather [hbm4b:s9+s4], $0x50, $0x38;
	[tilespmem:$0x1E400] =	vst v63  }
0x47: {  	s13 =	rddreg [dreg:$0x7];
	s15 =	sadd.s32 $0x0, s18  }
0x48: {  	[tilespmem:s29], [sflag:$0x1] =	stream.linear.gather [hbm4b:s15+s4], $0x50, $0x38;
	[tilespmem:$0x1E400] =	vst v63  }
0x49: {  	s16 =	rddreg [dreg:$0x6];
	s17 =	sadd.s32 $0x0, s13  }
0x4a: {  	[tilespmem:s30], [sflag:$0x1] =	stream.linear.gather [hbm4b:s17+s4], $0x50, $0x38;
	[tilespmem:$0x1E400] =	vst v63  }
0x4b: {  	s18 =	sadd.s32 $0x0, s16  }
0x4c: {  	[tilespmem:s31], [sflag:$0x1] =	stream.linear.gather [hbm4b:s18+s4], $0x50, $0x38;
	[tilespmem:$0x1E400] =	vst v63  }
0x4d: {  	_ =	swait.ge [sflag:s0], $0x2800  }
0x4e: {  	[sflag:s0] =	ssyncset.done $0x0  }
0x4f: {  	[sflag:s0] =	ssyncadd.s32 $0xFFFFD800  }
0x50: {  	_ =	swait.ge [sflag:s0], $0x2800  }
0x51: {  	[sflag:s0] =	ssyncset.done $0x0  }
0x52: {  	[sflag:s0] =	ssyncadd.s32 $0xFFFFD800  }
0x53: {  	[spmem:s3] =	stream.indirect.scatter.add.f32 [tilespmem:s25], [sflag:$0x3], $0x80, s20, s24, $0xb8;
	[tilespmem:$0x1E400] =	vst v63  }
0x54: {  	_ = 	snop  }
0x55: {  	[spmem:s3] =	stream.indirect.scatter.add.f32 [tilespmem:s26], [sflag:$0x3], $0x80, s22, s24, $0xb8;
	[tilespmem:$0x1E400] =	vst v63  }
0x56: {  	_ =	swait.ge [sflag:s23], $0x50  }
0x57: {  	[sflag:s23] =	ssyncset.done $0x0  }
0x58: {  	[sflag:s23] =	ssyncadd.s32 $0xFFFFFFB0  }
0x59: {  	_ =	swait.ge [sflag:s23], $0x50  }
0x5a: {  	[sflag:s23] =	ssyncset.done $0x0  }
0x5b: {  	[sflag:s23] =	ssyncadd.s32 $0xFFFFFFB0  }
0x5c: {  	_ =	swait.ge [sflag:s23], $0x50  }
0x5d: {  	[sflag:s23] =	ssyncset.done $0x0  }
0x5e: {  	[sflag:s23] =	ssyncadd.s32 $0xFFFFFFB0  }
0x5f: {  	_ =	swait.ge [sflag:s23], $0x50  }
0x60: {  	[sflag:s23] =	ssyncset.done $0x0  }
0x61: {  	[sflag:s23] =	ssyncadd.s32 $0xFFFFFFB0  }
0x62: {  	[tilespmem:s1], [sflag:$0x2] =	stream.indirect.gather [hbm4b:s2+s24], $0x80, s28, s24, $0xb8;
	[tilespmem:$0x1E400] =	vst v63  }
0x63: {  	_ = 	snop  }
0x64: {  	[tilespmem:s7], [sflag:$0x2] =	stream.indirect.gather [hbm4b:s2+s24], $0x80, s30, s24, $0xb8;
	[tilespmem:$0x1E400] =	vst v63  }
0x65: {  	_ =	swait.ge [sflag:s8], $0x2800  }
0x66: {  	[sflag:s8] =	ssyncset.done $0x0  }
0x67: {  	[sflag:s8] =	ssyncadd.s32 $0xFFFFD800  }
0x68: {  	_ =	swait.ge [sflag:s8], $0x2800  }
0x69: {  	p0 =	por $0x0, $0x0;
	s9 =	rddreg [dreg:$0x15]  }
0x6a: {  	[sflag:s8] =	ssyncset.done $0x0;
	s12 =	sshrl.u32 @!p0 s9, $0x3  }
0x6b: {  	s18 =	simm.s32 @!p0 $0x0;
	[sflag:s8] =	ssyncadd.s32 $0xFFFFD800;
	s14 =	sadd.s32 @!p0 s5, s12  }
0x6c: {  	[tilespmem:s18], [sflag:$0x1] =	stream.linear.gather @!p0 [hbm4b:s14+s18], $0x50, $0x38;
	[tilespmem:$0x1E400] =	vst v63  }
0x6d: {  	s15 =	simm.s32 @!p0 $0x200;
	s12 =	sadd.s32 @!p0 s6, s12;
	s14 =	rddreg [dreg:$0x5]  }
0x6e: {  	[tilespmem:s15], [sflag:$0x1] =	stream.linear.gather @!p0 [hbm4b:s12+s18], $0x50, $0x38;
	[tilespmem:$0x1E400] =	vst v63  }
0x6f: {  	s14 =	sadd.s32 @!p0 $0x0, s14;
	s12 =	rddreg [dreg:$0x4];
	s15 =	simm.s32 @!p0 $0x80  }
0x70: {  	[tilespmem:s15], [sflag:$0x1] =	stream.linear.gather @!p0 [hbm4b:s14+s18], $0x50, $0x38;
	[tilespmem:$0x1E400] =	vst v63  }
0x71: {  	s12 =	sadd.s32 @!p0 $0x0, s12;
	s14 =	simm.s32 @!p0 $0x280  }
0x72: {  	[tilespmem:s14], [sflag:$0x1] =	stream.linear.gather @!p0 [hbm4b:s12+s18], $0x50, $0x38;
	[tilespmem:$0x1E400] =	vst v63  }
0x73: {  	_ =	swait.ge [sflag:s0], $0x2800  }
0x74: {  	[sflag:s0] =	ssyncset.done $0x0  }
0x75: {  	[sflag:s0] =	ssyncadd.s32 $0xFFFFD800  }
0x76: {  	_ =	swait.ge [sflag:s0], $0x2800  }
0x77: {  	[sflag:s0] =	ssyncset.done $0x0  }
0x78: {  	s12 =	simm.s32 $0x28;
	s18 =	smov.u32 s9;
	[sflag:s0] =	ssyncadd.s32 $0xFFFFD800  }
0x79: {  	[spmem:s3] =	stream.indirect.scatter.add.f32 [tilespmem:s1], [sflag:$0x3], $0x80, s29, s24, $0xb8;
	[tilespmem:$0x1E400] =	vst v63  }
.LBB2_2:
0x7a: {  	[spmem:s3] =	stream.indirect.scatter.add.f32 [tilespmem:s7], [sflag:$0x3], $0x80, s31, s24, $0xb8;
	[tilespmem:$0x1E400] =	vst v63  }
0x7b: {  	_ =	swait.ge [sflag:s23], $0x50  }
0x7c: {  	[sflag:s23] =	ssyncset.done $0x0  }
0x7d: {  	[sflag:s23] =	ssyncadd.s32 $0xFFFFFFB0  }
0x7e: {  	_ =	swait.ge [sflag:s23], $0x50  }
0x7f: {  	[sflag:s23] =	ssyncset.done $0x0  }
0x80: {  	[sflag:s23] =	ssyncadd.s32 $0xFFFFFFB0  }
0x81: {  	_ =	swait.ge [sflag:s23], $0x50  }
0x82: {  	[sflag:s23] =	ssyncset.done $0x0  }
0x83: {  	[sflag:s23] =	ssyncadd.s32 $0xFFFFFFB0  }
0x84: {  	_ =	swait.ge [sflag:s23], $0x50  }
0x85: {  	s14 =	smov.u32 s12;
	[sflag:s23] =	ssyncset.done $0x0  }
0x86: {  	p1 =	seq.s32 s14, $0x0;
	[sflag:s23] =	ssyncadd.s32 $0xFFFFFFB0  }
0x87: {  	[tilespmem:s25], [sflag:$0x2] =	stream.indirect.gather [hbm4b:s2+s24], $0x80, s4, s24, $0xb8;
	[tilespmem:$0x1E400] =	vst v63  }
0x88: {  	s15 =	simm.s32 @!p1 $0x3  }
0x89: {  	[tilespmem:s26], [sflag:$0x2] =	stream.indirect.gather [hbm4b:s2+s24], $0x80, s21, s24, $0xb8;
	[tilespmem:$0x1E400] =	vst v63  }
0x8a: {  	_ =	swait.ge @!p1 [sflag:s15], $0x2800  }
0x8b: {  	[sflag:s15] =	ssyncset.done @!p1 $0x0  }
0x8c: {  	[sflag:s15] =	ssyncadd.s32 @!p1 $0xFFFFD800  }
0x8d: {  	_ =	swait.ge @!p1 [sflag:s15], $0x2800  }
0x8e: {  	s16 =	rddreg [dreg:$0x9];
	[sflag:s15] =	ssyncset.done @!p1 $0x0  }
0x8f: {  	s17 =	rddreg [dreg:$0x8];
	[sflag:s15] =	ssyncadd.s32 @!p1 $0xFFFFD800;
	s13 =	sadd.s32 s14, s16  }
0x90: {  	[tilespmem:s28], [sflag:$0x1] =	stream.linear.gather [hbm4b:s13+s4], $0x50, $0x38;
	[tilespmem:$0x1E400] =	vst v63  }
0x91: {  	s16 =	rddreg [dreg:$0x7];
	s9 =	sadd.s32 s14, s17  }
0x92: {  	[tilespmem:s29], [sflag:$0x1] =	stream.linear.gather [hbm4b:s9+s4], $0x50, $0x38;
	[tilespmem:$0x1E400] =	vst v63  }
0x93: {  	s13 =	rddreg [dreg:$0x6];
	s16 =	sadd.s32 s14, s16  }
0x94: {  	[tilespmem:s30], [sflag:$0x1] =	stream.linear.gather [hbm4b:s16+s4], $0x50, $0x38;
	[tilespmem:$0x1E400] =	vst v63  }
0x95: {  	s17 =	sadd.s32 s14, s13  }
0x96: {  	[tilespmem:s31], [sflag:$0x1] =	stream.linear.gather [hbm4b:s17+s4], $0x50, $0x38;
	[tilespmem:$0x1E400] =	vst v63  }
0x97: {  	_ =	swait.ge [sflag:s0], $0x2800  }
0x98: {  	[sflag:s0] =	ssyncset.done $0x0  }
0x99: {  	[sflag:s0] =	ssyncadd.s32 $0xFFFFD800  }
0x9a: {  	_ =	swait.ge [sflag:s0], $0x2800  }
0x9b: {  	[sflag:s0] =	ssyncset.done $0x0  }
0x9c: {  	[sflag:s0] =	ssyncadd.s32 $0xFFFFD800  }
0x9d: {  	[spmem:s3] =	stream.indirect.scatter.add.f32 [tilespmem:s25], [sflag:$0x3], $0x80, s20, s24, $0xb8;
	[tilespmem:$0x1E400] =	vst v63  }
0x9e: {  	_ = 	snop  }
0x9f: {  	[spmem:s3] =	stream.indirect.scatter.add.f32 [tilespmem:s26], [sflag:$0x3], $0x80, s22, s24, $0xb8;
	[tilespmem:$0x1E400] =	vst v63  }
0xa0: {  	_ =	swait.ge [sflag:s23], $0x50  }
0xa1: {  	[sflag:s23] =	ssyncset.done $0x0  }
0xa2: {  	[sflag:s23] =	ssyncadd.s32 $0xFFFFFFB0  }
0xa3: {  	_ =	swait.ge [sflag:s23], $0x50  }
0xa4: {  	[sflag:s23] =	ssyncset.done $0x0  }
0xa5: {  	[sflag:s23] =	ssyncadd.s32 $0xFFFFFFB0  }
0xa6: {  	_ =	swait.ge [sflag:s23], $0x50  }
0xa7: {  	[sflag:s23] =	ssyncset.done $0x0  }
0xa8: {  	[sflag:s23] =	ssyncadd.s32 $0xFFFFFFB0  }
0xa9: {  	_ =	swait.ge [sflag:s23], $0x50  }
0xaa: {  	[sflag:s23] =	ssyncset.done $0x0  }
0xab: {  	[sflag:s23] =	ssyncadd.s32 $0xFFFFFFB0  }
0xac: {  	[tilespmem:s1], [sflag:$0x2] =	stream.indirect.gather [hbm4b:s2+s24], $0x80, s28, s24, $0xb8;
	[tilespmem:$0x1E400] =	vst v63  }
0xad: {  	_ = 	snop  }
0xae: {  	[tilespmem:s7], [sflag:$0x2] =	stream.indirect.gather [hbm4b:s2+s24], $0x80, s30, s24, $0xb8;
	[tilespmem:$0x1E400] =	vst v63  }
0xaf: {  	_ =	swait.ge [sflag:s8], $0x2800  }
0xb0: {  	[sflag:s8] =	ssyncset.done $0x0  }
0xb1: {  	[sflag:s8] =	ssyncadd.s32 $0xFFFFD800  }
0xb2: {  	s18 =	sadd.s32 $0x140, s18;
	p1 =	seq.s32 s14, $0x4B0;
	_ =	swait.ge [sflag:s8], $0x2800  }
0xb3: {  	s15 =	sshrl.u32 @!p1 s18, $0x3;
	[sflag:s8] =	ssyncset.done $0x0  }
0xb4: {  	s16 =	sadd.s32 @!p1 s5, s15;
	s17 =	simm.s32 @!p1 $0x0;
	[sflag:s8] =	ssyncadd.s32 $0xFFFFD800  }
0xb5: {  	[tilespmem:s17], [sflag:$0x1] =	stream.linear.gather @!p1 [hbm4b:s16+s17], $0x50, $0x38;
	[tilespmem:$0x1E400] =	vst v63  }
0xb6: {  	s15 =	sadd.s32 @!p1 s6, s15;
	s9 =	rddreg [dreg:$0x5];
	s16 =	simm.s32 @!p1 $0x200  }
0xb7: {  	[tilespmem:s16], [sflag:$0x1] =	stream.linear.gather @!p1 [hbm4b:s15+s17], $0x50, $0x38;
	[tilespmem:$0x1E400] =	vst v63  }
0xb8: {  	s13 =	rddreg [dreg:$0x4];
	s9 =	sadd.s32 @!p1 s14, s9;
	s15 =	simm.s32 @!p1 $0x80  }
0xb9: {  	[tilespmem:s15], [sflag:$0x1] =	stream.linear.gather @!p1 [hbm4b:s9+s17], $0x50, $0x38;
	[tilespmem:$0x1E400] =	vst v63  }
0xba: {  	s16 =	simm.s32 @!p1 $0x280;
	s9 =	sadd.s32 @!p1 s14, s13  }
0xbb: {  	[tilespmem:s16], [sflag:$0x1] =	stream.linear.gather @!p1 [hbm4b:s9+s17], $0x50, $0x38;
	[tilespmem:$0x1E400] =	vst v63  }
0xbc: {  	s12 =	sadd.s32 $0x28, s12;
	_ =	swait.ge [sflag:s0], $0x2800  }
0xbd: {  	p0 =	sne.s32 s12, $0x4D8;
	[sflag:s0] =	ssyncset.done $0x0  }
.Ltmp0:
0xbe: {  	[sflag:s0] =	ssyncadd.s32 $0xFFFFD800;
	(pc) =	sbr.rel @p0 .LBB2_2-.Ltmp0, $4  }
0xbf: {  	_ =	swait.ge [sflag:s0], $0x2800  }
0xc0: {  	[sflag:s0] =	ssyncset.done $0x0  }
0xc1: {  	[sflag:s0] =	ssyncadd.s32 $0xFFFFD800  }
0xc2: {  	[spmem:s3] =	stream.indirect.scatter.add.f32 [tilespmem:s1], [sflag:$0x3], $0x80, s29, s24, $0xb8;
	[tilespmem:$0x1E400] =	vst v63  }
0xc3: {  	[spmem:s3] =	stream.indirect.scatter.add.f32 [tilespmem:s7], [sflag:$0x3], $0x80, s31, s24, $0xb8;
	[tilespmem:$0x1E400] =	vst v63  }
0xc4: {  	_ =	swait.ge [sflag:s8], $0x2800  }
0xc5: {  	[sflag:s8] =	ssyncset.done $0x0  }
0xc6: {  	[sflag:s8] =	ssyncadd.s32 $0xFFFFD800  }
0xc7: {  	_ =	swait.ge [sflag:s8], $0x2800  }
0xc8: {  	[sflag:s8] =	ssyncset.done $0x0  }
0xc9: {  	s9 =	rddreg [dreg:$0x11];
	[sflag:s8] =	ssyncadd.s32 $0xFFFFD800  }
0xca: {  	[tilespmem:s4], [sflag:$0x4] =	stream.linear.gather [hbm4b:s9+s4], $0x50, $0x38;
	[tilespmem:$0x1E400] =	vst v63  }
0xcb: {  	_ =	swait.ge [sflag:s19], $0x50  }
0xcc: {  	[sflag:s19] =	ssyncset.done $0x0  }
0xcd: {  	s16 =	rddreg [dreg:$0x12];
	[sflag:s19] =	ssyncadd.s32 $0xFFFFFFB0  }
0xce: {  	[tilespmem:s20], [sflag:$0x4] =	stream.linear.gather [hbm4b:s16+s4], $0x50, $0x38;
	[tilespmem:$0x1E400] =	vst v63  }
0xcf: {  	_ =	swait.ge [sflag:s19], $0x50  }
0xd0: {  	[sflag:s19] =	ssyncset.done $0x0  }
0xd1: {  	[sflag:s19] =	ssyncadd.s32 $0xFFFFFFB0  }
0xd2: {  	[tilespmem:s25], [sflag:$0x2] =	stream.indirect.gather [hbm4b:s2+s24], $0x80, s4, s24, $0xb8;
	[tilespmem:$0x1E400] =	vst v63  }
0xd3: {  	_ =	swait.ge [sflag:s0], $0x2800  }
0xd4: {  	[sflag:s0] =	ssyncset.done $0x0  }
0xd5: {  	[sflag:s0] =	ssyncadd.s32 $0xFFFFD800  }
0xd6: {  	[spmem:s3] =	stream.indirect.scatter.add.f32 [tilespmem:s25], [sflag:$0x4], $0x80, s20, s24, $0xb8;
	[tilespmem:$0x1E400] =	vst v63  }
0xd7: {  	_ =	swait.ge [sflag:s19], $0x2800  }
0xd8: {  	[sflag:s19] =	ssyncset.done $0x0  }
0xd9: {  	[sflag:s19] =	ssyncadd.s32 $0xFFFFD800  }
0xda: {  	[bflag:$0x0] =	sbarrier.arrive $0xFFFF  }
0xdb: {  	s12 =	rddreg [dreg:$0xc]  }
0xdc: {  	s17 =	rddreg [dreg:$0x13]  }
0xdd: {  	[hbm:s17], [sflag:s12] =	dma.local [spmem:s11], $0x2800  }
0xde: {  	_ =	swait.ge [sflag:s19], $0x2800  }
0xdf: {  	s10 =	sadd.s32 $0x1, s10;
	s18 =	rddreg [dreg:$0x14]  }
0xe0: {  	p0 =	sne.s32 s10, s18  }
.Ltmp1:
0xe1: {  	_ = 	snop;
	(pc) =	sbr.rel @p0 .LBB2_1-.Ltmp1, $3  }
0xe2: {  	_ =	sdelay $0x1  }
0xe3: {  	[sflag:s19] =	ssyncset.done $0x0  }
0xe4: {  	[sflag:s19] =	ssyncadd.s32 $0xFFFFD800  }
0xe5: {  	_ =	sfence.sel $0x180000  }
0xe6: {  	[bflag:$0x0] =	sbarrier.arrive $0xFFFF  }
0xe7: {  	_ =	strace $0x9000004A  }
0xe8: {  	s0 =	stileid.u32;
	[bflag:$0x2] =	sbarrier.arrive $0xFFFF  }
0xe9: {  	p0 =	sne.s32 s0, $0x0;
	s0 =	rddreg [dreg:$0x3]  }
0xea: {  	s0 =	sadd.s32 @!p0 $0x100000, s0  }
0xeb: {  	[sflag:s0] =	ssyncadd.tile.s32 @!p0 $0x1;
	_ =	shalt  }
.Lfunc_end2:
_tile_overlayer_lowered:
.L_overlay_start_2:
0xec: {  	(tag) =	ssettag $0x2  }
0xed: {  	s0 =	rddreg [dreg:$0x0];
	s2 =	stileid.u32  }
0xee: {  	s1 =	rddreg [dreg:$0x1];
	p0 =	sne.s32 s2, $0x0  }
0xef: {  	s3 =	rddreg [dreg:$0x2];
	[bflag:$0x3] =	sbarrier.arrive $0xFFFF;
	s2 =	simm.s32 @!p0 $0x1C04  }
0xf0: {  	[timem:s3], [sflag:s2] =	dma.local @!p0 [hbm:s0], s1  }
0xf1: {  	s0 =	simm.s32 @!p0 $0x4  }
0xf2: {  	_ =	swait.ge @!p0 [sflag:s0], s1  }
0xf3: {  	s1 =	ssub.s32 @!p0 $0x0, s1;
	[sflag:s0] =	ssyncset.done @!p0 $0x0  }
0xf4: {  	[sflag:s0] =	ssyncadd.s32 @!p0 s1  }
0xf5: {  	[bflag:$0x3] =	sbarrier.arrive $0xFFFF  }
0xf6: {  	_ =	shalt  }

// kernel: kernel.15.cloned.1.call-start
scs
__scs_entry_jumppad:
0x0: {  	(pc) =	sbr.rel $0x88, $3  }
0x1: {  	(tag) =	ssettag $0x0;
	lr =	simm.s32 $0x1  }
0x2: {  	[smem:$0x3F9B] =	sst lr;
	_ =	strace $0xD0000000  }
0x3: {  	_ = 	snop  }
0x4: {  	_ = 	snop  }
0x5: {  	_ = 	snop  }
0x6: {  	_ = 	snop  }
0x7: {  	_ = 	snop  }
__scs_overlays_trampoline_lowered:
0x8: {  	[smem:$0x3FAA] =	sst s0  }
0x9: {  	[smem:$0x3FAB] =	sst s1  }
0xa: {  	[smem:$0x3FAC] =	sst s2  }
0xb: {  	[smem:$0x3FAD] =	sst s3  }
0xc: {  	[smem:$0x3FAE] =	sst s4  }
0xd: {  	[smem:$0x3FAF] =	sst s5  }
0xe: {  	[smem:$0x3FB0] =	sst s6  }
0xf: {  	[smem:$0x3FB1] =	sst s7  }
0x10: {  	[smem:$0x3FB2] =	sst s8  }
0x11: {  	[smem:$0x3FB3] =	sst s9;
	s0 =	simm.s32 @!p0 $0x0  }
0x12: {  	s1 =	sld [smem:$0x3F99];
	s0 =	simm.s32 @p0 $0x1  }
0x13: {  	[smem:$0x3FB4] =	sst s0;
	s0 =	simm.s32 @!p1 $0x0  }
0x14: {  	s2 =	sld [smem:$0x3F98];
	s0 =	simm.s32 @p1 $0x1  }
0x15: {  	[smem:$0x3FB5] =	sst s0;
	s0 =	simm.s32 @!p2 $0x0  }
0x16: {  	s3 =	sld [smem:$0x3FDB];
	s0 =	simm.s32 @p2 $0x1  }
0x17: {  	s4 =	simm.s32 $0x1BF5;
	[smem:$0x3FB7] =	sst s0  }
0x18: {  	s0 =	sld [smem:$0x3F9A];
	_ =	swait.ge [sflag:s4], $0x0  }
0x19: {  	s7 =	sld [smem:$0x3F9B]  }
0x1a: {  	s8 =	sadd.s32 $0xFFFFE003, lr  }
0x1b: {  	s9 =	sadd.s32 $0xFFFFFEF7, lr;
	s5 =	simm.s32 $0xFFFFFFFF;
	p2 =	slt.u32 s8, $0xFFFFF086  }
0x1c: {  	p1 =	slt.u32 s9, $0xF7A;
	s5 =	simm.s32 @!p2 $0x0  }
0x1d: {  	s5 =	simm.s32 @p1 $0x1;
	p0 =	seq.s32 s7, s2  }
0x1e: {  	s7 =	smul.u32 @!p0 $0xF7A, s2;
	p2 =	seq.s32 @!p0 s5, $0x0  }
0x1f: {  	s9 =	smul.u32 $0xF7A, s1;
	s8 =	simm.s32 @!p0 $0x1BF5;
	p2 =	por !p2, p0  }
0x20: {  	[sflag:s8] =	ssyncset.s32 @!p0 $0xFFFFF086;
	s6 =	sadd.s32 @!p0 s3, s7;
	s7 =	simm.s32 @!p0 $0x108  }
0x21: {  	s3 =	sadd.s32 s3, s9;
	s6 =	sadd.s32 @!p0 $0x88, s6;
	s7 =	simm.s32 @p2 $0x1082  }
0x22: {  	[simem:s7], [sflag:s8] =	dma.local @!p0 [hbm:s6], $0xF7A  }
0x23: {  	s9 =	sor.u32 $0xD0000000, s2;
	s6 =	simm.s32 $0x108;
	_ =	swait.ge @!p0 [sflag:s8], $0x0  }
0x24: {  	s3 =	sadd.s32 $0x88, s3;
	s6 =	simm.s32 @!p1 $0x1082;
	[sflag:s4] =	ssyncset.s32 $0xFFFFF086  }
0x25: {  	[simem:s6], [sflag:s4] =	dma.local [hbm:s3], $0xF7A  }
0x26: {  	[smem:$0x3F9B] =	sst s1;
	(tag) =	ssettag s2;
	_ =	strace s9  }
0x27: {  	s1 =	sld [smem:$0x3FAB]  }
0x28: {  	s2 =	sld [smem:$0x3FAC]  }
0x29: {  	s4 =	sld [smem:$0x3FAE]  }
0x2a: {  	p0 =	seq.s32 s5, $0x0;
	s5 =	sld [smem:$0x3FAF]  }
0x2b: {  	s6 =	sld [smem:$0x3FB0]  }
0x2c: {  	s7 =	sld [smem:$0x3FB1]  }
0x2d: {  	s3 =	simm.s32 $0x108;
	s8 =	sld [smem:$0x3FB2]  }
0x2e: {  	s3 =	simm.s32 @!p0 $0x1082;
	s9 =	sld [smem:$0x3FB3]  }
0x2f: {  	lr =	sadd.s32 s0, s3;
	s0 =	sld [smem:$0x3FAA]  }
0x30: {  	s3 =	sld [smem:$0x3FAD]  }
0x31: {  	[smem:$0x3FB6] =	sst s10  }
0x32: {  	s10 =	sld [smem:$0x3FB4];
	_ =	sdelay $0x3  }
0x33: {  	p0 =	seq.s32 s10, $0x1;
	s10 =	sld [smem:$0x3FB6];
	_ =	sdelay $0x3  }
0x34: {  	[smem:$0x3FB6] =	sst s10  }
0x35: {  	s10 =	sld [smem:$0x3FB5];
	_ =	sdelay $0x3  }
0x36: {  	p1 =	seq.s32 s10, $0x1;
	s10 =	sld [smem:$0x3FB6];
	_ =	sdelay $0x3  }
0x37: {  	[smem:$0x3FB6] =	sst s10  }
0x38: {  	s10 =	sld [smem:$0x3FB7]  }
0x39: {  	_ = 	snop;
	(pc) =	sbr.ind lr, $3  }
0x3a: {  	_ = 	snop  }
0x3b: {  	_ = 	snop  }
0x3c: {  	p2 =	seq.s32 s10, $0x1;
	s10 =	sld [smem:$0x3FB6]  }
0x3d: {  	_ =	shalt  }
0x3e: {  	_ =	shalt  }
0x3f: {  	_ =	shalt  }
0x40: {  	_ =	shalt  }
0x41: {  	_ =	shalt  }
0x42: {  	_ =	shalt  }
0x43: {  	_ =	shalt  }
0x44: {  	_ =	shalt  }
0x45: {  	_ =	shalt  }
0x46: {  	_ =	shalt  }
0x47: {  	_ =	shalt  }
0x48: {  	_ =	shalt  }
0x49: {  	_ =	shalt  }
0x4a: {  	_ =	shalt  }
0x4b: {  	_ =	shalt  }
0x4c: {  	_ =	shalt  }
0x4d: {  	_ =	shalt  }
0x4e: {  	_ =	shalt  }
0x4f: {  	_ =	shalt  }
0x50: {  	_ =	shalt  }
0x51: {  	_ =	shalt  }
0x52: {  	_ =	shalt  }
0x53: {  	_ =	shalt  }
0x54: {  	_ =	shalt  }
0x55: {  	_ =	shalt  }
0x56: {  	_ =	shalt  }
0x57: {  	_ =	shalt  }
0x58: {  	_ =	shalt  }
0x59: {  	_ =	shalt  }
0x5a: {  	_ =	shalt  }
0x5b: {  	_ =	shalt  }
0x5c: {  	_ =	shalt  }
0x5d: {  	_ =	shalt  }
0x5e: {  	_ =	shalt  }
0x5f: {  	_ =	shalt  }
0x60: {  	_ =	shalt  }
0x61: {  	_ =	shalt  }
0x62: {  	_ =	shalt  }
0x63: {  	_ =	shalt  }
0x64: {  	_ =	shalt  }
0x65: {  	_ =	shalt  }
0x66: {  	_ =	shalt  }
0x67: {  	_ =	shalt  }
0x68: {  	_ =	shalt  }
0x69: {  	_ =	shalt  }
0x6a: {  	_ =	shalt  }
0x6b: {  	_ =	shalt  }
0x6c: {  	_ =	shalt  }
0x6d: {  	_ =	shalt  }
0x6e: {  	_ =	shalt  }
0x6f: {  	_ =	shalt  }
0x70: {  	_ =	shalt  }
0x71: {  	_ =	shalt  }
0x72: {  	_ =	shalt  }
0x73: {  	_ =	shalt  }
0x74: {  	_ =	shalt  }
0x75: {  	_ =	shalt  }
0x76: {  	_ =	shalt  }
0x77: {  	_ =	shalt  }
0x78: {  	_ =	shalt  }
0x79: {  	_ =	shalt  }
0x7a: {  	_ =	shalt  }
0x7b: {  	_ =	shalt  }
0x7c: {  	_ =	shalt  }
0x7d: {  	_ =	shalt  }
0x7e: {  	_ =	shalt  }
0x7f: {  	_ =	shalt  }
0x80: {  	_ =	shalt  }
0x81: {  	_ =	shalt  }
0x82: {  	_ =	shalt  }
0x83: {  	_ =	shalt  }
0x84: {  	_ =	shalt  }
0x85: {  	_ =	shalt  }
0x86: {  	_ =	shalt  }
0x87: {  	_ =	shalt  }
.Lfunc_end0:
.L_simem_size_0:
called_computation.2_lowered:
.L_overlay_start_0:
0x88: {  	s2 =	sld [smem:$0x3FD9]  }
0x89: {  	s3 =	sld [smem:$0x3FFE];
	_ =	sdelay $0x1  }
0x8a: {  	s1 =	srdreg.scid  }
0x8b: {  	s0 =	sand.u32 $0x1, s1  }
0x8c: {  	s17 =	sshll.u32 s0, $0xA;
	s2 =	sadd.s32 s3, s2  }
0x8d: {  	s2 =	sadd.s32 s2, s17  }
0x8e: {  	[smem:$0x3FC2] =	sst s2  }
0x8f: {  	_ = 	snop  }
0x90: {  	s2 =	sld [smem:$0x3FD0];
	(tm) =	ssettm $0x1  }
0x91: {  	s18 =	sld [smem:$0x3FFB];
	_ =	sdelay $0x3  }
0x92: {  	_ =	strace s18  }
0x93: {  	s3 =	sld [smem:$0x3FFC];
	_ =	sdelay $0x3  }
0x94: {  	_ =	strace s3  }
0x95: {  	s3 =	sld [smem:$0x3FFD];
	_ =	sdelay $0x3  }
0x96: {  	_ =	strace s3  }
0x97: {  	_ =	strace $0x8FFFFFFF  }
0x98: {  	s19 =	sld [smem:$0x3FDB];
	_ =	sdelay $0x1  }
0x99: {  	s4 =	simm.s32 $_scs_section_size  }
0x9a: {  	s5 =	simm.s32 $_size__tile_overlayer_lowered;
	s6 =	simm.s32 $_tile_overlayer_lowered  }
0x9b: {  	s22 =	simm.s32 $0x1BFF;
	s21 =	sshll.u32 s6, $0x1;
	s3 =	sadd.s32 s4, s19  }
0x9c: {  	s7 =	simm.s32 $0x0;
	s20 =	sshll.u32 s5, $0x1;
	s5 =	sadd.s32 s21, s3  }
0x9d: {  	[timem:s7], [sflag:s22] =	dma.local [hbm:s5], s20  }
0x9e: {  	_ =	swait.ge [sflag:s22], s20  }
0x9f: {  	s4 =	ssub.s32 $0x0, s20;
	[sflag:s22] =	ssyncset.done $0x0  }
0xa0: {  	[sflag:s22] =	ssyncadd.s32 s4;
	_ =	sdelay $0x1  }
0xa1: {  	s23 =	simm.s32 $0x1B8B  }
0xa2: {  	_ =	swait.ge [sflag:s23], $0x1  }
0xa3: {  	[sflag:s23] =	ssyncset.done $0x0  }
0xa4: {  	s25 =	simm.s32 $0x1B8E;
	s24 =	sld [smem:$0x3FFE];
	[sflag:s23] =	ssyncadd.s32 $0xFFFFFFFF  }
0xa5: {  	s26 =	simm.s32 $execute0_lowered;
	[smem:$0x3FD2] =	sst s25  }
0xa6: {  	s5 =	sshll.u32 s26, $0x1;
	_ =	strace $0x8000004C;
	[dreg:$0x1] =	wrdreg $0xFFFFFFFF  }
0xa7: {  	s28 =	simm.s32 $_size_execute0_lowered;
	s3 =	sadd.s32 s3, s5;
	[dreg:$0x0] =	wrdreg $0x0  }
0xa8: {  	s5 =	sshll.u32 s28, $0x1;
	[dreg:$0x2] =	wrdreg s3  }
0xa9: {  	[dreg:$0x3] =	wrdreg s5  }
0xaa: {  	[dreg:$0x4] =	wrdreg $0xC0  }
0xab: {  	_ =	task [dreg:s7], $0x5FFFF  }
0xac: {  	[dreg:$0x1] =	wrdreg $0xFFFFFFFF  }
0xad: {  	[dreg:$0x0] =	wrdreg $0x60  }
0xae: {  	[dreg:$0x2] =	wrdreg s24  }
0xaf: {  	[dreg:$0x3] =	wrdreg s2  }
0xb0: {  	[dreg:$0x4] =	wrdreg $0xA4000  }
0xb1: {  	[dreg:$0x5] =	wrdreg $0x9  }
0xb2: {  	_ =	task.clear_ibuf [dreg:s7], $0x6FFFF;
	_ =	strace $0x9000004C  }
0xb3: {  	s29 =	simm.s32 $0x9;
	_ =	strace $0x8000004E  }
0xb4: {  	_ =	swait.ge [sflag:s29], $0x1  }
0xb5: {  	[sflag:s29] =	ssyncadd.s32 $0xFFFFFFFF  }
0xb6: {  	_ =	strace $0x9000004E  }
0xb7: {  	_ =	sfence  }
0xb8: {  	s30 =	sld [smem:$0x0];
	_ =	sdelay $0x2  }
0xb9: {  	s31 =	sshll.u32 s1, $0xD;
	s1 =	sshrl.u32 s1, $0x2  }
0xba: {  	s3 =	sand.u32 $0x4000, s31;
	s1 =	sadd.s32 s1, s30  }
0xbb: {  	s0 =	sor.u32 s3, s0;
	s1 =	sshll.u32 s1, $0x11  }
0xbc: {  	s0 =	sor.u32 s1, s0  }
0xbd: {  	s0 =	sadd.s32 $0x8F2B, s0  }
0xbe: {  	[sflag:s0] =	ssyncadd.remote.s32 $0x1  }
0xbf: {  	_ =	sfence.sel $0xFFFF  }
0xc0: {  	[dreg:$0x0] =	wrdreg $0xFFFFFFFF;
	(pc) =	sbr.abs _section_cstart, $3  }
0xc1: {  	[dreg:$0x1] =	wrdreg $0xFFFFFFFF  }
0xc2: {  	_ =	task.clear_ibuf [dreg:s7], $0x2FFFF;
	_ =	strace $0x9FFFFFFF  }
0xc3: {  	(tm) =	ssettm $0x7FFFFFFF  }
tec
execute0_lowered:
.L_overlay_start_1:
0x0: {  	(tag) =	ssettag $0x1  }
0x1: {  	s0 =	rddreg [dreg:$0x0]  }
0x2: {  	s2 =	rddreg [dreg:$0x1]  }
0x3: {  	s3 =	rddreg [dreg:$0x2]  }
0x4: {  	s12 =	stileid.u32;
	s1 =	srdreg.scid  }
0x5: {  	s4 =	simm.s32 $0x0;
	s28 =	simm.s32 $0x100;
	s29 =	simm.s32 $0x300  }
0x6: {  	s30 =	simm.s32 $0x180;
	s31 =	simm.s32 $0x380;
	s6 =	smul.u32 $0x14000, s12  }
0x7: {  	s1 =	sand.u32 $0x1, s1;
	[smem:$0x7FF] =	sst s4;
	s10 =	smul.u32 $0x50000, s12  }
0x8: {  	s5 =	sadd.s32 $0xBC00, s0;
	s11 =	sshll.u32 s12, $0x1;
	s21 =	smul.u32 $0x4E20, s12  }
0x9: {  	s22 =	sshll.u32 s12, $0x6;
	s7 =	smul.u32 $0x140000, s1;
	_ =	strace $0x8000004D  }
0xa: {  	s9 =	ssub.s32 $0x2, s1;
	s11 =	sor.u32 s1, s11;
	s1 =	smul.u32 $0x2710, s1  }
0xb: {  	s12 =	sor.u32 $0x1C04, s22;
	s8 =	sshrl.u32 s6, $0x3;
	s18 =	sshrl.u32 s9, $0x1  }
0xc: {  	s19 =	sshrl.u32 s10, $0x2;
	s20 =	smul.u32 $0x2710, s11;
	[dreg:$0xc] =	wrdreg s12  }
0xd: {  	s7 =	sadd.s32 s6, s7;
	s6 =	sadd.s32 $0x1E00, s0;
	s8 =	sadd.s32 s8, s0  }
0xe: {  	s1 =	sadd.s32 s1, s21;
	s7 =	sshrl.u32 s7, $0x3;
	s8 =	sadd.s32 $0x15A00, s8  }
0xf: {  	s10 =	sshrl.u32 s20, $0x3;
	s14 =	sadd.s32 $0x190, s1;
	s0 =	sadd.s32 s7, s0  }
0x10: {  	s7 =	ssub.s32 s9, s18;
	s9 =	sadd.s32 s19, s3;
	[dreg:$0xb] =	wrdreg s8  }
0x11: {  	s22 =	sadd.s32 $0xA0, s1;
	s23 =	sadd.s32 s5, s10;
	[dreg:$0xa] =	wrdreg s9  }
0x12: {  	s24 =	sadd.s32 $0xA, s10;
	s25 =	sadd.s32 s6, s10;
	[dreg:$0xd] =	wrdreg s23  }
0x13: {  	s18 =	sadd.s32 $0xF0, s1;
	s1 =	sadd.s32 $0x140, s1;
	[dreg:$0xe] =	wrdreg s25  }
0x14: {  	s13 =	sadd.s32 $0x4D8, s10;
	s26 =	sadd.s32 s5, s24;
	[dreg:$0x15] =	wrdreg s1  }
0x15: {  	s16 =	sshrl.u32 s14, $0x3;
	s11 =	sadd.s32 s6, s24;
	[dreg:$0xf] =	wrdreg s26  }
0x16: {  	s10 =	simm.s32 $0x0;
	s15 =	sadd.s32 s5, s13;
	[dreg:$0x10] =	wrdreg s11  }
0x17: {  	s8 =	sadd.s32 s6, s13;
	s0 =	sadd.s32 $0x3DA00, s0;
	[dreg:$0x11] =	wrdreg s15  }
0x18: {  	s17 =	sadd.s32 s16, s6;
	s19 =	sadd.s32 s16, s5;
	[dreg:$0x12] =	wrdreg s8  }
0x19: {  	s20 =	sshrl.u32 s18, $0x3;
	s24 =	sshrl.u32 s22, $0x3;
	[dreg:$0x13] =	wrdreg s0  }
0x1a: {  	s7 =	smax.u32 s7, $0x1;
	s22 =	simm.s32 $0x280;
	[dreg:$0x4] =	wrdreg s17  }
0x1b: {  	s1 =	simm.s32 $0x5400;
	[dreg:$0x5] =	wrdreg s19;
	s21 =	sadd.s32 s20, s6  }
0x1c: {  	s23 =	sadd.s32 s20, s5;
	[dreg:$0x14] =	wrdreg s7;
	s25 =	sadd.s32 s24, s6  }
0x1d: {  	s26 =	sadd.s32 s24, s5;
	s19 =	simm.s32 $0x4;
	[dreg:$0x6] =	wrdreg s21  }
0x1e: {  	s20 =	simm.s32 $0x200;
	s24 =	simm.s32 $0x50;
	[dreg:$0x7] =	wrdreg s23  }
0x1f: {  	s0 =	simm.s32 $0x2;
	s7 =	simm.s32 $0x7C00;
	[dreg:$0x8] =	wrdreg s25  }
0x20: {  	s8 =	simm.s32 $0x3;
	[dreg:$0x9] =	wrdreg s26;
	s21 =	simm.s32 $0x80  }
0x21: {  	s23 =	simm.s32 $0x1;
	s25 =	simm.s32 $0x400;
	s26 =	simm.s32 $0x2C00  }
.LBB2_1:
0x22: {  	s9 =	rddreg [dreg:$0xa]  }
0x23: {  	s14 =	rddreg [dreg:$0xb];
	s11 =	sshrl.u32 s9, $0x3  }
0x24: {  	[spmem:s11], [sflag:s12] =	dma.local [hbm:s14], $0x2800  }
0x25: {  	_ =	swait.ge [sflag:s19], $0x2800  }
0x26: {  	[sflag:s19] =	ssyncset.done $0x0  }
0x27: {  	[sflag:s19] =	ssyncadd.s32 $0xFFFFD800  }
0x28: {  	[bflag:$0x0] =	sbarrier.arrive $0xFFFF  }
0x29: {  	s15 =	rddreg [dreg:$0xd]  }
0x2a: {  	[tilespmem:s4], [sflag:$0x1] =	stream.linear.gather [hbm4b:s15+s4], $0x50, $0x38;
	[tilespmem:$0x1E400] =	vst v63  }
0x2b: {  	s16 =	rddreg [dreg:$0xe]  }
0x2c: {  	[tilespmem:s20], [sflag:$0x1] =	stream.linear.gather [hbm4b:s16+s4], $0x50, $0x38;
	[tilespmem:$0x1E400] =	vst v63  }
0x2d: {  	s17 =	rddreg [dreg:$0xf]  }
0x2e: {  	[tilespmem:s21], [sflag:$0x1] =	stream.linear.gather [hbm4b:s17+s4], $0x50, $0x38;
	[tilespmem:$0x1E400] =	vst v63  }
0x2f: {  	s18 =	rddreg [dreg:$0x10]  }
0x30: {  	[tilespmem:s22], [sflag:$0x1] =	stream.linear.gather [hbm4b:s18+s4], $0x50, $0x38;
	[tilespmem:$0x1E400] =	vst v63  }
0x31: {  	_ =	swait.ge [sflag:s23], $0x50  }
0x32: {  	[sflag:s23] =	ssyncset.done $0x0  }
0x33: {  	[sflag:s23] =	ssyncadd.s32 $0xFFFFFFB0  }
0x34: {  	_ =	swait.ge [sflag:s23], $0x50  }
0x35: {  	[sflag:s23] =	ssyncset.done $0x0  }
0x36: {  	[sflag:s23] =	ssyncadd.s32 $0xFFFFFFB0  }
0x37: {  	_ =	swait.ge [sflag:s23], $0x50  }
0x38: {  	[sflag:s23] =	ssyncset.done $0x0  }
0x39: {  	[sflag:s23] =	ssyncadd.s32 $0xFFFFFFB0  }
0x3a: {  	_ =	swait.ge [sflag:s23], $0x50  }
0x3b: {  	[sflag:s23] =	ssyncset.done $0x0  }
0x3c: {  	p0 =	por $0x1, $0x1;
	[sflag:s23] =	ssyncadd.s32 $0xFFFFFFB0  }
0x3d: {  	[tilespmem:s25], [sflag:$0x2] =	stream.indirect.gather [hbm4b:s2+s24], $0x80, s4, s24, $0xb8;
	[tilespmem:$0x1E400] =	vst v63  }
0x3e: {  	s12 =	simm.s32 @!p0 $0x3  }
0x3f: {  	[tilespmem:s26], [sflag:$0x2] =	stream.indirect.gather [hbm4b:s2+s24], $0x80, s21, s24, $0xb8;
	[tilespmem:$0x1E400] =	vst v63  }
0x40: {  	_ =	swait.ge @!p0 [sflag:s12], $0x2800  }
0x41: {  	[sflag:s12] =	ssyncset.done @!p0 $0x0  }
0x42: {  	[sflag:s12] =	ssyncadd.s32 @!p0 $0xFFFFD800  }
0x43: {  	_ =	swait.ge @!p0 [sflag:s12], $0x2800  }
0x44: {  	s14 =	rddreg [dreg:$0x9];
	[sflag:s12] =	ssyncset.done @!p0 $0x0  }
0x45: {  	s18 =	rddreg [dreg:$0x8];
	[sflag:s12] =	ssyncadd.s32 @!p0 $0xFFFFD800;
	s9 =	sadd.s32 $0x0, s14  }
0x46: {  	[tilespmem:s28], [sflag:$0x1] =	stream.linear.gather [hbm4b:s9+s4], $0x50, $0x38;
	[tilespmem:$0x1E400] =	vst v63  }
0x47: {  	s13 =	rddreg [dreg:$0x7];
	s15 =	sadd.s32 $0x0, s18  }
0x48: {  	[tilespmem:s29], [sflag:$0x1] =	stream.linear.gather [hbm4b:s15+s4], $0x50, $0x38;
	[tilespmem:$0x1E400] =	vst v63  }
0x49: {  	s16 =	rddreg [dreg:$0x6];
	s17 =	sadd.s32 $0x0, s13  }
0x4a: {  	[tilespmem:s30], [sflag:$0x1] =	stream.linear.gather [hbm4b:s17+s4], $0x50, $0x38;
	[tilespmem:$0x1E400] =	vst v63  }
0x4b: {  	s18 =	sadd.s32 $0x0, s16  }
0x4c: {  	[tilespmem:s31], [sflag:$0x1] =	stream.linear.gather [hbm4b:s18+s4], $0x50, $0x38;
	[tilespmem:$0x1E400] =	vst v63  }
0x4d: {  	_ =	swait.ge [sflag:s0], $0x2800  }
0x4e: {  	[sflag:s0] =	ssyncset.done $0x0  }
0x4f: {  	[sflag:s0] =	ssyncadd.s32 $0xFFFFD800  }
0x50: {  	_ =	swait.ge [sflag:s0], $0x2800  }
0x51: {  	[sflag:s0] =	ssyncset.done $0x0  }
0x52: {  	[sflag:s0] =	ssyncadd.s32 $0xFFFFD800  }
0x53: {  	[spmem:s3] =	stream.indirect.scatter.add.f32 [tilespmem:s25], [sflag:$0x3], $0x80, s20, s24, $0xb8;
	[tilespmem:$0x1E400] =	vst v63  }
0x54: {  	_ = 	snop  }
0x55: {  	[spmem:s3] =	stream.indirect.scatter.add.f32 [tilespmem:s26], [sflag:$0x3], $0x80, s22, s24, $0xb8;
	[tilespmem:$0x1E400] =	vst v63  }
0x56: {  	_ =	swait.ge [sflag:s23], $0x50  }
0x57: {  	[sflag:s23] =	ssyncset.done $0x0  }
0x58: {  	[sflag:s23] =	ssyncadd.s32 $0xFFFFFFB0  }
0x59: {  	_ =	swait.ge [sflag:s23], $0x50  }
0x5a: {  	[sflag:s23] =	ssyncset.done $0x0  }
0x5b: {  	[sflag:s23] =	ssyncadd.s32 $0xFFFFFFB0  }
0x5c: {  	_ =	swait.ge [sflag:s23], $0x50  }
0x5d: {  	[sflag:s23] =	ssyncset.done $0x0  }
0x5e: {  	[sflag:s23] =	ssyncadd.s32 $0xFFFFFFB0  }
0x5f: {  	_ =	swait.ge [sflag:s23], $0x50  }
0x60: {  	[sflag:s23] =	ssyncset.done $0x0  }
0x61: {  	[sflag:s23] =	ssyncadd.s32 $0xFFFFFFB0  }
0x62: {  	[tilespmem:s1], [sflag:$0x2] =	stream.indirect.gather [hbm4b:s2+s24], $0x80, s28, s24, $0xb8;
	[tilespmem:$0x1E400] =	vst v63  }
0x63: {  	_ = 	snop  }
0x64: {  	[tilespmem:s7], [sflag:$0x2] =	stream.indirect.gather [hbm4b:s2+s24], $0x80, s30, s24, $0xb8;
	[tilespmem:$0x1E400] =	vst v63  }
0x65: {  	_ =	swait.ge [sflag:s8], $0x2800  }
0x66: {  	[sflag:s8] =	ssyncset.done $0x0  }
0x67: {  	[sflag:s8] =	ssyncadd.s32 $0xFFFFD800  }
0x68: {  	_ =	swait.ge [sflag:s8], $0x2800  }
0x69: {  	p0 =	por $0x0, $0x0;
	s9 =	rddreg [dreg:$0x15]  }
0x6a: {  	[sflag:s8] =	ssyncset.done $0x0;
	s12 =	sshrl.u32 @!p0 s9, $0x3  }
0x6b: {  	s18 =	simm.s32 @!p0 $0x0;
	[sflag:s8] =	ssyncadd.s32 $0xFFFFD800;
	s14 =	sadd.s32 @!p0 s5, s12  }
0x6c: {  	[tilespmem:s18], [sflag:$0x1] =	stream.linear.gather @!p0 [hbm4b:s14+s18], $0x50, $0x38;
	[tilespmem:$0x1E400] =	vst v63  }
0x6d: {  	s15 =	simm.s32 @!p0 $0x200;
	s12 =	sadd.s32 @!p0 s6, s12;
	s14 =	rddreg [dreg:$0x5]  }
0x6e: {  	[tilespmem:s15], [sflag:$0x1] =	stream.linear.gather @!p0 [hbm4b:s12+s18], $0x50, $0x38;
	[tilespmem:$0x1E400] =	vst v63  }
0x6f: {  	s14 =	sadd.s32 @!p0 $0x0, s14;
	s12 =	rddreg [dreg:$0x4];
	s15 =	simm.s32 @!p0 $0x80  }
0x70: {  	[tilespmem:s15], [sflag:$0x1] =	stream.linear.gather @!p0 [hbm4b:s14+s18], $0x50, $0x38;
	[tilespmem:$0x1E400] =	vst v63  }
0x71: {  	s12 =	sadd.s32 @!p0 $0x0, s12;
	s14 =	simm.s32 @!p0 $0x280  }
0x72: {  	[tilespmem:s14], [sflag:$0x1] =	stream.linear.gather @!p0 [hbm4b:s12+s18], $0x50, $0x38;
	[tilespmem:$0x1E400] =	vst v63  }
0x73: {  	_ =	swait.ge [sflag:s0], $0x2800  }
0x74: {  	[sflag:s0] =	ssyncset.done $0x0  }
0x75: {  	[sflag:s0] =	ssyncadd.s32 $0xFFFFD800  }
0x76: {  	_ =	swait.ge [sflag:s0], $0x2800  }
0x77: {  	[sflag:s0] =	ssyncset.done $0x0  }
0x78: {  	s12 =	simm.s32 $0x28;
	s18 =	smov.u32 s9;
	[sflag:s0] =	ssyncadd.s32 $0xFFFFD800  }
0x79: {  	[spmem:s3] =	stream.indirect.scatter.add.f32 [tilespmem:s1], [sflag:$0x3], $0x80, s29, s24, $0xb8;
	[tilespmem:$0x1E400] =	vst v63  }
.LBB2_2:
0x7a: {  	[spmem:s3] =	stream.indirect.scatter.add.f32 [tilespmem:s7], [sflag:$0x3], $0x80, s31, s24, $0xb8;
	[tilespmem:$0x1E400] =	vst v63  }
0x7b: {  	_ =	swait.ge [sflag:s23], $0x50  }
0x7c: {  	[sflag:s23] =	ssyncset.done $0x0  }
0x7d: {  	[sflag:s23] =	ssyncadd.s32 $0xFFFFFFB0  }
0x7e: {  	_ =	swait.ge [sflag:s23], $0x50  }
0x7f: {  	[sflag:s23] =	ssyncset.done $0x0  }
0x80: {  	[sflag:s23] =	ssyncadd.s32 $0xFFFFFFB0  }
0x81: {  	_ =	swait.ge [sflag:s23], $0x50  }
0x82: {  	[sflag:s23] =	ssyncset.done $0x0  }
0x83: {  	[sflag:s23] =	ssyncadd.s32 $0xFFFFFFB0  }
0x84: {  	_ =	swait.ge [sflag:s23], $0x50  }
0x85: {  	s14 =	smov.u32 s12;
	[sflag:s23] =	ssyncset.done $0x0  }
0x86: {  	p1 =	seq.s32 s14, $0x0;
	[sflag:s23] =	ssyncadd.s32 $0xFFFFFFB0  }
0x87: {  	[tilespmem:s25], [sflag:$0x2] =	stream.indirect.gather [hbm4b:s2+s24], $0x80, s4, s24, $0xb8;
	[tilespmem:$0x1E400] =	vst v63  }
0x88: {  	s15 =	simm.s32 @!p1 $0x3  }
0x89: {  	[tilespmem:s26], [sflag:$0x2] =	stream.indirect.gather [hbm4b:s2+s24], $0x80, s21, s24, $0xb8;
	[tilespmem:$0x1E400] =	vst v63  }
0x8a: {  	_ =	swait.ge @!p1 [sflag:s15], $0x2800  }
0x8b: {  	[sflag:s15] =	ssyncset.done @!p1 $0x0  }
0x8c: {  	[sflag:s15] =	ssyncadd.s32 @!p1 $0xFFFFD800  }
0x8d: {  	_ =	swait.ge @!p1 [sflag:s15], $0x2800  }
0x8e: {  	s16 =	rddreg [dreg:$0x9];
	[sflag:s15] =	ssyncset.done @!p1 $0x0  }
0x8f: {  	s17 =	rddreg [dreg:$0x8];
	[sflag:s15] =	ssyncadd.s32 @!p1 $0xFFFFD800;
	s13 =	sadd.s32 s14, s16  }
0x90: {  	[tilespmem:s28], [sflag:$0x1] =	stream.linear.gather [hbm4b:s13+s4], $0x50, $0x38;
	[tilespmem:$0x1E400] =	vst v63  }
0x91: {  	s16 =	rddreg [dreg:$0x7];
	s9 =	sadd.s32 s14, s17  }
0x92: {  	[tilespmem:s29], [sflag:$0x1] =	stream.linear.gather [hbm4b:s9+s4], $0x50, $0x38;
	[tilespmem:$0x1E400] =	vst v63  }
0x93: {  	s13 =	rddreg [dreg:$0x6];
	s16 =	sadd.s32 s14, s16  }
0x94: {  	[tilespmem:s30], [sflag:$0x1] =	stream.linear.gather [hbm4b:s16+s4], $0x50, $0x38;
	[tilespmem:$0x1E400] =	vst v63  }
0x95: {  	s17 =	sadd.s32 s14, s13  }
0x96: {  	[tilespmem:s31], [sflag:$0x1] =	stream.linear.gather [hbm4b:s17+s4], $0x50, $0x38;
	[tilespmem:$0x1E400] =	vst v63  }
0x97: {  	_ =	swait.ge [sflag:s0], $0x2800  }
0x98: {  	[sflag:s0] =	ssyncset.done $0x0  }
0x99: {  	[sflag:s0] =	ssyncadd.s32 $0xFFFFD800  }
0x9a: {  	_ =	swait.ge [sflag:s0], $0x2800  }
0x9b: {  	[sflag:s0] =	ssyncset.done $0x0  }
0x9c: {  	[sflag:s0] =	ssyncadd.s32 $0xFFFFD800  }
0x9d: {  	[spmem:s3] =	stream.indirect.scatter.add.f32 [tilespmem:s25], [sflag:$0x3], $0x80, s20, s24, $0xb8;
	[tilespmem:$0x1E400] =	vst v63  }
0x9e: {  	_ = 	snop  }
0x9f: {  	[spmem:s3] =	stream.indirect.scatter.add.f32 [tilespmem:s26], [sflag:$0x3], $0x80, s22, s24, $0xb8;
	[tilespmem:$0x1E400] =	vst v63  }
0xa0: {  	_ =	swait.ge [sflag:s23], $0x50  }
0xa1: {  	[sflag:s23] =	ssyncset.done $0x0  }
0xa2: {  	[sflag:s23] =	ssyncadd.s32 $0xFFFFFFB0  }
0xa3: {  	_ =	swait.ge [sflag:s23], $0x50  }
0xa4: {  	[sflag:s23] =	ssyncset.done $0x0  }
0xa5: {  	[sflag:s23] =	ssyncadd.s32 $0xFFFFFFB0  }
0xa6: {  	_ =	swait.ge [sflag:s23], $0x50  }
0xa7: {  	[sflag:s23] =	ssyncset.done $0x0  }
0xa8: {  	[sflag:s23] =	ssyncadd.s32 $0xFFFFFFB0  }
0xa9: {  	_ =	swait.ge [sflag:s23], $0x50  }
0xaa: {  	[sflag:s23] =	ssyncset.done $0x0  }
0xab: {  	[sflag:s23] =	ssyncadd.s32 $0xFFFFFFB0  }
0xac: {  	[tilespmem:s1], [sflag:$0x2] =	stream.indirect.gather [hbm4b:s2+s24], $0x80, s28, s24, $0xb8;
	[tilespmem:$0x1E400] =	vst v63  }
0xad: {  	_ = 	snop  }
0xae: {  	[tilespmem:s7], [sflag:$0x2] =	stream.indirect.gather [hbm4b:s2+s24], $0x80, s30, s24, $0xb8;
	[tilespmem:$0x1E400] =	vst v63  }
0xaf: {  	_ =	swait.ge [sflag:s8], $0x2800  }
0xb0: {  	[sflag:s8] =	ssyncset.done $0x0  }
0xb1: {  	[sflag:s8] =	ssyncadd.s32 $0xFFFFD800  }
0xb2: {  	s18 =	sadd.s32 $0x140, s18;
	p1 =	seq.s32 s14, $0x4B0;
	_ =	swait.ge [sflag:s8], $0x2800  }
0xb3: {  	s15 =	sshrl.u32 @!p1 s18, $0x3;
	[sflag:s8] =	ssyncset.done $0x0  }
0xb4: {  	s16 =	sadd.s32 @!p1 s5, s15;
	s17 =	simm.s32 @!p1 $0x0;
	[sflag:s8] =	ssyncadd.s32 $0xFFFFD800  }
0xb5: {  	[tilespmem:s17], [sflag:$0x1] =	stream.linear.gather @!p1 [hbm4b:s16+s17], $0x50, $0x38;
	[tilespmem:$0x1E400] =	vst v63  }
0xb6: {  	s15 =	sadd.s32 @!p1 s6, s15;
	s9 =	rddreg [dreg:$0x5];
	s16 =	simm.s32 @!p1 $0x200  }
0xb7: {  	[tilespmem:s16], [sflag:$0x1] =	stream.linear.gather @!p1 [hbm4b:s15+s17], $0x50, $0x38;
	[tilespmem:$0x1E400] =	vst v63  }
0xb8: {  	s13 =	rddreg [dreg:$0x4];
	s9 =	sadd.s32 @!p1 s14, s9;
	s15 =	simm.s32 @!p1 $0x80  }
0xb9: {  	[tilespmem:s15], [sflag:$0x1] =	stream.linear.gather @!p1 [hbm4b:s9+s17], $0x50, $0x38;
	[tilespmem:$0x1E400] =	vst v63  }
0xba: {  	s16 =	simm.s32 @!p1 $0x280;
	s9 =	sadd.s32 @!p1 s14, s13  }
0xbb: {  	[tilespmem:s16], [sflag:$0x1] =	stream.linear.gather @!p1 [hbm4b:s9+s17], $0x50, $0x38;
	[tilespmem:$0x1E400] =	vst v63  }
0xbc: {  	s12 =	sadd.s32 $0x28, s12;
	_ =	swait.ge [sflag:s0], $0x2800  }
0xbd: {  	p0 =	sne.s32 s12, $0x4D8;
	[sflag:s0] =	ssyncset.done $0x0  }
.Ltmp0:
0xbe: {  	[sflag:s0] =	ssyncadd.s32 $0xFFFFD800;
	(pc) =	sbr.rel @p0 .LBB2_2-.Ltmp0, $4  }
0xbf: {  	_ =	swait.ge [sflag:s0], $0x2800  }
0xc0: {  	[sflag:s0] =	ssyncset.done $0x0  }
0xc1: {  	[sflag:s0] =	ssyncadd.s32 $0xFFFFD800  }
0xc2: {  	[spmem:s3] =	stream.indirect.scatter.add.f32 [tilespmem:s1], [sflag:$0x3], $0x80, s29, s24, $0xb8;
	[tilespmem:$0x1E400] =	vst v63  }
0xc3: {  	[spmem:s3] =	stream.indirect.scatter.add.f32 [tilespmem:s7], [sflag:$0x3], $0x80, s31, s24, $0xb8;
	[tilespmem:$0x1E400] =	vst v63  }
0xc4: {  	_ =	swait.ge [sflag:s8], $0x2800  }
0xc5: {  	[sflag:s8] =	ssyncset.done $0x0  }
0xc6: {  	[sflag:s8] =	ssyncadd.s32 $0xFFFFD800  }
0xc7: {  	_ =	swait.ge [sflag:s8], $0x2800  }
0xc8: {  	[sflag:s8] =	ssyncset.done $0x0  }
0xc9: {  	s9 =	rddreg [dreg:$0x11];
	[sflag:s8] =	ssyncadd.s32 $0xFFFFD800  }
0xca: {  	[tilespmem:s4], [sflag:$0x4] =	stream.linear.gather [hbm4b:s9+s4], $0x50, $0x38;
	[tilespmem:$0x1E400] =	vst v63  }
0xcb: {  	_ =	swait.ge [sflag:s19], $0x50  }
0xcc: {  	[sflag:s19] =	ssyncset.done $0x0  }
0xcd: {  	s16 =	rddreg [dreg:$0x12];
	[sflag:s19] =	ssyncadd.s32 $0xFFFFFFB0  }
0xce: {  	[tilespmem:s20], [sflag:$0x4] =	stream.linear.gather [hbm4b:s16+s4], $0x50, $0x38;
	[tilespmem:$0x1E400] =	vst v63  }
0xcf: {  	_ =	swait.ge [sflag:s19], $0x50  }
0xd0: {  	[sflag:s19] =	ssyncset.done $0x0  }
0xd1: {  	[sflag:s19] =	ssyncadd.s32 $0xFFFFFFB0  }
0xd2: {  	[tilespmem:s25], [sflag:$0x2] =	stream.indirect.gather [hbm4b:s2+s24], $0x80, s4, s24, $0xb8;
	[tilespmem:$0x1E400] =	vst v63  }
0xd3: {  	_ =	swait.ge [sflag:s0], $0x2800  }
0xd4: {  	[sflag:s0] =	ssyncset.done $0x0  }
0xd5: {  	[sflag:s0] =	ssyncadd.s32 $0xFFFFD800  }
0xd6: {  	[spmem:s3] =	stream.indirect.scatter.add.f32 [tilespmem:s25], [sflag:$0x4], $0x80, s20, s24, $0xb8;
	[tilespmem:$0x1E400] =	vst v63  }
0xd7: {  	_ =	swait.ge [sflag:s19], $0x2800  }
0xd8: {  	[sflag:s19] =	ssyncset.done $0x0  }
0xd9: {  	[sflag:s19] =	ssyncadd.s32 $0xFFFFD800  }
0xda: {  	[bflag:$0x0] =	sbarrier.arrive $0xFFFF  }
0xdb: {  	s12 =	rddreg [dreg:$0xc]  }
0xdc: {  	s17 =	rddreg [dreg:$0x13]  }
0xdd: {  	[hbm:s17], [sflag:s12] =	dma.local [spmem:s11], $0x2800  }
0xde: {  	_ =	swait.ge [sflag:s19], $0x2800  }
0xdf: {  	s10 =	sadd.s32 $0x1, s10;
	s18 =	rddreg [dreg:$0x14]  }
0xe0: {  	p0 =	sne.s32 s10, s18  }
.Ltmp1:
0xe1: {  	_ = 	snop;
	(pc) =	sbr.rel @p0 .LBB2_1-.Ltmp1, $3  }
0xe2: {  	_ =	sdelay $0x1  }
0xe3: {  	[sflag:s19] =	ssyncset.done $0x0  }
0xe4: {  	[sflag:s19] =	ssyncadd.s32 $0xFFFFD800  }
0xe5: {  	_ =	sfence.sel $0x180000  }
0xe6: {  	[bflag:$0x0] =	sbarrier.arrive $0xFFFF  }
0xe7: {  	_ =	strace $0x9000004D  }
0xe8: {  	s0 =	stileid.u32;
	[bflag:$0x2] =	sbarrier.arrive $0xFFFF  }
0xe9: {  	p0 =	sne.s32 s0, $0x0;
	s0 =	rddreg [dreg:$0x3]  }
0xea: {  	s0 =	sadd.s32 @!p0 $0x100000, s0  }
0xeb: {  	[sflag:s0] =	ssyncadd.tile.s32 @!p0 $0x1;
	_ =	shalt  }
.Lfunc_end2:
_tile_overlayer_lowered:
.L_overlay_start_2:
0xec: {  	(tag) =	ssettag $0x2  }
0xed: {  	s0 =	rddreg [dreg:$0x0];
	s2 =	stileid.u32  }
0xee: {  	s1 =	rddreg [dreg:$0x1];
	p0 =	sne.s32 s2, $0x0  }
0xef: {  	s3 =	rddreg [dreg:$0x2];
	[bflag:$0x3] =	sbarrier.arrive $0xFFFF;
	s2 =	simm.s32 @!p0 $0x1C04  }
0xf0: {  	[timem:s3], [sflag:s2] =	dma.local @!p0 [hbm:s0], s1  }
0xf1: {  	s0 =	simm.s32 @!p0 $0x4  }
0xf2: {  	_ =	swait.ge @!p0 [sflag:s0], s1  }
0xf3: {  	s1 =	ssub.s32 @!p0 $0x0, s1;
	[sflag:s0] =	ssyncset.done @!p0 $0x0  }
0xf4: {  	[sflag:s0] =	ssyncadd.s32 @!p0 s1  }
0xf5: {  	[bflag:$0x3] =	sbarrier.arrive $0xFFFF  }
0xf6: {  	_ =	shalt  }

// kernel: kernel.9.cloned.1.call-start
scs
__scs_entry_jumppad:
0x0: {  	(pc) =	sbr.rel $0x88, $3  }
0x1: {  	(tag) =	ssettag $0x0;
	lr =	simm.s32 $0x1  }
0x2: {  	[smem:$0x3F9B] =	sst lr;
	_ =	strace $0xD0000000  }
0x3: {  	_ = 	snop  }
0x4: {  	_ = 	snop  }
0x5: {  	_ = 	snop  }
0x6: {  	_ = 	snop  }
0x7: {  	_ = 	snop  }
__scs_overlays_trampoline_lowered:
0x8: {  	[smem:$0x3FAA] =	sst s0  }
0x9: {  	[smem:$0x3FAB] =	sst s1  }
0xa: {  	[smem:$0x3FAC] =	sst s2  }
0xb: {  	[smem:$0x3FAD] =	sst s3  }
0xc: {  	[smem:$0x3FAE] =	sst s4  }
0xd: {  	[smem:$0x3FAF] =	sst s5  }
0xe: {  	[smem:$0x3FB0] =	sst s6  }
0xf: {  	[smem:$0x3FB1] =	sst s7  }
0x10: {  	[smem:$0x3FB2] =	sst s8  }
0x11: {  	[smem:$0x3FB3] =	sst s9;
	s0 =	simm.s32 @!p0 $0x0  }
0x12: {  	s1 =	sld [smem:$0x3F99];
	s0 =	simm.s32 @p0 $0x1  }
0x13: {  	[smem:$0x3FB4] =	sst s0;
	s0 =	simm.s32 @!p1 $0x0  }
0x14: {  	s2 =	sld [smem:$0x3F98];
	s0 =	simm.s32 @p1 $0x1  }
0x15: {  	[smem:$0x3FB5] =	sst s0;
	s0 =	simm.s32 @!p2 $0x0  }
0x16: {  	s3 =	sld [smem:$0x3FDB];
	s0 =	simm.s32 @p2 $0x1  }
0x17: {  	s4 =	simm.s32 $0x1BF5;
	[smem:$0x3FB7] =	sst s0  }
0x18: {  	s0 =	sld [smem:$0x3F9A];
	_ =	swait.ge [sflag:s4], $0x0  }
0x19: {  	s7 =	sld [smem:$0x3F9B]  }
0x1a: {  	s8 =	sadd.s32 $0xFFFFE003, lr  }
0x1b: {  	s9 =	sadd.s32 $0xFFFFFEF7, lr;
	s5 =	simm.s32 $0xFFFFFFFF;
	p2 =	slt.u32 s8, $0xFFFFF086  }
0x1c: {  	p1 =	slt.u32 s9, $0xF7A;
	s5 =	simm.s32 @!p2 $0x0  }
0x1d: {  	s5 =	simm.s32 @p1 $0x1;
	p0 =	seq.s32 s7, s2  }
0x1e: {  	s7 =	smul.u32 @!p0 $0xF7A, s2;
	p2 =	seq.s32 @!p0 s5, $0x0  }
0x1f: {  	s9 =	smul.u32 $0xF7A, s1;
	s8 =	simm.s32 @!p0 $0x1BF5;
	p2 =	por !p2, p0  }
0x20: {  	[sflag:s8] =	ssyncset.s32 @!p0 $0xFFFFF086;
	s6 =	sadd.s32 @!p0 s3, s7;
	s7 =	simm.s32 @!p0 $0x108  }
0x21: {  	s3 =	sadd.s32 s3, s9;
	s6 =	sadd.s32 @!p0 $0x88, s6;
	s7 =	simm.s32 @p2 $0x1082  }
0x22: {  	[simem:s7], [sflag:s8] =	dma.local @!p0 [hbm:s6], $0xF7A  }
0x23: {  	s9 =	sor.u32 $0xD0000000, s2;
	s6 =	simm.s32 $0x108;
	_ =	swait.ge @!p0 [sflag:s8], $0x0  }
0x24: {  	s3 =	sadd.s32 $0x88, s3;
	s6 =	simm.s32 @!p1 $0x1082;
	[sflag:s4] =	ssyncset.s32 $0xFFFFF086  }
0x25: {  	[simem:s6], [sflag:s4] =	dma.local [hbm:s3], $0xF7A  }
0x26: {  	[smem:$0x3F9B] =	sst s1;
	(tag) =	ssettag s2;
	_ =	strace s9  }
0x27: {  	s1 =	sld [smem:$0x3FAB]  }
0x28: {  	s2 =	sld [smem:$0x3FAC]  }
0x29: {  	s4 =	sld [smem:$0x3FAE]  }
0x2a: {  	p0 =	seq.s32 s5, $0x0;
	s5 =	sld [smem:$0x3FAF]  }
0x2b: {  	s6 =	sld [smem:$0x3FB0]  }
0x2c: {  	s7 =	sld [smem:$0x3FB1]  }
0x2d: {  	s3 =	simm.s32 $0x108;
	s8 =	sld [smem:$0x3FB2]  }
0x2e: {  	s3 =	simm.s32 @!p0 $0x1082;
	s9 =	sld [smem:$0x3FB3]  }
0x2f: {  	lr =	sadd.s32 s0, s3;
	s0 =	sld [smem:$0x3FAA]  }
0x30: {  	s3 =	sld [smem:$0x3FAD]  }
0x31: {  	[smem:$0x3FB6] =	sst s10  }
0x32: {  	s10 =	sld [smem:$0x3FB4];
	_ =	sdelay $0x3  }
0x33: {  	p0 =	seq.s32 s10, $0x1;
	s10 =	sld [smem:$0x3FB6];
	_ =	sdelay $0x3  }
0x34: {  	[smem:$0x3FB6] =	sst s10  }
0x35: {  	s10 =	sld [smem:$0x3FB5];
	_ =	sdelay $0x3  }
0x36: {  	p1 =	seq.s32 s10, $0x1;
	s10 =	sld [smem:$0x3FB6];
	_ =	sdelay $0x3  }
0x37: {  	[smem:$0x3FB6] =	sst s10  }
0x38: {  	s10 =	sld [smem:$0x3FB7]  }
0x39: {  	_ = 	snop;
	(pc) =	sbr.ind lr, $3  }
0x3a: {  	_ = 	snop  }
0x3b: {  	_ = 	snop  }
0x3c: {  	p2 =	seq.s32 s10, $0x1;
	s10 =	sld [smem:$0x3FB6]  }
0x3d: {  	_ =	shalt  }
0x3e: {  	_ =	shalt  }
0x3f: {  	_ =	shalt  }
0x40: {  	_ =	shalt  }
0x41: {  	_ =	shalt  }
0x42: {  	_ =	shalt  }
0x43: {  	_ =	shalt  }
0x44: {  	_ =	shalt  }
0x45: {  	_ =	shalt  }
0x46: {  	_ =	shalt  }
0x47: {  	_ =	shalt  }
0x48: {  	_ =	shalt  }
0x49: {  	_ =	shalt  }
0x4a: {  	_ =	shalt  }
0x4b: {  	_ =	shalt  }
0x4c: {  	_ =	shalt  }
0x4d: {  	_ =	shalt  }
0x4e: {  	_ =	shalt  }
0x4f: {  	_ =	shalt  }
0x50: {  	_ =	shalt  }
0x51: {  	_ =	shalt  }
0x52: {  	_ =	shalt  }
0x53: {  	_ =	shalt  }
0x54: {  	_ =	shalt  }
0x55: {  	_ =	shalt  }
0x56: {  	_ =	shalt  }
0x57: {  	_ =	shalt  }
0x58: {  	_ =	shalt  }
0x59: {  	_ =	shalt  }
0x5a: {  	_ =	shalt  }
0x5b: {  	_ =	shalt  }
0x5c: {  	_ =	shalt  }
0x5d: {  	_ =	shalt  }
0x5e: {  	_ =	shalt  }
0x5f: {  	_ =	shalt  }
0x60: {  	_ =	shalt  }
0x61: {  	_ =	shalt  }
0x62: {  	_ =	shalt  }
0x63: {  	_ =	shalt  }
0x64: {  	_ =	shalt  }
0x65: {  	_ =	shalt  }
0x66: {  	_ =	shalt  }
0x67: {  	_ =	shalt  }
0x68: {  	_ =	shalt  }
0x69: {  	_ =	shalt  }
0x6a: {  	_ =	shalt  }
0x6b: {  	_ =	shalt  }
0x6c: {  	_ =	shalt  }
0x6d: {  	_ =	shalt  }
0x6e: {  	_ =	shalt  }
0x6f: {  	_ =	shalt  }
0x70: {  	_ =	shalt  }
0x71: {  	_ =	shalt  }
0x72: {  	_ =	shalt  }
0x73: {  	_ =	shalt  }
0x74: {  	_ =	shalt  }
0x75: {  	_ =	shalt  }
0x76: {  	_ =	shalt  }
0x77: {  	_ =	shalt  }
0x78: {  	_ =	shalt  }
0x79: {  	_ =	shalt  }
0x7a: {  	_ =	shalt  }
0x7b: {  	_ =	shalt  }
0x7c: {  	_ =	shalt  }
0x7d: {  	_ =	shalt  }
0x7e: {  	_ =	shalt  }
0x7f: {  	_ =	shalt  }
0x80: {  	_ =	shalt  }
0x81: {  	_ =	shalt  }
0x82: {  	_ =	shalt  }
0x83: {  	_ =	shalt  }
0x84: {  	_ =	shalt  }
0x85: {  	_ =	shalt  }
0x86: {  	_ =	shalt  }
0x87: {  	_ =	shalt  }
.Lfunc_end0:
.L_simem_size_0:
called_computation_lowered:
.L_overlay_start_0:
0x88: {  	s2 =	sld [smem:$0x3FD9]  }
0x89: {  	s3 =	sld [smem:$0x3FFE];
	_ =	sdelay $0x1  }
0x8a: {  	s1 =	srdreg.scid  }
0x8b: {  	s0 =	sand.u32 $0x1, s1  }
0x8c: {  	s17 =	sshll.u32 s0, $0xA;
	s2 =	sadd.s32 s3, s2  }
0x8d: {  	s2 =	sadd.s32 s2, s17  }
0x8e: {  	[smem:$0x3FC2] =	sst s2  }
0x8f: {  	_ = 	snop  }
0x90: {  	s2 =	sld [smem:$0x3FD0];
	(tm) =	ssettm $0x1  }
0x91: {  	s18 =	sld [smem:$0x3FFB];
	_ =	sdelay $0x3  }
0x92: {  	_ =	strace s18  }
0x93: {  	s3 =	sld [smem:$0x3FFC];
	_ =	sdelay $0x3  }
0x94: {  	_ =	strace s3  }
0x95: {  	s3 =	sld [smem:$0x3FFD];
	_ =	sdelay $0x3  }
0x96: {  	_ =	strace s3  }
0x97: {  	_ =	strace $0x8FFFFFFF  }
0x98: {  	s19 =	sld [smem:$0x3FDB];
	_ =	sdelay $0x1  }
0x99: {  	s4 =	simm.s32 $_scs_section_size  }
0x9a: {  	s5 =	simm.s32 $_size__tile_overlayer_lowered;
	s6 =	simm.s32 $_tile_overlayer_lowered  }
0x9b: {  	s22 =	simm.s32 $0x1BFF;
	s21 =	sshll.u32 s6, $0x1;
	s3 =	sadd.s32 s4, s19  }
0x9c: {  	s7 =	simm.s32 $0x0;
	s20 =	sshll.u32 s5, $0x1;
	s5 =	sadd.s32 s21, s3  }
0x9d: {  	[timem:s7], [sflag:s22] =	dma.local [hbm:s5], s20  }
0x9e: {  	_ =	swait.ge [sflag:s22], s20  }
0x9f: {  	s4 =	ssub.s32 $0x0, s20;
	[sflag:s22] =	ssyncset.done $0x0  }
0xa0: {  	[sflag:s22] =	ssyncadd.s32 s4;
	_ =	sdelay $0x1  }
0xa1: {  	s23 =	simm.s32 $0x1B8B  }
0xa2: {  	_ =	swait.ge [sflag:s23], $0x1  }
0xa3: {  	[sflag:s23] =	ssyncset.done $0x0  }
0xa4: {  	s25 =	simm.s32 $0x1B8E;
	s24 =	sld [smem:$0x3FFE];
	[sflag:s23] =	ssyncadd.s32 $0xFFFFFFFF  }
0xa5: {  	s26 =	simm.s32 $execute0_lowered;
	[smem:$0x3FD2] =	sst s25  }
0xa6: {  	s5 =	sshll.u32 s26, $0x1;
	_ =	strace $0x80000046;
	[dreg:$0x1] =	wrdreg $0xFFFFFFFF  }
0xa7: {  	s28 =	simm.s32 $_size_execute0_lowered;
	s3 =	sadd.s32 s3, s5;
	[dreg:$0x0] =	wrdreg $0x0  }
0xa8: {  	s5 =	sshll.u32 s28, $0x1;
	[dreg:$0x2] =	wrdreg s3  }
0xa9: {  	[dreg:$0x3] =	wrdreg s5  }
0xaa: {  	[dreg:$0x4] =	wrdreg $0xC0  }
0xab: {  	_ =	task [dreg:s7], $0x5FFFF  }
0xac: {  	[dreg:$0x1] =	wrdreg $0xFFFFFFFF  }
0xad: {  	[dreg:$0x0] =	wrdreg $0x60  }
0xae: {  	[dreg:$0x2] =	wrdreg s24  }
0xaf: {  	[dreg:$0x3] =	wrdreg s2  }
0xb0: {  	[dreg:$0x4] =	wrdreg $0x4800  }
0xb1: {  	[dreg:$0x5] =	wrdreg $0x9  }
0xb2: {  	_ =	task.clear_ibuf [dreg:s7], $0x6FFFF;
	_ =	strace $0x90000046  }
0xb3: {  	s29 =	simm.s32 $0x9;
	_ =	strace $0x80000048  }
0xb4: {  	_ =	swait.ge [sflag:s29], $0x1  }
0xb5: {  	[sflag:s29] =	ssyncadd.s32 $0xFFFFFFFF  }
0xb6: {  	_ =	strace $0x90000048  }
0xb7: {  	_ =	sfence  }
0xb8: {  	s30 =	sld [smem:$0x0];
	_ =	sdelay $0x2  }
0xb9: {  	s31 =	sshll.u32 s1, $0xD;
	s1 =	sshrl.u32 s1, $0x2  }
0xba: {  	s3 =	sand.u32 $0x4000, s31;
	s1 =	sadd.s32 s1, s30  }
0xbb: {  	s0 =	sor.u32 s3, s0;
	s1 =	sshll.u32 s1, $0x11  }
0xbc: {  	s0 =	sor.u32 s1, s0  }
0xbd: {  	s0 =	sadd.s32 $0x8F2B, s0  }
0xbe: {  	[sflag:s0] =	ssyncadd.remote.s32 $0x1  }
0xbf: {  	_ =	sfence.sel $0xFFFF  }
0xc0: {  	[dreg:$0x0] =	wrdreg $0xFFFFFFFF;
	(pc) =	sbr.abs _section_cstart, $3  }
0xc1: {  	[dreg:$0x1] =	wrdreg $0xFFFFFFFF  }
0xc2: {  	_ =	task.clear_ibuf [dreg:s7], $0x2FFFF;
	_ =	strace $0x9FFFFFFF  }
0xc3: {  	(tm) =	ssettm $0x7FFFFFFF  }
tec
execute0_lowered:
.L_overlay_start_1:
0x0: {  	(tag) =	ssettag $0x1  }
0x1: {  	s0 =	rddreg [dreg:$0x0]  }
0x2: {  	s1 =	rddreg [dreg:$0x1]  }
0x3: {  	s2 =	rddreg [dreg:$0x2];
	s3 =	simm.s32 $0x0;
	s13 =	stileid.u32  }
0x4: {  	s5 =	srdreg.scid;
	s28 =	simm.s32 $0x1;
	s29 =	simm.s32 $0x50  }
0x5: {  	s30 =	simm.s32 $0x2;
	[smem:$0x7FF] =	sst s3;
	s6 =	smul.u32 $0x280, s13  }
0x6: {  	s4 =	sadd.s32 $0x1E00, s0;
	s11 =	sand.u32 $0x1, s5;
	s12 =	smul.u32 $0x500, s13  }
0x7: {  	s8 =	sshll.u32 s13, $0x1;
	s18 =	sshll.u32 s13, $0x6;
	s13 =	smul.u32 $0x4E20, s13  }
0x8: {  	_ =	strace $0x80000047;
	s7 =	ssub.s32 $0x2, s11;
	s8 =	sor.u32 s11, s8  }
0x9: {  	s14 =	smul.u32 $0x2710, s11;
	s15 =	sshrl.u32 s6, $0x3;
	s10 =	sshrl.u32 s7, $0x1  }
0xa: {  	s17 =	smul.u32 $0x2710, s8;
	s19 =	sadd.s32 s6, s2;
	s9 =	sadd.s32 s15, s0  }
0xb: {  	s0 =	sadd.s32 $0x15A00, s0;
	s16 =	ssub.s32 s7, s10;
	s7 =	sor.u32 $0x1C03, s18  }
0xc: {  	s15 =	sshll.u32 s11, $0x7;
	[dreg:$0x4] =	wrdreg s0;
	s20 =	sshrl.u32 s17, $0x3  }
0xd: {  	s6 =	sadd.s32 $0x15C00, s9;
	s15 =	sor.u32 s15, s12;
	s8 =	sadd.s32 s4, s20  }
0xe: {  	s20 =	sadd.s32 s14, s13;
	s21 =	sshrl.u32 s15, $0x3;
	s14 =	smax.u32 s16, $0x1  }
0xf: {  	s9 =	sadd.s32 $0xA, s8;
	s10 =	sadd.s32 $0x14, s8;
	s11 =	sadd.s32 $0x1E, s8  }
0x10: {  	s12 =	sadd.s32 $0x28, s8;
	s22 =	sadd.s32 $0x2D0, s20;
	s13 =	sadd.s32 s1, s21  }
0x11: {  	s24 =	sadd.s32 $0x280, s20;
	s25 =	sadd.s32 $0x230, s20;
	s18 =	sadd.s32 $0x1E0, s20  }
0x12: {  	s31 =	sadd.s32 $0x190, s20;
	s20 =	sshrl.u32 s19, $0x3;
	s21 =	simm.s32 $0x3  }
.Ltmp0:
0x13: {  	s23 =	sshrl.u32 s22, $0x3;
	s0 =	sshrl.u32 s24, $0x3;
	(pc) =	sbr.rel .LBB2_1-.Ltmp0, $4  }
0x14: {  	s1 =	sshrl.u32 s25, $0x3;
	s26 =	sshrl.u32 s18, $0x3;
	s22 =	simm.s32 $0x400  }
0x15: {  	s24 =	simm.s32 $0x100;
	s25 =	simm.s32 $0x180;
	s15 =	sadd.s32 s23, s4  }
0x16: {  	s16 =	sadd.s32 s0, s4;
	s17 =	sadd.s32 s1, s4;
	s18 =	sadd.s32 s26, s4  }
0x17: {  	s23 =	simm.s32 $0x80;
	s26 =	simm.s32 $0x200;
	s1 =	simm.s32 $0x0  }
.LBB2_4:
0x18: {  	s1 =	sadd.s32 $0x1, s1  }
0x19: {  	[bflag:$0x0] =	sbarrier.arrive $0xFFFF;
	p0 =	sne.s32 s1, s14  }
.Ltmp1:
0x1a: {  	s0 =	simm.s32 $0x20;
	s5 =	simm.s32 $0x10;
	(pc) =	sbr.rel @!p0 .LBB2_5-.Ltmp1, $4  }
0x1b: {  	[hbm:s13@s0], [sflag:s7] =	dma.strided [spmem:s20@s5], $0x50, s28, $0x10   }
0x1c: {  	_ =	swait.ge [sflag:s21], $0x50  }
0x1d: {  	[sflag:s21] =	ssyncset.done $0x0  }
0x1e: {  	[sflag:s21] =	ssyncadd.s32 $0xFFFFFFB0  }
.LBB2_1:
0x1f: {  	[spmem:s20], [sflag:s7] =	dma.local [hbm:s6], $0x50  }
0x20: {  	_ =	swait.ge [sflag:s21], $0x50  }
0x21: {  	[sflag:s21] =	ssyncset.done $0x0  }
0x22: {  	s0 =	rddreg [dreg:$0x4];
	[sflag:s21] =	ssyncadd.s32 $0xFFFFFFB0  }
0x23: {  	[tilespmem:s22], [sflag:$0x3] =	stream.linear.gather [hbm4b:s0+s3], $0x80, $0x38;
	[tilespmem:$0x700] =	vst v63  }
0x24: {  	_ =	swait.ge [sflag:s21], $0x80  }
0x25: {  	[sflag:s21] =	ssyncset.done $0x0  }
0x26: {  	[sflag:s21] =	ssyncadd.s32 $0xFFFFFF80  }
0x27: {  	[bflag:$0x0] =	sbarrier.arrive $0xFFFF  }
0x28: {  	[tilespmem:s3], [sflag:$0x1] =	stream.linear.gather [hbm4b:s8+s3], $0x50, $0x38;
	[tilespmem:$0x700] =	vst v63  }
0x29: {  	_ = 	snop  }
0x2a: {  	[tilespmem:s23], [sflag:$0x1] =	stream.linear.gather [hbm4b:s9+s3], $0x50, $0x38;
	[tilespmem:$0x700] =	vst v63  }
0x2b: {  	_ = 	snop  }
0x2c: {  	[tilespmem:s24], [sflag:$0x1] =	stream.linear.gather [hbm4b:s10+s3], $0x50, $0x38;
	[tilespmem:$0x700] =	vst v63  }
0x2d: {  	_ = 	snop  }
0x2e: {  	[tilespmem:s25], [sflag:$0x1] =	stream.linear.gather [hbm4b:s11+s3], $0x50, $0x38;
	[tilespmem:$0x700] =	vst v63  }
0x2f: {  	s19 =	smov.u32 s31;
	s0 =	simm.s32 $0x0  }
0x30: {  	[tilespmem:s26], [sflag:$0x1] =	stream.linear.gather [hbm4b:s12+s3], $0x50, $0x38;
	[tilespmem:$0x700] =	vst v63  }
.LBB2_2:
0x31: {  	_ =	swait.ge [sflag:s28], $0x50  }
0x32: {  	[sflag:s28] =	ssyncset.done $0x0  }
0x33: {  	[sflag:s28] =	ssyncadd.s32 $0xFFFFFFB0  }
0x34: {  	_ =	swait.ge [sflag:s28], $0x50  }
0x35: {  	[sflag:s28] =	ssyncset.done $0x0  }
0x36: {  	[sflag:s28] =	ssyncadd.s32 $0xFFFFFFB0  }
0x37: {  	_ =	swait.ge [sflag:s28], $0x50  }
0x38: {  	[sflag:s28] =	ssyncset.done $0x0  }
0x39: {  	[sflag:s28] =	ssyncadd.s32 $0xFFFFFFB0  }
0x3a: {  	_ =	swait.ge [sflag:s28], $0x50  }
0x3b: {  	[sflag:s28] =	ssyncset.done $0x0  }
0x3c: {  	[sflag:s28] =	ssyncadd.s32 $0xFFFFFFB0  }
0x3d: {  	_ =	swait.ge [sflag:s28], $0x50  }
0x3e: {  	[sflag:s28] =	ssyncset.done $0x0  }
0x3f: {  	[sflag:s28] =	ssyncadd.s32 $0xFFFFFFB0  }
0x40: {  	[spmem:s2] =	stream.indirect.scatter.add.f32 [tilespmem:s22], [sflag:$0x2], $0x1, s3, s29, $0xb8;
	[tilespmem:$0x700] =	vst v63  }
0x41: {  	_ = 	snop  }
0x42: {  	[spmem:s2] =	stream.indirect.scatter.add.f32 [tilespmem:s22], [sflag:$0x2], $0x1, s23, s29, $0xb8;
	[tilespmem:$0x700] =	vst v63  }
0x43: {  	_ = 	snop  }
0x44: {  	[spmem:s2] =	stream.indirect.scatter.add.f32 [tilespmem:s22], [sflag:$0x2], $0x1, s24, s29, $0xb8;
	[tilespmem:$0x700] =	vst v63  }
0x45: {  	_ = 	snop  }
0x46: {  	[spmem:s2] =	stream.indirect.scatter.add.f32 [tilespmem:s22], [sflag:$0x2], $0x1, s25, s29, $0xb8;
	[tilespmem:$0x700] =	vst v63  }
0x47: {  	_ = 	snop  }
0x48: {  	[spmem:s2] =	stream.indirect.scatter.add.f32 [tilespmem:s22], [sflag:$0x2], $0x1, s26, s29, $0xb8;
	[tilespmem:$0x700] =	vst v63  }
0x49: {  	_ =	swait.ge [sflag:s30], $0x50  }
0x4a: {  	[sflag:s30] =	ssyncset.done $0x0  }
0x4b: {  	[sflag:s30] =	ssyncadd.s32 $0xFFFFFFB0  }
0x4c: {  	_ =	swait.ge [sflag:s30], $0x50  }
0x4d: {  	[sflag:s30] =	ssyncset.done $0x0  }
0x4e: {  	[sflag:s30] =	ssyncadd.s32 $0xFFFFFFB0  }
0x4f: {  	_ =	swait.ge [sflag:s30], $0x50  }
0x50: {  	[sflag:s30] =	ssyncset.done $0x0  }
0x51: {  	[sflag:s30] =	ssyncadd.s32 $0xFFFFFFB0  }
0x52: {  	p0 =	seq.s32 s0, $0x4B0;
	_ =	swait.ge [sflag:s30], $0x50  }
.Ltmp2:
0x53: {  	[sflag:s30] =	ssyncset.done $0x0;
	(pc) =	sbr.rel @p0 .LBB2_4-.Ltmp2, $4  }
0x54: {  	[sflag:s30] =	ssyncadd.s32 $0xFFFFFFB0  }
0x55: {  	_ =	swait.ge [sflag:s30], $0x50  }
0x56: {  	[sflag:s30] =	ssyncset.done $0x0  }
0x57: {  	[sflag:s30] =	ssyncadd.s32 $0xFFFFFFB0  }
0x58: {  	s5 =	sshrl.u32 s19, $0x3  }
0x59: {  	s5 =	sadd.s32 s4, s5  }
0x5a: {  	[tilespmem:s3], [sflag:$0x1] =	stream.linear.gather [hbm4b:s5+s3], $0x50, $0x38;
	[tilespmem:$0x700] =	vst v63  }
0x5b: {  	s5 =	sadd.s32 s0, s18  }
0x5c: {  	[tilespmem:s23], [sflag:$0x1] =	stream.linear.gather [hbm4b:s5+s3], $0x50, $0x38;
	[tilespmem:$0x700] =	vst v63  }
0x5d: {  	s5 =	sadd.s32 s0, s17  }
0x5e: {  	[tilespmem:s24], [sflag:$0x1] =	stream.linear.gather [hbm4b:s5+s3], $0x50, $0x38;
	[tilespmem:$0x700] =	vst v63  }
.Ltmp3:
0x5f: {  	_ = 	snop;
	(pc) =	sbr.rel .LBB2_2-.Ltmp3, $4  }
0x60: {  	s5 =	sadd.s32 s0, s16  }
0x61: {  	[tilespmem:s25], [sflag:$0x1] =	stream.linear.gather [hbm4b:s5+s3], $0x50, $0x38;
	[tilespmem:$0x700] =	vst v63  }
0x62: {  	s19 =	sadd.s32 $0x190, s19;
	s5 =	sadd.s32 s0, s15;
	s0 =	sadd.s32 $0x32, s0  }
0x63: {  	[tilespmem:s26], [sflag:$0x1] =	stream.linear.gather [hbm4b:s5+s3], $0x50, $0x38;
	[tilespmem:$0x700] =	vst v63  }
.LBB2_5:
0x64: {  	_ =	sfence.sel $0x180000  }
0x65: {  	[bflag:$0x0] =	sbarrier.arrive $0xFFFF  }
0x66: {  	_ =	strace $0x90000047  }
0x67: {  	s0 =	stileid.u32;
	[bflag:$0x2] =	sbarrier.arrive $0xFFFF  }
0x68: {  	p0 =	sne.s32 s0, $0x0;
	s0 =	rddreg [dreg:$0x3]  }
0x69: {  	s0 =	sadd.s32 @!p0 $0x100000, s0  }
0x6a: {  	[sflag:s0] =	ssyncadd.tile.s32 @!p0 $0x1;
	_ =	shalt  }
.Lfunc_end2:
_tile_overlayer_lowered:
.L_overlay_start_2:
0x6b: {  	(tag) =	ssettag $0x2  }
0x6c: {  	s0 =	rddreg [dreg:$0x0];
	s2 =	stileid.u32  }
0x6d: {  	s1 =	rddreg [dreg:$0x1];
	p0 =	sne.s32 s2, $0x0  }
0x6e: {  	s3 =	rddreg [dreg:$0x2];
	[bflag:$0x3] =	sbarrier.arrive $0xFFFF;
	s2 =	simm.s32 @!p0 $0x1C03  }
0x6f: {  	[timem:s3], [sflag:s2] =	dma.local @!p0 [hbm:s0], s1  }
0x70: {  	s0 =	simm.s32 @!p0 $0x3  }
0x71: {  	_ =	swait.ge @!p0 [sflag:s0], s1  }
0x72: {  	s1 =	ssub.s32 @!p0 $0x0, s1;
	[sflag:s0] =	ssyncset.done @!p0 $0x0  }
0x73: {  	[sflag:s0] =	ssyncadd.s32 @!p0 s1  }
0x74: {  	[bflag:$0x3] =	sbarrier.arrive $0xFFFF  }
0x75: {  	_ =	shalt  }

</sc_bundles>
